<compile_context>
chip_gen: v7x
topology: tpu7x:2x2x1
jax: 0.10.2.dev20260603
libtpu: 0.0.44.dev20260713+nightly
codegen_flags: <defaults>
</compile_context>

<pallas_src>
import functools

import jax
import jax.numpy as jnp
from jax import lax
from jax.experimental import pallas as pl
from jax.experimental.pallas import tpu as pltpu
from jax.experimental.pallas import tpu_sc as plsc

_N = 10000
_E = 640000
_D = 128
_H = 64
_G = 64

_NW = 32
_CH = 128
_SLAB = 32
_NSL = 5
_NCH = _SLAB * _NSL
_EPW = _CH * _NCH
_EPAD = _NW * _EPW
_RPT = 640
_NP = 16 * _RPT
_DUMMY = _N

_NB = 10
_R = _N // _NB
_EPS = 1e-5
_PREC = lax.Precision.HIGHEST


def _seg_sum_sc(dh):
    che = 8192 // dh
    nsl = _EPW // (_SLAB * che)
    mesh = plsc.VectorSubcoreMesh(core_axis_name="c", subcore_axis_name="s")

    @functools.partial(
        pl.kernel,
        out_type=jax.ShapeDtypeStruct((2, _NP, dh), jnp.float32),
        mesh=mesh,
        compiler_params=pltpu.CompilerParams(use_tc_tiling_on_sc=False),
        scratch_types=[
            pltpu.VMEM((_SLAB, che), jnp.int32),
            pltpu.VMEM((_SLAB, che), jnp.int32),
            pltpu.VMEM((4, che, dh), jnp.float32),
            pltpu.VMEM_SHARED((_NP, dh), jnp.float32),
            pltpu.VMEM_SHARED((_N, dh), jnp.float32),
            pltpu.SemaphoreType.DMA,
            pltpu.SemaphoreType.DMA,
            pltpu.SemaphoreType.DMA,
            pltpu.SemaphoreType.DMA,
            pltpu.SemaphoreType.DMA,
            pltpu.SemaphoreType.DMA,
            pltpu.SemaphoreType.DMA,
            pltpu.SemaphoreType.DMA,
        ],
    )
    def k(h_hbm, src_hbm, dst_hbm, z_hbm, out_hbm, src_v, dst_v, rows_v,
          agg_sh, tab_sh, g0, g1, g2, g3, s0, s1, s2, s3):
        sg = [g0, g1, g2, g3]
        ss = [s0, s1, s2, s3]
        c = lax.axis_index("c")
        s = lax.axis_index("s")
        wid = s * 2 + c
        zc = pltpu.make_async_copy(
            z_hbm, agg_sh.at[pl.ds(s * _RPT, _RPT)], sg[0])
        tc = pltpu.make_async_copy(
            h_hbm.at[pl.ds(s * (_N // 16), _N // 16)],
            tab_sh.at[pl.ds(s * (_N // 16), _N // 16)], sg[1])
        zc.start()
        tc.start()
        zc.wait()
        tc.wait()
        plsc.subcore_barrier()

        def gather(j, kk):
            return pltpu.make_async_copy(
                tab_sh.at[src_v.at[j]], rows_v.at[kk], sg[kk])

        def scatter(j, kk):
            return pltpu.make_async_copy(
                rows_v.at[kk], agg_sh.at[dst_v.at[j]], ss[kk])

        def slab(t, carry):
            pltpu.sync_copy(src_hbm.at[wid, pl.ds(t * _SLAB, _SLAB)], src_v)
            pltpu.sync_copy(dst_hbm.at[wid, pl.ds(t * _SLAB, _SLAB)], dst_v)
            for kk in range(4):
                gather(kk, kk).start()

            def grp(q, carry2):
                for kk in range(4):
                    gather(4 * q + kk, kk).wait()
                    scatter(4 * q + kk, kk).start(add=True)
                for kk in range(4):
                    scatter(4 * q + kk, kk).wait()
                    gather(4 * (q + 1) + kk, kk).start()
                return carry2

            lax.fori_loop(0, _SLAB // 4 - 1, grp, carry)
            last = _SLAB - 4
            for kk in range(4):
                gather(last + kk, kk).wait()
                scatter(last + kk, kk).start(add=True)
            for kk in range(4):
                scatter(last + kk, kk).wait()
            return carry

        lax.fori_loop(0, nsl, slab, 0)
        plsc.subcore_barrier()
        pltpu.sync_copy(agg_sh.at[pl.ds(s * _RPT, _RPT)],
                        out_hbm.at[c, pl.ds(s * _RPT, _RPT)])

    return k, che




def _bn_cols(hp, gamma, beta):
    mean = jnp.sum(hp, axis=0, keepdims=True) * (1.0 / _N)
    var = jnp.sum(hp * hp, axis=0, keepdims=True) * (1.0 / _N) - mean * mean
    scale = gamma * lax.rsqrt(var + _EPS)
    return hp * scale + (beta - mean * scale)


def _pre1(x, W):

    def body(x_ref, W_ref, y_ref):
        y_ref[...] = jnp.dot(x_ref[...], W_ref[...], precision=_PREC,
                             preferred_element_type=jnp.float32)

    return pl.pallas_call(
        body,
        out_shape=jax.ShapeDtypeStruct((_N, _H), jnp.float32),
    )(x, W)


def _dense(y, a0, a1, p, W1n, res):
    has_res = res is not None

    def body(*refs):
        (y_ref, a0_ref, a1_ref, b1_ref, g1_ref, be1_ref, W2_ref, b2_ref,
         g2_ref, be2_ref, W1n_ref) = refs[:11]
        rest = refs[11:]
        if has_res:
            r_ref = rest[0]
            rest = rest[1:]
        h_ref, yn_ref = rest
        hp = y_ref[...] + a0_ref[...] + a1_ref[...] + b1_ref[...]
        r1 = jnp.maximum(_bn_cols(hp, g1_ref[...], be1_ref[...]), 0.0)
        hp2 = jnp.dot(r1, W2_ref[...], precision=_PREC,
                      preferred_element_type=jnp.float32) + b2_ref[...]
        h = jnp.maximum(_bn_cols(hp2, g2_ref[...], be2_ref[...]), 0.0)
        if has_res:
            h = h + r_ref[...]
        h_ref[...] = h
        yn_ref[...] = jnp.dot(h, W1n_ref[...], precision=_PREC,
                              preferred_element_type=jnp.float32)

    args = [y, a0, a1, p['b1'].reshape(1, -1), p['g1'].reshape(1, -1),
            p['be1'].reshape(1, -1), p['W2'], p['b2'].reshape(1, -1),
            p['g2'].reshape(1, -1), p['be2'].reshape(1, -1), W1n]
    if has_res:
        args.append(res)

    return pl.pallas_call(
        body,
        out_shape=[
            jax.ShapeDtypeStruct((_N, _H), jnp.float32),
            jax.ShapeDtypeStruct((_N, _H), jnp.float32),
        ],
    )(*args)


def _final(y, a0, a1, p, res, batch_f, hp):
    names = ['head_color', 'head_size', 'head_ground', 'head_struct']
    douts = [16, 16, 8, 32]

    def body(*refs):
        (y_ref, a0_ref, a1_ref, b1_ref, g1_ref, be1_ref, W2_ref, b2_ref,
         g2_ref, be2_ref, r_ref, bat_ref) = refs[:12]
        hrefs = refs[12:12 + 4 * len(names)]
        outs = refs[12 + 4 * len(names):]
        hp_ = y_ref[...] + a0_ref[...] + a1_ref[...] + b1_ref[...]
        r1 = jnp.maximum(_bn_cols(hp_, g1_ref[...], be1_ref[...]), 0.0)
        hp2 = jnp.dot(r1, W2_ref[...], precision=_PREC,
                      preferred_element_type=jnp.float32) + b2_ref[...]
        h = jnp.maximum(_bn_cols(hp2, g2_ref[...], be2_ref[...]), 0.0)
        h = h + r_ref[...]
        seg = lax.broadcasted_iota(jnp.int32, (_N, _G), 1).astype(jnp.float32)
        onehot = jnp.where(bat_ref[...] == seg, 1.0, 0.0)
        g = lax.dot_general(onehot, h, (((0,), (0,)), ((), ())),
                            precision=_PREC,
                            preferred_element_type=jnp.float32)
        for n in range(len(names)):
            W1, b1, W2, b2 = hrefs[4 * n:4 * (n + 1)]
            rr = jnp.maximum(
                jnp.dot(g, W1[...], precision=_PREC,
                        preferred_element_type=jnp.float32) + b1[...], 0.0)
            z = jnp.dot(rr, W2[...], precision=_PREC,
                        preferred_element_type=jnp.float32) + b2[...]
            nrm = jnp.sqrt(jnp.sum(z * z, axis=1, keepdims=True))
            outs[n][...] = z / jnp.maximum(nrm, 1e-12)

    args = [y, a0, a1, p['b1'].reshape(1, -1), p['g1'].reshape(1, -1),
            p['be1'].reshape(1, -1), p['W2'], p['b2'].reshape(1, -1),
            p['g2'].reshape(1, -1), p['be2'].reshape(1, -1), res, batch_f]
    for n in names:
        q = hp[n]
        args += [q['W1'], q['b1'].reshape(1, -1), q['W2'],
                 q['b2'].reshape(1, -1)]

    return pl.pallas_call(
        body,
        out_shape=[jax.ShapeDtypeStruct((_G, d), jnp.float32) for d in douts],
    )(*args)


def kernel(x, edge_index, batch, params):
    src = edge_index[0]
    dst = edge_index[1]
    npad = _EPW - _E // _NW
    dummy_dst = jnp.broadcast_to(
        _DUMMY + (jnp.arange(npad, dtype=jnp.int32) % (_NP - _N)),
        (_NW, npad))
    pad_src = jnp.concatenate(
        [src.reshape(_NW, _E // _NW),
         jnp.zeros((_NW, npad), jnp.int32)], axis=1)
    pad_dst = jnp.concatenate(
        [dst.reshape(_NW, _E // _NW), dummy_dst], axis=1)
    zblk = jnp.zeros((_RPT, _H), jnp.float32)
    batch_f = batch.astype(jnp.float32).reshape(_N, 1)

    seg, che = _seg_sum_sc(_H)
    srcp = pad_src.reshape(_NW, _EPW // che, che)
    dstp = pad_dst.reshape(_NW, _EPW // che, che)

    def agg2(y):
        agg = seg(y, srcp, dstp, zblk)
        a0 = lax.slice(agg, (0, 0, 0), (1, _N, _H)).reshape(_N, _H)
        a1 = lax.slice(agg, (1, 0, 0), (2, _N, _H)).reshape(_N, _H)
        return a0, a1

    y1 = _pre1(x, params['conv1']['W1'])
    a0, a1 = agg2(y1)
    h1, y2 = _dense(y1, a0, a1, params['conv1'], params['conv2']['W1'], None)
    a0, a1 = agg2(y2)
    h2, y3 = _dense(y2, a0, a1, params['conv2'], params['conv3']['W1'], h1)
    a0, a1 = agg2(y3)
    return _final(y3, a0, a1, params['conv3'], h2, batch_f, params)

# --- scband reference (transcript-rebuilt; emitter-appended) ---
"""Pipeline reference for scband-zendo-net-13134009991819 (READ-ONLY COPY).

The authoritative reference and input builder live on the scoring server;
editing this copy changes nothing except your own understanding.
"""

import jax, jax.numpy as jnp
import numpy as np

N = 10000
E = 640000
D = 128
H = 64
G = 64


def _glorot(key, shape):
    fan_in, fan_out = shape
    lim = (6.0 / (fan_in + fan_out)) ** 0.5
    return jax.random.uniform(key, shape, minval=-lim, maxval=lim, dtype=jnp.float32)


def _mlp_params(key, din, dh, dout):
    k1, k2 = jax.random.split(key)
    return {
        'W1': _glorot(k1, (din, dh)), 'b1': jnp.zeros((dh,), jnp.float32),
        'g1': jnp.ones((dh,), jnp.float32), 'be1': jnp.zeros((dh,), jnp.float32),
        'W2': _glorot(k2, (dh, dout)), 'b2': jnp.zeros((dout,), jnp.float32),
        'g2': jnp.ones((dout,), jnp.float32), 'be2': jnp.zeros((dout,), jnp.float32),
    }


def _head_params(key, din, dh, dout):
    k1, k2 = jax.random.split(key)
    return {
        'W1': _glorot(k1, (din, dh)), 'b1': jnp.zeros((dh,), jnp.float32),
        'W2': _glorot(k2, (dh, dout)), 'b2': jnp.zeros((dout,), jnp.float32),
    }


def setup_inputs(seed: int = 0):
    key = jax.random.key(seed)
    ks = jax.random.split(key, 10)
    x = jax.random.normal(ks[0], (N, D), dtype=jnp.float32)
    edge_index = jax.random.randint(ks[1], (2, E), 0, N, dtype=jnp.int32)
    batch = jnp.sort(jax.random.randint(ks[2], (N,), 0, G, dtype=jnp.int32))
    params = {
        'conv1': _mlp_params(ks[3], D, H, H),
        'conv2': _mlp_params(ks[4], H, H, H),
        'conv3': _mlp_params(ks[5], H, H, H),
        'head_color': _head_params(ks[6], H, 32, 16),
        'head_size': _head_params(ks[7], H, 32, 16),
        'head_ground': _head_params(ks[8], H, 16, 8),
        'head_struct': _head_params(ks[9], H, 64, 32),
    }
    return {'x': x, 'edge_index': edge_index, 'batch': batch, 'params': params}


def _bn(h, gamma, beta, eps=1e-5):
    mean = h.mean(axis=0)
    var = h.var(axis=0)
    return gamma * (h - mean) / jnp.sqrt(var + eps) + beta


def _gin(x, src, dst, p):
    agg = jax.ops.segment_sum(x[src], dst, num_segments=N)
    h = x + agg  # (1 + eps) * x with eps = 0
    h = jax.nn.relu(_bn(h @ p['W1'] + p['b1'], p['g1'], p['be1']))
    h = jax.nn.relu(_bn(h @ p['W2'] + p['b2'], p['g2'], p['be2']))
    return h


def _l2norm(z, eps=1e-12):
    n = jnp.sqrt(jnp.sum(z * z, axis=1, keepdims=True))
    return z / jnp.maximum(n, eps)


def _head(g, p):
    return _l2norm(jax.nn.relu(g @ p['W1'] + p['b1']) @ p['W2'] + p['b2'])


def reference(x, edge_index, batch, params):
    src, dst = edge_index[0], edge_index[1]
    h = _gin(x, src, dst, params['conv1'])
    h = h + _gin(h, src, dst, params['conv2'])
    h = h + _gin(h, src, dst, params['conv3'])
    g = jax.ops.segment_sum(h, batch, num_segments=G)
    z_c = _head(g, params['head_color'])
    z_s = _head(g, params['head_size'])
    z_g = _head(g, params['head_ground'])
    z_t = _head(g, params['head_struct'])
    return (z_c, z_s, z_g, z_t)

if __name__ == "__main__":
    import jax
    _d = setup_inputs()
    print(jax.jit(kernel)(*tuple(_d.values())))

</pallas_src>

<mosaic_0001>
#map = affine_map<(d0, d1) -> (0, 0)>
#map1 = affine_map<(d0, d1) -> (0, 0, 0)>
module attributes {stable_mosaic.version = 14 : i64} {
  func.func @k(%arg0: i32, %arg1: i32, %arg2: memref<10000x64xf32, #tpu.memory_space<hbm>>, %arg3: memref<32x160x128xi32, #tpu.memory_space<hbm>>, %arg4: memref<32x160x128xi32, #tpu.memory_space<hbm>>, %arg5: memref<640x64xf32, #tpu.memory_space<hbm>>, %arg6: memref<2x10240x64xf32, #tpu.memory_space<hbm>>, %arg7: memref<32x128xi32, #tpu.memory_space<vmem>>, %arg8: memref<32x128xi32, #tpu.memory_space<vmem>>, %arg9: memref<4x128x64xf32, #tpu.memory_space<vmem>>, %arg10: memref<10240x64xf32, #tpu.memory_space<vmem_shared>>, %arg11: memref<10000x64xf32, #tpu.memory_space<vmem_shared>>, %arg12: memref<!tpu.dma_semaphore, #tpu.memory_space<semaphore_mem>>, %arg13: memref<!tpu.dma_semaphore, #tpu.memory_space<semaphore_mem>>, %arg14: memref<!tpu.dma_semaphore, #tpu.memory_space<semaphore_mem>>, %arg15: memref<!tpu.dma_semaphore, #tpu.memory_space<semaphore_mem>>, %arg16: memref<!tpu.dma_semaphore, #tpu.memory_space<semaphore_mem>>, %arg17: memref<!tpu.dma_semaphore, #tpu.memory_space<semaphore_mem>>, %arg18: memref<!tpu.dma_semaphore, #tpu.memory_space<semaphore_mem>>, %arg19: memref<!tpu.dma_semaphore, #tpu.memory_space<semaphore_mem>>) attributes {dimension_semantics = [#tpu.dimension_semantics<core_parallel>, #tpu.dimension_semantics<subcore_parallel>], iteration_bounds = array<i64: 2, 16>, scalar_prefetch = 0 : i64, scratch_operands = 13 : i64, tpu.core_type = #tpu.core_type<sc_vector_subcore>, window_params = [{transform_indices = #map}, {transform_indices = #map1}, {transform_indices = #map1}, {transform_indices = #map}, {transform_indices = #map1}]} {
    %mul3A = arith.constant 2 : i32
    %mul3A_0 = arith.muli %arg1, %mul3A : i32
    %add3A = arith.addi %mul3A_0, %arg0 : i32
    %mul3A_1 = arith.constant 640 : i32
    %mul3A_2 = arith.muli %arg1, %mul3A_1 : i32
    %mul3A_3 = arith.constant 625 : i32
    %mul3A_4 = arith.muli %arg1, %mul3A_3 : i32
    %mul3A_5 = arith.constant 625 : i32
    %mul3A_6 = arith.muli %arg1, %mul3A_5 : i32
    %dma_start3A = arith.constant 0 : i32
    %dma_start3A_7 = tpu.memref_slice %arg10[%mul3A_2, %dma_start3A] : memref<10240x64xf32, #tpu.memory_space<vmem_shared>> -> memref<640x64xf32, #tpu.memory_space<vmem_shared>>
    tpu.enqueue_dma source(%arg5 : memref<640x64xf32, #tpu.memory_space<hbm>>) target(%dma_start3A_7 : memref<640x64xf32, #tpu.memory_space<vmem_shared>>) target_semaphore(%arg12 : memref<!tpu.dma_semaphore, #tpu.memory_space<semaphore_mem>>)
    %dma_start3A_8 = arith.constant 0 : i32
    %dma_start3A_9 = tpu.memref_slice %arg11[%mul3A_6, %dma_start3A_8] : memref<10000x64xf32, #tpu.memory_space<vmem_shared>> -> memref<625x64xf32, #tpu.memory_space<vmem_shared>>
    %dma_start3A_10 = arith.constant 0 : i32
    %dma_start3A_11 = tpu.memref_slice %arg2[%mul3A_4, %dma_start3A_10] : memref<10000x64xf32, #tpu.memory_space<hbm>> -> memref<625x64xf32, #tpu.memory_space<hbm>>
    tpu.enqueue_dma source(%dma_start3A_11 : memref<625x64xf32, #tpu.memory_space<hbm>>) target(%dma_start3A_9 : memref<625x64xf32, #tpu.memory_space<vmem_shared>>) target_semaphore(%arg13 : memref<!tpu.dma_semaphore, #tpu.memory_space<semaphore_mem>>)
    %dma_wait3A = arith.constant 0 : i32
    %dma_wait3A_12 = tpu.memref_slice %arg10[%mul3A_2, %dma_wait3A] : memref<10240x64xf32, #tpu.memory_space<vmem_shared>> -> memref<640x64xf32, #tpu.memory_space<vmem_shared>>
    tpu.wait_dma2 semaphore(%arg12 : memref<!tpu.dma_semaphore, #tpu.memory_space<semaphore_mem>>) src(%arg5 : memref<640x64xf32, #tpu.memory_space<hbm>>) dst(%dma_wait3A_12 : memref<640x64xf32, #tpu.memory_space<vmem_shared>>)
    %dma_wait3A_13 = arith.constant 0 : i32
    %dma_wait3A_14 = tpu.memref_slice %arg11[%mul3A_6, %dma_wait3A_13] : memref<10000x64xf32, #tpu.memory_space<vmem_shared>> -> memref<625x64xf32, #tpu.memory_space<vmem_shared>>
    %dma_wait3A_15 = arith.constant 0 : i32
    %dma_wait3A_16 = tpu.memref_slice %arg2[%mul3A_4, %dma_wait3A_15] : memref<10000x64xf32, #tpu.memory_space<hbm>> -> memref<625x64xf32, #tpu.memory_space<hbm>>
    tpu.wait_dma2 semaphore(%arg13 : memref<!tpu.dma_semaphore, #tpu.memory_space<semaphore_mem>>) src(%dma_wait3A_16 : memref<625x64xf32, #tpu.memory_space<hbm>>) dst(%dma_wait3A_14 : memref<625x64xf32, #tpu.memory_space<vmem_shared>>)
    %barrier3A = arith.constant 0 : index
    tpu.barrier barrier_id(%barrier3A)
    %scan3A = arith.constant 0 : i32
    %scan3A_17 = arith.constant 0 : i32
    %scan3A_18 = arith.constant 5 : i32
    %scan3A_19 = arith.addi %scan3A_17, %scan3A_18 : i32
    %scan3A_20 = arith.constant 1 : i32
    scf.for %scan3A_27 = %scan3A_17 to %scan3A_19 step %scan3A_20  : i32 {
      %mul3A_28 = arith.constant 32 : i32
      %mul3A_29 = arith.muli %scan3A_27, %mul3A_28 : i32
      "tpu.region"() ({
        %run_scoped3A = tpu.sem_alloc : memref<!tpu.dma_semaphore, #tpu.memory_space<semaphore_mem>>
        %dma_start3A_229 = arith.constant 0 : i32
        %dma_start3A_230 = tpu.memref_slice %arg3[%add3A, %mul3A_29, %dma_start3A_229] : memref<32x160x128xi32, #tpu.memory_space<hbm>> -> memref<1x32x128xi32, #tpu.memory_space<hbm>>
        %dma_start3A_231 = tpu.memref_squeeze %dma_start3A_230 : memref<1x32x128xi32, #tpu.memory_space<hbm>> -> memref<32x128xi32, #tpu.memory_space<hbm>>
        %dma_start3A_232 = arith.constant 0 : i32
        %dma_start3A_233 = tpu.memref_slice %arg3[%add3A, %mul3A_29, %dma_start3A_232] : memref<32x160x128xi32, #tpu.memory_space<hbm>> -> memref<1x32x128xi32, #tpu.memory_space<hbm>>
        %dma_start3A_234 = tpu.memref_squeeze %dma_start3A_233 : memref<1x32x128xi32, #tpu.memory_space<hbm>> -> memref<32x128xi32, #tpu.memory_space<hbm>>
        tpu.enqueue_dma source(%dma_start3A_234 : memref<32x128xi32, #tpu.memory_space<hbm>>) target(%arg7 : memref<32x128xi32, #tpu.memory_space<vmem>>) target_semaphore(%run_scoped3A : memref<!tpu.dma_semaphore, #tpu.memory_space<semaphore_mem>>)
        %dma_wait3A_235 = arith.constant 0 : i32
        %dma_wait3A_236 = tpu.memref_slice %arg3[%add3A, %mul3A_29, %dma_wait3A_235] : memref<32x160x128xi32, #tpu.memory_space<hbm>> -> memref<1x32x128xi32, #tpu.memory_space<hbm>>
        %dma_wait3A_237 = tpu.memref_squeeze %dma_wait3A_236 : memref<1x32x128xi32, #tpu.memory_space<hbm>> -> memref<32x128xi32, #tpu.memory_space<hbm>>
        %dma_wait3A_238 = arith.constant 0 : i32
        %dma_wait3A_239 = tpu.memref_slice %arg3[%add3A, %mul3A_29, %dma_wait3A_238] : memref<32x160x128xi32, #tpu.memory_space<hbm>> -> memref<1x32x128xi32, #tpu.memory_space<hbm>>
        %dma_wait3A_240 = tpu.memref_squeeze %dma_wait3A_239 : memref<1x32x128xi32, #tpu.memory_space<hbm>> -> memref<32x128xi32, #tpu.memory_space<hbm>>
        tpu.wait_dma2 semaphore(%run_scoped3A : memref<!tpu.dma_semaphore, #tpu.memory_space<semaphore_mem>>) src(%dma_wait3A_240 : memref<32x128xi32, #tpu.memory_space<hbm>>) dst(%arg7 : memref<32x128xi32, #tpu.memory_space<vmem>>)
        tpu.yield
      }) : () -> ()
      %mul3A_30 = arith.constant 32 : i32
      %mul3A_31 = arith.muli %scan3A_27, %mul3A_30 : i32
      "tpu.region"() ({
        %run_scoped3A = tpu.sem_alloc : memref<!tpu.dma_semaphore, #tpu.memory_space<semaphore_mem>>
        %dma_start3A_229 = arith.constant 0 : i32
        %dma_start3A_230 = tpu.memref_slice %arg4[%add3A, %mul3A_31, %dma_start3A_229] : memref<32x160x128xi32, #tpu.memory_space<hbm>> -> memref<1x32x128xi32, #tpu.memory_space<hbm>>
        %dma_start3A_231 = tpu.memref_squeeze %dma_start3A_230 : memref<1x32x128xi32, #tpu.memory_space<hbm>> -> memref<32x128xi32, #tpu.memory_space<hbm>>
        %dma_start3A_232 = arith.constant 0 : i32
        %dma_start3A_233 = tpu.memref_slice %arg4[%add3A, %mul3A_31, %dma_start3A_232] : memref<32x160x128xi32, #tpu.memory_space<hbm>> -> memref<1x32x128xi32, #tpu.memory_space<hbm>>
        %dma_start3A_234 = tpu.memref_squeeze %dma_start3A_233 : memref<1x32x128xi32, #tpu.memory_space<hbm>> -> memref<32x128xi32, #tpu.memory_space<hbm>>
        tpu.enqueue_dma source(%dma_start3A_234 : memref<32x128xi32, #tpu.memory_space<hbm>>) target(%arg8 : memref<32x128xi32, #tpu.memory_space<vmem>>) target_semaphore(%run_scoped3A : memref<!tpu.dma_semaphore, #tpu.memory_space<semaphore_mem>>)
        %dma_wait3A_235 = arith.constant 0 : i32
        %dma_wait3A_236 = tpu.memref_slice %arg4[%add3A, %mul3A_31, %dma_wait3A_235] : memref<32x160x128xi32, #tpu.memory_space<hbm>> -> memref<1x32x128xi32, #tpu.memory_space<hbm>>
        %dma_wait3A_237 = tpu.memref_squeeze %dma_wait3A_236 : memref<1x32x128xi32, #tpu.memory_space<hbm>> -> memref<32x128xi32, #tpu.memory_space<hbm>>
        %dma_wait3A_238 = arith.constant 0 : i32
        %dma_wait3A_239 = tpu.memref_slice %arg4[%add3A, %mul3A_31, %dma_wait3A_238] : memref<32x160x128xi32, #tpu.memory_space<hbm>> -> memref<1x32x128xi32, #tpu.memory_space<hbm>>
        %dma_wait3A_240 = tpu.memref_squeeze %dma_wait3A_239 : memref<1x32x128xi32, #tpu.memory_space<hbm>> -> memref<32x128xi32, #tpu.memory_space<hbm>>
        tpu.wait_dma2 semaphore(%run_scoped3A : memref<!tpu.dma_semaphore, #tpu.memory_space<semaphore_mem>>) src(%dma_wait3A_240 : memref<32x128xi32, #tpu.memory_space<hbm>>) dst(%arg8 : memref<32x128xi32, #tpu.memory_space<vmem>>)
        tpu.yield
      }) : () -> ()
      %dma_start3A_32 = arith.constant 0 : i32
      %dma_start3A_33 = arith.constant 0 : i32
      %dma_start3A_34 = arith.constant 0 : i32
      %dma_start3A_35 = arith.constant 0 : i32
      %dma_start3A_36 = tpu.memref_slice %arg9[%dma_start3A_33, %dma_start3A_34, %dma_start3A_35] : memref<4x128x64xf32, #tpu.memory_space<vmem>> -> memref<1x128x64xf32, #tpu.memory_space<vmem>>
      %dma_start3A_37 = tpu.memref_squeeze %dma_start3A_36 : memref<1x128x64xf32, #tpu.memory_space<vmem>> -> memref<128x64xf32, #tpu.memory_space<vmem>>
      %dma_start3A_38 = arith.constant 0 : i32
      %dma_start3A_39 = tpu.memref_slice %arg7[%dma_start3A_32, %dma_start3A_38] : memref<32x128xi32, #tpu.memory_space<vmem>> -> memref<1x128xi32, #tpu.memory_space<vmem>>
      %dma_start3A_40 = tpu.memref_squeeze %dma_start3A_39 : memref<1x128xi32, #tpu.memory_space<vmem>> -> memref<128xi32, #tpu.memory_space<vmem>>
      %dma_start3A_41 = arith.constant 0 : i32
      %dma_start3A_42 = arith.constant 0 : i32
      %dma_start3A_43 = tpu.memref_slice %arg11[%dma_start3A_41, %dma_start3A_42] : memref<10000x64xf32, #tpu.memory_space<vmem_shared>> -> memref<10000x64xf32, #tpu.memory_space<vmem_shared>>
      tpu.enqueue_indirect_dma source(%dma_start3A_43 : memref<10000x64xf32, #tpu.memory_space<vmem_shared>>) target(%dma_start3A_37 : memref<128x64xf32, #tpu.memory_space<vmem>>) offsets(%dma_start3A_40 : memref<128xi32, #tpu.memory_space<vmem>>) semaphore(%arg12 : memref<!tpu.dma_semaphore, #tpu.memory_space<semaphore_mem>>)
      %dma_start3A_44 = arith.constant 1 : i32
      %dma_start3A_45 = arith.constant 1 : i32
      %dma_start3A_46 = arith.constant 0 : i32
      %dma_start3A_47 = arith.constant 0 : i32
      %dma_start3A_48 = tpu.memref_slice %arg9[%dma_start3A_45, %dma_start3A_46, %dma_start3A_47] : memref<4x128x64xf32, #tpu.memory_space<vmem>> -> memref<1x128x64xf32, #tpu.memory_space<vmem>>
      %dma_start3A_49 = tpu.memref_squeeze %dma_start3A_48 : memref<1x128x64xf32, #tpu.memory_space<vmem>> -> memref<128x64xf32, #tpu.memory_space<vmem>>
      %dma_start3A_50 = arith.constant 0 : i32
      %dma_start3A_51 = tpu.memref_slice %arg7[%dma_start3A_44, %dma_start3A_50] : memref<32x128xi32, #tpu.memory_space<vmem>> -> memref<1x128xi32, #tpu.memory_space<vmem>>
      %dma_start3A_52 = tpu.memref_squeeze %dma_start3A_51 : memref<1x128xi32, #tpu.memory_space<vmem>> -> memref<128xi32, #tpu.memory_space<vmem>>
      %dma_start3A_53 = arith.constant 0 : i32
      %dma_start3A_54 = arith.constant 0 : i32
      %dma_start3A_55 = tpu.memref_slice %arg11[%dma_start3A_53, %dma_start3A_54] : memref<10000x64xf32, #tpu.memory_space<vmem_shared>> -> memref<10000x64xf32, #tpu.memory_space<vmem_shared>>
      tpu.enqueue_indirect_dma source(%dma_start3A_55 : memref<10000x64xf32, #tpu.memory_space<vmem_shared>>) target(%dma_start3A_49 : memref<128x64xf32, #tpu.memory_space<vmem>>) offsets(%dma_start3A_52 : memref<128xi32, #tpu.memory_space<vmem>>) semaphore(%arg13 : memref<!tpu.dma_semaphore, #tpu.memory_space<semaphore_mem>>)
      %dma_start3A_56 = arith.constant 2 : i32
      %dma_start3A_57 = arith.constant 2 : i32
      %dma_start3A_58 = arith.constant 0 : i32
      %dma_start3A_59 = arith.constant 0 : i32
      %dma_start3A_60 = tpu.memref_slice %arg9[%dma_start3A_57, %dma_start3A_58, %dma_start3A_59] : memref<4x128x64xf32, #tpu.memory_space<vmem>> -> memref<1x128x64xf32, #tpu.memory_space<vmem>>
      %dma_start3A_61 = tpu.memref_squeeze %dma_start3A_60 : memref<1x128x64xf32, #tpu.memory_space<vmem>> -> memref<128x64xf32, #tpu.memory_space<vmem>>
      %dma_start3A_62 = arith.constant 0 : i32
      %dma_start3A_63 = tpu.memref_slice %arg7[%dma_start3A_56, %dma_start3A_62] : memref<32x128xi32, #tpu.memory_space<vmem>> -> memref<1x128xi32, #tpu.memory_space<vmem>>
      %dma_start3A_64 = tpu.memref_squeeze %dma_start3A_63 : memref<1x128xi32, #tpu.memory_space<vmem>> -> memref<128xi32, #tpu.memory_space<vmem>>
      %dma_start3A_65 = arith.constant 0 : i32
      %dma_start3A_66 = arith.constant 0 : i32
      %dma_start3A_67 = tpu.memref_slice %arg11[%dma_start3A_65, %dma_start3A_66] : memref<10000x64xf32, #tpu.memory_space<vmem_shared>> -> memref<10000x64xf32, #tpu.memory_space<vmem_shared>>
      tpu.enqueue_indirect_dma source(%dma_start3A_67 : memref<10000x64xf32, #tpu.memory_space<vmem_shared>>) target(%dma_start3A_61 : memref<128x64xf32, #tpu.memory_space<vmem>>) offsets(%dma_start3A_64 : memref<128xi32, #tpu.memory_space<vmem>>) semaphore(%arg14 : memref<!tpu.dma_semaphore, #tpu.memory_space<semaphore_mem>>)
      %dma_start3A_68 = arith.constant 3 : i32
      %dma_start3A_69 = arith.constant 3 : i32
      %dma_start3A_70 = arith.constant 0 : i32
      %dma_start3A_71 = arith.constant 0 : i32
      %dma_start3A_72 = tpu.memref_slice %arg9[%dma_start3A_69, %dma_start3A_70, %dma_start3A_71] : memref<4x128x64xf32, #tpu.memory_space<vmem>> -> memref<1x128x64xf32, #tpu.memory_space<vmem>>
      %dma_start3A_73 = tpu.memref_squeeze %dma_start3A_72 : memref<1x128x64xf32, #tpu.memory_space<vmem>> -> memref<128x64xf32, #tpu.memory_space<vmem>>
      %dma_start3A_74 = arith.constant 0 : i32
      %dma_start3A_75 = tpu.memref_slice %arg7[%dma_start3A_68, %dma_start3A_74] : memref<32x128xi32, #tpu.memory_space<vmem>> -> memref<1x128xi32, #tpu.memory_space<vmem>>
      %dma_start3A_76 = tpu.memref_squeeze %dma_start3A_75 : memref<1x128xi32, #tpu.memory_space<vmem>> -> memref<128xi32, #tpu.memory_space<vmem>>
      %dma_start3A_77 = arith.constant 0 : i32
      %dma_start3A_78 = arith.constant 0 : i32
      %dma_start3A_79 = tpu.memref_slice %arg11[%dma_start3A_77, %dma_start3A_78] : memref<10000x64xf32, #tpu.memory_space<vmem_shared>> -> memref<10000x64xf32, #tpu.memory_space<vmem_shared>>
      tpu.enqueue_indirect_dma source(%dma_start3A_79 : memref<10000x64xf32, #tpu.memory_space<vmem_shared>>) target(%dma_start3A_73 : memref<128x64xf32, #tpu.memory_space<vmem>>) offsets(%dma_start3A_76 : memref<128xi32, #tpu.memory_space<vmem>>) semaphore(%arg15 : memref<!tpu.dma_semaphore, #tpu.memory_space<semaphore_mem>>)
      %scan3A_80 = arith.constant 0 : i32
      %scan3A_81 = arith.constant 7 : i32
      %scan3A_82 = arith.addi %scan3A_80, %scan3A_81 : i32
      %scan3A_83 = arith.constant 1 : i32
      scf.for %scan3A_229 = %scan3A_80 to %scan3A_82 step %scan3A_83  : i32 {
        %mul3A_230 = arith.constant 4 : i32
        %mul3A_231 = arith.muli %mul3A_230, %scan3A_229 : i32
        %add3A_232 = arith.constant 0 : i32
        %add3A_233 = arith.addi %mul3A_231, %add3A_232 : i32
        %dma_wait3A_234 = arith.constant 0 : i32
        %dma_wait3A_235 = arith.constant 0 : i32
        %dma_wait3A_236 = arith.constant 0 : i32
        %dma_wait3A_237 = tpu.memref_slice %arg9[%dma_wait3A_234, %dma_wait3A_235, %dma_wait3A_236] : memref<4x128x64xf32, #tpu.memory_space<vmem>> -> memref<1x128x64xf32, #tpu.memory_space<vmem>>
        %dma_wait3A_238 = tpu.memref_squeeze %dma_wait3A_237 : memref<1x128x64xf32, #tpu.memory_space<vmem>> -> memref<128x64xf32, #tpu.memory_space<vmem>>
        %dma_wait3A_239 = arith.constant 0 : i32
        %dma_wait3A_240 = tpu.memref_slice %arg7[%add3A_233, %dma_wait3A_239] : memref<32x128xi32, #tpu.memory_space<vmem>> -> memref<1x128xi32, #tpu.memory_space<vmem>>
        %dma_wait3A_241 = tpu.memref_squeeze %dma_wait3A_240 : memref<1x128xi32, #tpu.memory_space<vmem>> -> memref<128xi32, #tpu.memory_space<vmem>>
        %dma_wait3A_242 = arith.constant 0 : i32
        %dma_wait3A_243 = arith.constant 0 : i32
        %dma_wait3A_244 = tpu.memref_slice %arg11[%dma_wait3A_242, %dma_wait3A_243] : memref<10000x64xf32, #tpu.memory_space<vmem_shared>> -> memref<10000x64xf32, #tpu.memory_space<vmem_shared>>
        tpu.wait_indirect_dma semaphore(%arg12 : memref<!tpu.dma_semaphore, #tpu.memory_space<semaphore_mem>>) src(%dma_wait3A_244 : memref<10000x64xf32, #tpu.memory_space<vmem_shared>>) dst(%dma_wait3A_238 : memref<128x64xf32, #tpu.memory_space<vmem>>)
        %mul3A_245 = arith.constant 4 : i32
        %mul3A_246 = arith.muli %mul3A_245, %scan3A_229 : i32
        %add3A_247 = arith.constant 0 : i32
        %add3A_248 = arith.addi %mul3A_246, %add3A_247 : i32
        %dma_start3A_249 = arith.constant 0 : i32
        %dma_start3A_250 = arith.constant 0 : i32
        %dma_start3A_251 = arith.constant 0 : i32
        %dma_start3A_252 = tpu.memref_slice %arg9[%dma_start3A_249, %dma_start3A_250, %dma_start3A_251] : memref<4x128x64xf32, #tpu.memory_space<vmem>> -> memref<1x128x64xf32, #tpu.memory_space<vmem>>
        %dma_start3A_253 = tpu.memref_squeeze %dma_start3A_252 : memref<1x128x64xf32, #tpu.memory_space<vmem>> -> memref<128x64xf32, #tpu.memory_space<vmem>>
        %dma_start3A_254 = arith.constant 0 : i32
        %dma_start3A_255 = tpu.memref_slice %arg8[%add3A_248, %dma_start3A_254] : memref<32x128xi32, #tpu.memory_space<vmem>> -> memref<1x128xi32, #tpu.memory_space<vmem>>
        %dma_start3A_256 = tpu.memref_squeeze %dma_start3A_255 : memref<1x128xi32, #tpu.memory_space<vmem>> -> memref<128xi32, #tpu.memory_space<vmem>>
        %dma_start3A_257 = arith.constant 0 : i32
        %dma_start3A_258 = arith.constant 0 : i32
        %dma_start3A_259 = tpu.memref_slice %arg10[%dma_start3A_257, %dma_start3A_258] : memref<10240x64xf32, #tpu.memory_space<vmem_shared>> -> memref<10240x64xf32, #tpu.memory_space<vmem_shared>>
        tpu.enqueue_indirect_dma source(%dma_start3A_253 : memref<128x64xf32, #tpu.memory_space<vmem>>) target(%dma_start3A_259 : memref<10240x64xf32, #tpu.memory_space<vmem_shared>>) offsets(%dma_start3A_256 : memref<128xi32, #tpu.memory_space<vmem>>) semaphore(%arg16 : memref<!tpu.dma_semaphore, #tpu.memory_space<semaphore_mem>>) {add = true}
        %mul3A_260 = arith.constant 4 : i32
        %mul3A_261 = arith.muli %mul3A_260, %scan3A_229 : i32
        %add3A_262 = arith.constant 1 : i32
        %add3A_263 = arith.addi %mul3A_261, %add3A_262 : i32
        %dma_wait3A_264 = arith.constant 1 : i32
        %dma_wait3A_265 = arith.constant 0 : i32
        %dma_wait3A_266 = arith.constant 0 : i32
        %dma_wait3A_267 = tpu.memref_slice %arg9[%dma_wait3A_264, %dma_wait3A_265, %dma_wait3A_266] : memref<4x128x64xf32, #tpu.memory_space<vmem>> -> memref<1x128x64xf32, #tpu.memory_space<vmem>>
        %dma_wait3A_268 = tpu.memref_squeeze %dma_wait3A_267 : memref<1x128x64xf32, #tpu.memory_space<vmem>> -> memref<128x64xf32, #tpu.memory_space<vmem>>
        %dma_wait3A_269 = arith.constant 0 : i32
        %dma_wait3A_270 = tpu.memref_slice %arg7[%add3A_263, %dma_wait3A_269] : memref<32x128xi32, #tpu.memory_space<vmem>> -> memref<1x128xi32, #tpu.memory_space<vmem>>
        %dma_wait3A_271 = tpu.memref_squeeze %dma_wait3A_270 : memref<1x128xi32, #tpu.memory_space<vmem>> -> memref<128xi32, #tpu.memory_space<vmem>>
        %dma_wait3A_272 = arith.constant 0 : i32
        %dma_wait3A_273 = arith.constant 0 : i32
        %dma_wait3A_274 = tpu.memref_slice %arg11[%dma_wait3A_272, %dma_wait3A_273] : memref<10000x64xf32, #tpu.memory_space<vmem_shared>> -> memref<10000x64xf32, #tpu.memory_space<vmem_shared>>
        tpu.wait_indirect_dma semaphore(%arg13 : memref<!tpu.dma_semaphore, #tpu.memory_space<semaphore_mem>>) src(%dma_wait3A_274 : memref<10000x64xf32, #tpu.memory_space<vmem_shared>>) dst(%dma_wait3A_268 : memref<128x64xf32, #tpu.memory_space<vmem>>)
        %mul3A_275 = arith.constant 4 : i32
        %mul3A_276 = arith.muli %mul3A_275, %scan3A_229 : i32
        %add3A_277 = arith.constant 1 : i32
        %add3A_278 = arith.addi %mul3A_276, %add3A_277 : i32
        %dma_start3A_279 = arith.constant 1 : i32
        %dma_start3A_280 = arith.constant 0 : i32
        %dma_start3A_281 = arith.constant 0 : i32
        %dma_start3A_282 = tpu.memref_slice %arg9[%dma_start3A_279, %dma_start3A_280, %dma_start3A_281] : memref<4x128x64xf32, #tpu.memory_space<vmem>> -> memref<1x128x64xf32, #tpu.memory_space<vmem>>
        %dma_start3A_283 = tpu.memref_squeeze %dma_start3A_282 : memref<1x128x64xf32, #tpu.memory_space<vmem>> -> memref<128x64xf32, #tpu.memory_space<vmem>>
        %dma_start3A_284 = arith.constant 0 : i32
        %dma_start3A_285 = tpu.memref_slice %arg8[%add3A_278, %dma_start3A_284] : memref<32x128xi32, #tpu.memory_space<vmem>> -> memref<1x128xi32, #tpu.memory_space<vmem>>
        %dma_start3A_286 = tpu.memref_squeeze %dma_start3A_285 : memref<1x128xi32, #tpu.memory_space<vmem>> -> memref<128xi32, #tpu.memory_space<vmem>>
        %dma_start3A_287 = arith.constant 0 : i32
        %dma_start3A_288 = arith.constant 0 : i32
        %dma_start3A_289 = tpu.memref_slice %arg10[%dma_start3A_287, %dma_start3A_288] : memref<10240x64xf32, #tpu.memory_space<vmem_shared>> -> memref<10240x64xf32, #tpu.memory_space<vmem_shared>>
        tpu.enqueue_indirect_dma source(%dma_start3A_283 : memref<128x64xf32, #tpu.memory_space<vmem>>) target(%dma_start3A_289 : memref<10240x64xf32, #tpu.memory_space<vmem_shared>>) offsets(%dma_start3A_286 : memref<128xi32, #tpu.memory_space<vmem>>) semaphore(%arg17 : memref<!tpu.dma_semaphore, #tpu.memory_space<semaphore_mem>>) {add = true}
        %mul3A_290 = arith.constant 4 : i32
        %mul3A_291 = arith.muli %mul3A_290, %scan3A_229 : i32
        %add3A_292 = arith.constant 2 : i32
        %add3A_293 = arith.addi %mul3A_291, %add3A_292 : i32
        %dma_wait3A_294 = arith.constant 2 : i32
        %dma_wait3A_295 = arith.constant 0 : i32
        %dma_wait3A_296 = arith.constant 0 : i32
        %dma_wait3A_297 = tpu.memref_slice %arg9[%dma_wait3A_294, %dma_wait3A_295, %dma_wait3A_296] : memref<4x128x64xf32, #tpu.memory_space<vmem>> -> memref<1x128x64xf32, #tpu.memory_space<vmem>>
        %dma_wait3A_298 = tpu.memref_squeeze %dma_wait3A_297 : memref<1x128x64xf32, #tpu.memory_space<vmem>> -> memref<128x64xf32, #tpu.memory_space<vmem>>
        %dma_wait3A_299 = arith.constant 0 : i32
        %dma_wait3A_300 = tpu.memref_slice %arg7[%add3A_293, %dma_wait3A_299] : memref<32x128xi32, #tpu.memory_space<vmem>> -> memref<1x128xi32, #tpu.memory_space<vmem>>
        %dma_wait3A_301 = tpu.memref_squeeze %dma_wait3A_300 : memref<1x128xi32, #tpu.memory_space<vmem>> -> memref<128xi32, #tpu.memory_space<vmem>>
        %dma_wait3A_302 = arith.constant 0 : i32
        %dma_wait3A_303 = arith.constant 0 : i32
        %dma_wait3A_304 = tpu.memref_slice %arg11[%dma_wait3A_302, %dma_wait3A_303] : memref<10000x64xf32, #tpu.memory_space<vmem_shared>> -> memref<10000x64xf32, #tpu.memory_space<vmem_shared>>
        tpu.wait_indirect_dma semaphore(%arg14 : memref<!tpu.dma_semaphore, #tpu.memory_space<semaphore_mem>>) src(%dma_wait3A_304 : memref<10000x64xf32, #tpu.memory_space<vmem_shared>>) dst(%dma_wait3A_298 : memref<128x64xf32, #tpu.memory_space<vmem>>)
        %mul3A_305 = arith.constant 4 : i32
        %mul3A_306 = arith.muli %mul3A_305, %scan3A_229 : i32
        %add3A_307 = arith.constant 2 : i32
        %add3A_308 = arith.addi %mul3A_306, %add3A_307 : i32
        %dma_start3A_309 = arith.constant 2 : i32
        %dma_start3A_310 = arith.constant 0 : i32
        %dma_start3A_311 = arith.constant 0 : i32
        %dma_start3A_312 = tpu.memref_slice %arg9[%dma_start3A_309, %dma_start3A_310, %dma_start3A_311] : memref<4x128x64xf32, #tpu.memory_space<vmem>> -> memref<1x128x64xf32, #tpu.memory_space<vmem>>
        %dma_start3A_313 = tpu.memref_squeeze %dma_start3A_312 : memref<1x128x64xf32, #tpu.memory_space<vmem>> -> memref<128x64xf32, #tpu.memory_space<vmem>>
        %dma_start3A_314 = arith.constant 0 : i32
        %dma_start3A_315 = tpu.memref_slice %arg8[%add3A_308, %dma_start3A_314] : memref<32x128xi32, #tpu.memory_space<vmem>> -> memref<1x128xi32, #tpu.memory_space<vmem>>
        %dma_start3A_316 = tpu.memref_squeeze %dma_start3A_315 : memref<1x128xi32, #tpu.memory_space<vmem>> -> memref<128xi32, #tpu.memory_space<vmem>>
        %dma_start3A_317 = arith.constant 0 : i32
        %dma_start3A_318 = arith.constant 0 : i32
        %dma_start3A_319 = tpu.memref_slice %arg10[%dma_start3A_317, %dma_start3A_318] : memref<10240x64xf32, #tpu.memory_space<vmem_shared>> -> memref<10240x64xf32, #tpu.memory_space<vmem_shared>>
        tpu.enqueue_indirect_dma source(%dma_start3A_313 : memref<128x64xf32, #tpu.memory_space<vmem>>) target(%dma_start3A_319 : memref<10240x64xf32, #tpu.memory_space<vmem_shared>>) offsets(%dma_start3A_316 : memref<128xi32, #tpu.memory_space<vmem>>) semaphore(%arg18 : memref<!tpu.dma_semaphore, #tpu.memory_space<semaphore_mem>>) {add = true}
        %mul3A_320 = arith.constant 4 : i32
        %mul3A_321 = arith.muli %mul3A_320, %scan3A_229 : i32
        %add3A_322 = arith.constant 3 : i32
        %add3A_323 = arith.addi %mul3A_321, %add3A_322 : i32
        %dma_wait3A_324 = arith.constant 3 : i32
        %dma_wait3A_325 = arith.constant 0 : i32
        %dma_wait3A_326 = arith.constant 0 : i32
        %dma_wait3A_327 = tpu.memref_slice %arg9[%dma_wait3A_324, %dma_wait3A_325, %dma_wait3A_326] : memref<4x128x64xf32, #tpu.memory_space<vmem>> -> memref<1x128x64xf32, #tpu.memory_space<vmem>>
        %dma_wait3A_328 = tpu.memref_squeeze %dma_wait3A_327 : memref<1x128x64xf32, #tpu.memory_space<vmem>> -> memref<128x64xf32, #tpu.memory_space<vmem>>
        %dma_wait3A_329 = arith.constant 0 : i32
        %dma_wait3A_330 = tpu.memref_slice %arg7[%add3A_323, %dma_wait3A_329] : memref<32x128xi32, #tpu.memory_space<vmem>> -> memref<1x128xi32, #tpu.memory_space<vmem>>
        %dma_wait3A_331 = tpu.memref_squeeze %dma_wait3A_330 : memref<1x128xi32, #tpu.memory_space<vmem>> -> memref<128xi32, #tpu.memory_space<vmem>>
        %dma_wait3A_332 = arith.constant 0 : i32
        %dma_wait3A_333 = arith.constant 0 : i32
        %dma_wait3A_334 = tpu.memref_slice %arg11[%dma_wait3A_332, %dma_wait3A_333] : memref<10000x64xf32, #tpu.memory_space<vmem_shared>> -> memref<10000x64xf32, #tpu.memory_space<vmem_shared>>
        tpu.wait_indirect_dma semaphore(%arg15 : memref<!tpu.dma_semaphore, #tpu.memory_space<semaphore_mem>>) src(%dma_wait3A_334 : memref<10000x64xf32, #tpu.memory_space<vmem_shared>>) dst(%dma_wait3A_328 : memref<128x64xf32, #tpu.memory_space<vmem>>)
        %mul3A_335 = arith.constant 4 : i32
        %mul3A_336 = arith.muli %mul3A_335, %scan3A_229 : i32
        %add3A_337 = arith.constant 3 : i32
        %add3A_338 = arith.addi %mul3A_336, %add3A_337 : i32
        %dma_start3A_339 = arith.constant 3 : i32
        %dma_start3A_340 = arith.constant 0 : i32
        %dma_start3A_341 = arith.constant 0 : i32
        %dma_start3A_342 = tpu.memref_slice %arg9[%dma_start3A_339, %dma_start3A_340, %dma_start3A_341] : memref<4x128x64xf32, #tpu.memory_space<vmem>> -> memref<1x128x64xf32, #tpu.memory_space<vmem>>
        %dma_start3A_343 = tpu.memref_squeeze %dma_start3A_342 : memref<1x128x64xf32, #tpu.memory_space<vmem>> -> memref<128x64xf32, #tpu.memory_space<vmem>>
        %dma_start3A_344 = arith.constant 0 : i32
        %dma_start3A_345 = tpu.memref_slice %arg8[%add3A_338, %dma_start3A_344] : memref<32x128xi32, #tpu.memory_space<vmem>> -> memref<1x128xi32, #tpu.memory_space<vmem>>
        %dma_start3A_346 = tpu.memref_squeeze %dma_start3A_345 : memref<1x128xi32, #tpu.memory_space<vmem>> -> memref<128xi32, #tpu.memory_space<vmem>>
        %dma_start3A_347 = arith.constant 0 : i32
        %dma_start3A_348 = arith.constant 0 : i32
        %dma_start3A_349 = tpu.memref_slice %arg10[%dma_start3A_347, %dma_start3A_348] : memref<10240x64xf32, #tpu.memory_space<vmem_shared>> -> memref<10240x64xf32, #tpu.memory_space<vmem_shared>>
        tpu.enqueue_indirect_dma source(%dma_start3A_343 : memref<128x64xf32, #tpu.memory_space<vmem>>) target(%dma_start3A_349 : memref<10240x64xf32, #tpu.memory_space<vmem_shared>>) offsets(%dma_start3A_346 : memref<128xi32, #tpu.memory_space<vmem>>) semaphore(%arg19 : memref<!tpu.dma_semaphore, #tpu.memory_space<semaphore_mem>>) {add = true}
        %mul3A_350 = arith.constant 4 : i32
        %mul3A_351 = arith.muli %mul3A_350, %scan3A_229 : i32
        %add3A_352 = arith.constant 0 : i32
        %add3A_353 = arith.addi %mul3A_351, %add3A_352 : i32
        %dma_wait3A_354 = arith.constant 0 : i32
        %dma_wait3A_355 = arith.constant 0 : i32
        %dma_wait3A_356 = arith.constant 0 : i32
        %dma_wait3A_357 = tpu.memref_slice %arg9[%dma_wait3A_354, %dma_wait3A_355, %dma_wait3A_356] : memref<4x128x64xf32, #tpu.memory_space<vmem>> -> memref<1x128x64xf32, #tpu.memory_space<vmem>>
        %dma_wait3A_358 = tpu.memref_squeeze %dma_wait3A_357 : memref<1x128x64xf32, #tpu.memory_space<vmem>> -> memref<128x64xf32, #tpu.memory_space<vmem>>
        %dma_wait3A_359 = arith.constant 0 : i32
        %dma_wait3A_360 = tpu.memref_slice %arg8[%add3A_353, %dma_wait3A_359] : memref<32x128xi32, #tpu.memory_space<vmem>> -> memref<1x128xi32, #tpu.memory_space<vmem>>
        %dma_wait3A_361 = tpu.memref_squeeze %dma_wait3A_360 : memref<1x128xi32, #tpu.memory_space<vmem>> -> memref<128xi32, #tpu.memory_space<vmem>>
        %dma_wait3A_362 = arith.constant 0 : i32
        %dma_wait3A_363 = arith.constant 0 : i32
        %dma_wait3A_364 = tpu.memref_slice %arg10[%dma_wait3A_362, %dma_wait3A_363] : memref<10240x64xf32, #tpu.memory_space<vmem_shared>> -> memref<10240x64xf32, #tpu.memory_space<vmem_shared>>
        tpu.wait_indirect_dma semaphore(%arg16 : memref<!tpu.dma_semaphore, #tpu.memory_space<semaphore_mem>>) src(%dma_wait3A_358 : memref<128x64xf32, #tpu.memory_space<vmem>>) dst(%dma_wait3A_364 : memref<10240x64xf32, #tpu.memory_space<vmem_shared>>)
        %add3A_365 = arith.constant 1 : i32
        %add3A_366 = arith.addi %scan3A_229, %add3A_365 : i32
        %mul3A_367 = arith.constant 4 : i32
        %mul3A_368 = arith.muli %mul3A_367, %add3A_366 : i32
        %add3A_369 = arith.constant 0 : i32
        %add3A_370 = arith.addi %mul3A_368, %add3A_369 : i32
        %dma_start3A_371 = arith.constant 0 : i32
        %dma_start3A_372 = arith.constant 0 : i32
        %dma_start3A_373 = arith.constant 0 : i32
        %dma_start3A_374 = tpu.memref_slice %arg9[%dma_start3A_371, %dma_start3A_372, %dma_start3A_373] : memref<4x128x64xf32, #tpu.memory_space<vmem>> -> memref<1x128x64xf32, #tpu.memory_space<vmem>>
        %dma_start3A_375 = tpu.memref_squeeze %dma_start3A_374 : memref<1x128x64xf32, #tpu.memory_space<vmem>> -> memref<128x64xf32, #tpu.memory_space<vmem>>
        %dma_start3A_376 = arith.constant 0 : i32
        %dma_start3A_377 = tpu.memref_slice %arg7[%add3A_370, %dma_start3A_376] : memref<32x128xi32, #tpu.memory_space<vmem>> -> memref<1x128xi32, #tpu.memory_space<vmem>>
        %dma_start3A_378 = tpu.memref_squeeze %dma_start3A_377 : memref<1x128xi32, #tpu.memory_space<vmem>> -> memref<128xi32, #tpu.memory_space<vmem>>
        %dma_start3A_379 = arith.constant 0 : i32
        %dma_start3A_380 = arith.constant 0 : i32
        %dma_start3A_381 = tpu.memref_slice %arg11[%dma_start3A_379, %dma_start3A_380] : memref<10000x64xf32, #tpu.memory_space<vmem_shared>> -> memref<10000x64xf32, #tpu.memory_space<vmem_shared>>
        tpu.enqueue_indirect_dma source(%dma_start3A_381 : memref<10000x64xf32, #tpu.memory_space<vmem_shared>>) target(%dma_start3A_375 : memref<128x64xf32, #tpu.memory_space<vmem>>) offsets(%dma_start3A_378 : memref<128xi32, #tpu.memory_space<vmem>>) semaphore(%arg12 : memref<!tpu.dma_semaphore, #tpu.memory_space<semaphore_mem>>)
        %mul3A_382 = arith.constant 4 : i32
        %mul3A_383 = arith.muli %mul3A_382, %scan3A_229 : i32
        %add3A_384 = arith.constant 1 : i32
        %add3A_385 = arith.addi %mul3A_383, %add3A_384 : i32
        %dma_wait3A_386 = arith.constant 1 : i32
        %dma_wait3A_387 = arith.constant 0 : i32
        %dma_wait3A_388 = arith.constant 0 : i32
        %dma_wait3A_389 = tpu.memref_slice %arg9[%dma_wait3A_386, %dma_wait3A_387, %dma_wait3A_388] : memref<4x128x64xf32, #tpu.memory_space<vmem>> -> memref<1x128x64xf32, #tpu.memory_space<vmem>>
        %dma_wait3A_390 = tpu.memref_squeeze %dma_wait3A_389 : memref<1x128x64xf32, #tpu.memory_space<vmem>> -> memref<128x64xf32, #tpu.memory_space<vmem>>
        %dma_wait3A_391 = arith.constant 0 : i32
        %dma_wait3A_392 = tpu.memref_slice %arg8[%add3A_385, %dma_wait3A_391] : memref<32x128xi32, #tpu.memory_space<vmem>> -> memref<1x128xi32, #tpu.memory_space<vmem>>
        %dma_wait3A_393 = tpu.memref_squeeze %dma_wait3A_392 : memref<1x128xi32, #tpu.memory_space<vmem>> -> memref<128xi32, #tpu.memory_space<vmem>>
        %dma_wait3A_394 = arith.constant 0 : i32
        %dma_wait3A_395 = arith.constant 0 : i32
        %dma_wait3A_396 = tpu.memref_slice %arg10[%dma_wait3A_394, %dma_wait3A_395] : memref<10240x64xf32, #tpu.memory_space<vmem_shared>> -> memref<10240x64xf32, #tpu.memory_space<vmem_shared>>
        tpu.wait_indirect_dma semaphore(%arg17 : memref<!tpu.dma_semaphore, #tpu.memory_space<semaphore_mem>>) src(%dma_wait3A_390 : memref<128x64xf32, #tpu.memory_space<vmem>>) dst(%dma_wait3A_396 : memref<10240x64xf32, #tpu.memory_space<vmem_shared>>)
        %add3A_397 = arith.constant 1 : i32
        %add3A_398 = arith.addi %scan3A_229, %add3A_397 : i32
        %mul3A_399 = arith.constant 4 : i32
        %mul3A_400 = arith.muli %mul3A_399, %add3A_398 : i32
        %add3A_401 = arith.constant 1 : i32
        %add3A_402 = arith.addi %mul3A_400, %add3A_401 : i32
        %dma_start3A_403 = arith.constant 1 : i32
        %dma_start3A_404 = arith.constant 0 : i32
        %dma_start3A_405 = arith.constant 0 : i32
        %dma_start3A_406 = tpu.memref_slice %arg9[%dma_start3A_403, %dma_start3A_404, %dma_start3A_405] : memref<4x128x64xf32, #tpu.memory_space<vmem>> -> memref<1x128x64xf32, #tpu.memory_space<vmem>>
        %dma_start3A_407 = tpu.memref_squeeze %dma_start3A_406 : memref<1x128x64xf32, #tpu.memory_space<vmem>> -> memref<128x64xf32, #tpu.memory_space<vmem>>
        %dma_start3A_408 = arith.constant 0 : i32
        %dma_start3A_409 = tpu.memref_slice %arg7[%add3A_402, %dma_start3A_408] : memref<32x128xi32, #tpu.memory_space<vmem>> -> memref<1x128xi32, #tpu.memory_space<vmem>>
        %dma_start3A_410 = tpu.memref_squeeze %dma_start3A_409 : memref<1x128xi32, #tpu.memory_space<vmem>> -> memref<128xi32, #tpu.memory_space<vmem>>
        %dma_start3A_411 = arith.constant 0 : i32
        %dma_start3A_412 = arith.constant 0 : i32
        %dma_start3A_413 = tpu.memref_slice %arg11[%dma_start3A_411, %dma_start3A_412] : memref<10000x64xf32, #tpu.memory_space<vmem_shared>> -> memref<10000x64xf32, #tpu.memory_space<vmem_shared>>
        tpu.enqueue_indirect_dma source(%dma_start3A_413 : memref<10000x64xf32, #tpu.memory_space<vmem_shared>>) target(%dma_start3A_407 : memref<128x64xf32, #tpu.memory_space<vmem>>) offsets(%dma_start3A_410 : memref<128xi32, #tpu.memory_space<vmem>>) semaphore(%arg13 : memref<!tpu.dma_semaphore, #tpu.memory_space<semaphore_mem>>)
        %mul3A_414 = arith.constant 4 : i32
        %mul3A_415 = arith.muli %mul3A_414, %scan3A_229 : i32
        %add3A_416 = arith.constant 2 : i32
        %add3A_417 = arith.addi %mul3A_415, %add3A_416 : i32
        %dma_wait3A_418 = arith.constant 2 : i32
        %dma_wait3A_419 = arith.constant 0 : i32
        %dma_wait3A_420 = arith.constant 0 : i32
        %dma_wait3A_421 = tpu.memref_slice %arg9[%dma_wait3A_418, %dma_wait3A_419, %dma_wait3A_420] : memref<4x128x64xf32, #tpu.memory_space<vmem>> -> memref<1x128x64xf32, #tpu.memory_space<vmem>>
        %dma_wait3A_422 = tpu.memref_squeeze %dma_wait3A_421 : memref<1x128x64xf32, #tpu.memory_space<vmem>> -> memref<128x64xf32, #tpu.memory_space<vmem>>
        %dma_wait3A_423 = arith.constant 0 : i32
        %dma_wait3A_424 = tpu.memref_slice %arg8[%add3A_417, %dma_wait3A_423] : memref<32x128xi32, #tpu.memory_space<vmem>> -> memref<1x128xi32, #tpu.memory_space<vmem>>
        %dma_wait3A_425 = tpu.memref_squeeze %dma_wait3A_424 : memref<1x128xi32, #tpu.memory_space<vmem>> -> memref<128xi32, #tpu.memory_space<vmem>>
        %dma_wait3A_426 = arith.constant 0 : i32
        %dma_wait3A_427 = arith.constant 0 : i32
        %dma_wait3A_428 = tpu.memref_slice %arg10[%dma_wait3A_426, %dma_wait3A_427] : memref<10240x64xf32, #tpu.memory_space<vmem_shared>> -> memref<10240x64xf32, #tpu.memory_space<vmem_shared>>
        tpu.wait_indirect_dma semaphore(%arg18 : memref<!tpu.dma_semaphore, #tpu.memory_space<semaphore_mem>>) src(%dma_wait3A_422 : memref<128x64xf32, #tpu.memory_space<vmem>>) dst(%dma_wait3A_428 : memref<10240x64xf32, #tpu.memory_space<vmem_shared>>)
        %add3A_429 = arith.constant 1 : i32
        %add3A_430 = arith.addi %scan3A_229, %add3A_429 : i32
        %mul3A_431 = arith.constant 4 : i32
        %mul3A_432 = arith.muli %mul3A_431, %add3A_430 : i32
        %add3A_433 = arith.constant 2 : i32
        %add3A_434 = arith.addi %mul3A_432, %add3A_433 : i32
        %dma_start3A_435 = arith.constant 2 : i32
        %dma_start3A_436 = arith.constant 0 : i32
        %dma_start3A_437 = arith.constant 0 : i32
        %dma_start3A_438 = tpu.memref_slice %arg9[%dma_start3A_435, %dma_start3A_436, %dma_start3A_437] : memref<4x128x64xf32, #tpu.memory_space<vmem>> -> memref<1x128x64xf32, #tpu.memory_space<vmem>>
        %dma_start3A_439 = tpu.memref_squeeze %dma_start3A_438 : memref<1x128x64xf32, #tpu.memory_space<vmem>> -> memref<128x64xf32, #tpu.memory_space<vmem>>
        %dma_start3A_440 = arith.constant 0 : i32
        %dma_start3A_441 = tpu.memref_slice %arg7[%add3A_434, %dma_start3A_440] : memref<32x128xi32, #tpu.memory_space<vmem>> -> memref<1x128xi32, #tpu.memory_space<vmem>>
        %dma_start3A_442 = tpu.memref_squeeze %dma_start3A_441 : memref<1x128xi32, #tpu.memory_space<vmem>> -> memref<128xi32, #tpu.memory_space<vmem>>
        %dma_start3A_443 = arith.constant 0 : i32
        %dma_start3A_444 = arith.constant 0 : i32
        %dma_start3A_445 = tpu.memref_slice %arg11[%dma_start3A_443, %dma_start3A_444] : memref<10000x64xf32, #tpu.memory_space<vmem_shared>> -> memref<10000x64xf32, #tpu.memory_space<vmem_shared>>
        tpu.enqueue_indirect_dma source(%dma_start3A_445 : memref<10000x64xf32, #tpu.memory_space<vmem_shared>>) target(%dma_start3A_439 : memref<128x64xf32, #tpu.memory_space<vmem>>) offsets(%dma_start3A_442 : memref<128xi32, #tpu.memory_space<vmem>>) semaphore(%arg14 : memref<!tpu.dma_semaphore, #tpu.memory_space<semaphore_mem>>)
        %mul3A_446 = arith.constant 4 : i32
        %mul3A_447 = arith.muli %mul3A_446, %scan3A_229 : i32
        %add3A_448 = arith.constant 3 : i32
        %add3A_449 = arith.addi %mul3A_447, %add3A_448 : i32
        %dma_wait3A_450 = arith.constant 3 : i32
        %dma_wait3A_451 = arith.constant 0 : i32
        %dma_wait3A_452 = arith.constant 0 : i32
        %dma_wait3A_453 = tpu.memref_slice %arg9[%dma_wait3A_450, %dma_wait3A_451, %dma_wait3A_452] : memref<4x128x64xf32, #tpu.memory_space<vmem>> -> memref<1x128x64xf32, #tpu.memory_space<vmem>>
        %dma_wait3A_454 = tpu.memref_squeeze %dma_wait3A_453 : memref<1x128x64xf32, #tpu.memory_space<vmem>> -> memref<128x64xf32, #tpu.memory_space<vmem>>
        %dma_wait3A_455 = arith.constant 0 : i32
        %dma_wait3A_456 = tpu.memref_slice %arg8[%add3A_449, %dma_wait3A_455] : memref<32x128xi32, #tpu.memory_space<vmem>> -> memref<1x128xi32, #tpu.memory_space<vmem>>
        %dma_wait3A_457 = tpu.memref_squeeze %dma_wait3A_456 : memref<1x128xi32, #tpu.memory_space<vmem>> -> memref<128xi32, #tpu.memory_space<vmem>>
        %dma_wait3A_458 = arith.constant 0 : i32
        %dma_wait3A_459 = arith.constant 0 : i32
        %dma_wait3A_460 = tpu.memref_slice %arg10[%dma_wait3A_458, %dma_wait3A_459] : memref<10240x64xf32, #tpu.memory_space<vmem_shared>> -> memref<10240x64xf32, #tpu.memory_space<vmem_shared>>
        tpu.wait_indirect_dma semaphore(%arg19 : memref<!tpu.dma_semaphore, #tpu.memory_space<semaphore_mem>>) src(%dma_wait3A_454 : memref<128x64xf32, #tpu.memory_space<vmem>>) dst(%dma_wait3A_460 : memref<10240x64xf32, #tpu.memory_space<vmem_shared>>)
        %add3A_461 = arith.constant 1 : i32
        %add3A_462 = arith.addi %scan3A_229, %add3A_461 : i32
        %mul3A_463 = arith.constant 4 : i32
        %mul3A_464 = arith.muli %mul3A_463, %add3A_462 : i32
        %add3A_465 = arith.constant 3 : i32
        %add3A_466 = arith.addi %mul3A_464, %add3A_465 : i32
        %dma_start3A_467 = arith.constant 3 : i32
        %dma_start3A_468 = arith.constant 0 : i32
        %dma_start3A_469 = arith.constant 0 : i32
        %dma_start3A_470 = tpu.memref_slice %arg9[%dma_start3A_467, %dma_start3A_468, %dma_start3A_469] : memref<4x128x64xf32, #tpu.memory_space<vmem>> -> memref<1x128x64xf32, #tpu.memory_space<vmem>>
        %dma_start3A_471 = tpu.memref_squeeze %dma_start3A_470 : memref<1x128x64xf32, #tpu.memory_space<vmem>> -> memref<128x64xf32, #tpu.memory_space<vmem>>
        %dma_start3A_472 = arith.constant 0 : i32
        %dma_start3A_473 = tpu.memref_slice %arg7[%add3A_466, %dma_start3A_472] : memref<32x128xi32, #tpu.memory_space<vmem>> -> memref<1x128xi32, #tpu.memory_space<vmem>>
        %dma_start3A_474 = tpu.memref_squeeze %dma_start3A_473 : memref<1x128xi32, #tpu.memory_space<vmem>> -> memref<128xi32, #tpu.memory_space<vmem>>
        %dma_start3A_475 = arith.constant 0 : i32
        %dma_start3A_476 = arith.constant 0 : i32
        %dma_start3A_477 = tpu.memref_slice %arg11[%dma_start3A_475, %dma_start3A_476] : memref<10000x64xf32, #tpu.memory_space<vmem_shared>> -> memref<10000x64xf32, #tpu.memory_space<vmem_shared>>
        tpu.enqueue_indirect_dma source(%dma_start3A_477 : memref<10000x64xf32, #tpu.memory_space<vmem_shared>>) target(%dma_start3A_471 : memref<128x64xf32, #tpu.memory_space<vmem>>) offsets(%dma_start3A_474 : memref<128xi32, #tpu.memory_space<vmem>>) semaphore(%arg15 : memref<!tpu.dma_semaphore, #tpu.memory_space<semaphore_mem>>)
      }
      %scan3A_84 = arith.constant 7 : i32
      %dma_wait3A_85 = arith.constant 28 : i32
      %dma_wait3A_86 = arith.constant 0 : i32
      %dma_wait3A_87 = arith.constant 0 : i32
      %dma_wait3A_88 = arith.constant 0 : i32
      %dma_wait3A_89 = tpu.memref_slice %arg9[%dma_wait3A_86, %dma_wait3A_87, %dma_wait3A_88] : memref<4x128x64xf32, #tpu.memory_space<vmem>> -> memref<1x128x64xf32, #tpu.memory_space<vmem>>
      %dma_wait3A_90 = tpu.memref_squeeze %dma_wait3A_89 : memref<1x128x64xf32, #tpu.memory_space<vmem>> -> memref<128x64xf32, #tpu.memory_space<vmem>>
      %dma_wait3A_91 = arith.constant 0 : i32
      %dma_wait3A_92 = tpu.memref_slice %arg7[%dma_wait3A_85, %dma_wait3A_91] : memref<32x128xi32, #tpu.memory_space<vmem>> -> memref<1x128xi32, #tpu.memory_space<vmem>>
      %dma_wait3A_93 = tpu.memref_squeeze %dma_wait3A_92 : memref<1x128xi32, #tpu.memory_space<vmem>> -> memref<128xi32, #tpu.memory_space<vmem>>
      %dma_wait3A_94 = arith.constant 0 : i32
      %dma_wait3A_95 = arith.constant 0 : i32
      %dma_wait3A_96 = tpu.memref_slice %arg11[%dma_wait3A_94, %dma_wait3A_95] : memref<10000x64xf32, #tpu.memory_space<vmem_shared>> -> memref<10000x64xf32, #tpu.memory_space<vmem_shared>>
      tpu.wait_indirect_dma semaphore(%arg12 : memref<!tpu.dma_semaphore, #tpu.memory_space<semaphore_mem>>) src(%dma_wait3A_96 : memref<10000x64xf32, #tpu.memory_space<vmem_shared>>) dst(%dma_wait3A_90 : memref<128x64xf32, #tpu.memory_space<vmem>>)
      %dma_start3A_97 = arith.constant 0 : i32
      %dma_start3A_98 = arith.constant 28 : i32
      %dma_start3A_99 = arith.constant 0 : i32
      %dma_start3A_100 = arith.constant 0 : i32
      %dma_start3A_101 = tpu.memref_slice %arg9[%dma_start3A_97, %dma_start3A_99, %dma_start3A_100] : memref<4x128x64xf32, #tpu.memory_space<vmem>> -> memref<1x128x64xf32, #tpu.memory_space<vmem>>
      %dma_start3A_102 = tpu.memref_squeeze %dma_start3A_101 : memref<1x128x64xf32, #tpu.memory_space<vmem>> -> memref<128x64xf32, #tpu.memory_space<vmem>>
      %dma_start3A_103 = arith.constant 0 : i32
      %dma_start3A_104 = tpu.memref_slice %arg8[%dma_start3A_98, %dma_start3A_103] : memref<32x128xi32, #tpu.memory_space<vmem>> -> memref<1x128xi32, #tpu.memory_space<vmem>>
      %dma_start3A_105 = tpu.memref_squeeze %dma_start3A_104 : memref<1x128xi32, #tpu.memory_space<vmem>> -> memref<128xi32, #tpu.memory_space<vmem>>
      %dma_start3A_106 = arith.constant 0 : i32
      %dma_start3A_107 = arith.constant 0 : i32
      %dma_start3A_108 = tpu.memref_slice %arg10[%dma_start3A_106, %dma_start3A_107] : memref<10240x64xf32, #tpu.memory_space<vmem_shared>> -> memref<10240x64xf32, #tpu.memory_space<vmem_shared>>
      tpu.enqueue_indirect_dma source(%dma_start3A_102 : memref<128x64xf32, #tpu.memory_space<vmem>>) target(%dma_start3A_108 : memref<10240x64xf32, #tpu.memory_space<vmem_shared>>) offsets(%dma_start3A_105 : memref<128xi32, #tpu.memory_space<vmem>>) semaphore(%arg16 : memref<!tpu.dma_semaphore, #tpu.memory_space<semaphore_mem>>) {add = true}
      %dma_wait3A_109 = arith.constant 29 : i32
      %dma_wait3A_110 = arith.constant 1 : i32
      %dma_wait3A_111 = arith.constant 0 : i32
      %dma_wait3A_112 = arith.constant 0 : i32
      %dma_wait3A_113 = tpu.memref_slice %arg9[%dma_wait3A_110, %dma_wait3A_111, %dma_wait3A_112] : memref<4x128x64xf32, #tpu.memory_space<vmem>> -> memref<1x128x64xf32, #tpu.memory_space<vmem>>
      %dma_wait3A_114 = tpu.memref_squeeze %dma_wait3A_113 : memref<1x128x64xf32, #tpu.memory_space<vmem>> -> memref<128x64xf32, #tpu.memory_space<vmem>>
      %dma_wait3A_115 = arith.constant 0 : i32
      %dma_wait3A_116 = tpu.memref_slice %arg7[%dma_wait3A_109, %dma_wait3A_115] : memref<32x128xi32, #tpu.memory_space<vmem>> -> memref<1x128xi32, #tpu.memory_space<vmem>>
      %dma_wait3A_117 = tpu.memref_squeeze %dma_wait3A_116 : memref<1x128xi32, #tpu.memory_space<vmem>> -> memref<128xi32, #tpu.memory_space<vmem>>
      %dma_wait3A_118 = arith.constant 0 : i32
      %dma_wait3A_119 = arith.constant 0 : i32
      %dma_wait3A_120 = tpu.memref_slice %arg11[%dma_wait3A_118, %dma_wait3A_119] : memref<10000x64xf32, #tpu.memory_space<vmem_shared>> -> memref<10000x64xf32, #tpu.memory_space<vmem_shared>>
      tpu.wait_indirect_dma semaphore(%arg13 : memref<!tpu.dma_semaphore, #tpu.memory_space<semaphore_mem>>) src(%dma_wait3A_120 : memref<10000x64xf32, #tpu.memory_space<vmem_shared>>) dst(%dma_wait3A_114 : memref<128x64xf32, #tpu.memory_space<vmem>>)
      %dma_start3A_121 = arith.constant 1 : i32
      %dma_start3A_122 = arith.constant 29 : i32
      %dma_start3A_123 = arith.constant 0 : i32
      %dma_start3A_124 = arith.constant 0 : i32
      %dma_start3A_125 = tpu.memref_slice %arg9[%dma_start3A_121, %dma_start3A_123, %dma_start3A_124] : memref<4x128x64xf32, #tpu.memory_space<vmem>> -> memref<1x128x64xf32, #tpu.memory_space<vmem>>
      %dma_start3A_126 = tpu.memref_squeeze %dma_start3A_125 : memref<1x128x64xf32, #tpu.memory_space<vmem>> -> memref<128x64xf32, #tpu.memory_space<vmem>>
      %dma_start3A_127 = arith.constant 0 : i32
      %dma_start3A_128 = tpu.memref_slice %arg8[%dma_start3A_122, %dma_start3A_127] : memref<32x128xi32, #tpu.memory_space<vmem>> -> memref<1x128xi32, #tpu.memory_space<vmem>>
      %dma_start3A_129 = tpu.memref_squeeze %dma_start3A_128 : memref<1x128xi32, #tpu.memory_space<vmem>> -> memref<128xi32, #tpu.memory_space<vmem>>
      %dma_start3A_130 = arith.constant 0 : i32
      %dma_start3A_131 = arith.constant 0 : i32
      %dma_start3A_132 = tpu.memref_slice %arg10[%dma_start3A_130, %dma_start3A_131] : memref<10240x64xf32, #tpu.memory_space<vmem_shared>> -> memref<10240x64xf32, #tpu.memory_space<vmem_shared>>
      tpu.enqueue_indirect_dma source(%dma_start3A_126 : memref<128x64xf32, #tpu.memory_space<vmem>>) target(%dma_start3A_132 : memref<10240x64xf32, #tpu.memory_space<vmem_shared>>) offsets(%dma_start3A_129 : memref<128xi32, #tpu.memory_space<vmem>>) semaphore(%arg17 : memref<!tpu.dma_semaphore, #tpu.memory_space<semaphore_mem>>) {add = true}
      %dma_wait3A_133 = arith.constant 30 : i32
      %dma_wait3A_134 = arith.constant 2 : i32
      %dma_wait3A_135 = arith.constant 0 : i32
      %dma_wait3A_136 = arith.constant 0 : i32
      %dma_wait3A_137 = tpu.memref_slice %arg9[%dma_wait3A_134, %dma_wait3A_135, %dma_wait3A_136] : memref<4x128x64xf32, #tpu.memory_space<vmem>> -> memref<1x128x64xf32, #tpu.memory_space<vmem>>
      %dma_wait3A_138 = tpu.memref_squeeze %dma_wait3A_137 : memref<1x128x64xf32, #tpu.memory_space<vmem>> -> memref<128x64xf32, #tpu.memory_space<vmem>>
      %dma_wait3A_139 = arith.constant 0 : i32
      %dma_wait3A_140 = tpu.memref_slice %arg7[%dma_wait3A_133, %dma_wait3A_139] : memref<32x128xi32, #tpu.memory_space<vmem>> -> memref<1x128xi32, #tpu.memory_space<vmem>>
      %dma_wait3A_141 = tpu.memref_squeeze %dma_wait3A_140 : memref<1x128xi32, #tpu.memory_space<vmem>> -> memref<128xi32, #tpu.memory_space<vmem>>
      %dma_wait3A_142 = arith.constant 0 : i32
      %dma_wait3A_143 = arith.constant 0 : i32
      %dma_wait3A_144 = tpu.memref_slice %arg11[%dma_wait3A_142, %dma_wait3A_143] : memref<10000x64xf32, #tpu.memory_space<vmem_shared>> -> memref<10000x64xf32, #tpu.memory_space<vmem_shared>>
      tpu.wait_indirect_dma semaphore(%arg14 : memref<!tpu.dma_semaphore, #tpu.memory_space<semaphore_mem>>) src(%dma_wait3A_144 : memref<10000x64xf32, #tpu.memory_space<vmem_shared>>) dst(%dma_wait3A_138 : memref<128x64xf32, #tpu.memory_space<vmem>>)
      %dma_start3A_145 = arith.constant 2 : i32
      %dma_start3A_146 = arith.constant 30 : i32
      %dma_start3A_147 = arith.constant 0 : i32
      %dma_start3A_148 = arith.constant 0 : i32
      %dma_start3A_149 = tpu.memref_slice %arg9[%dma_start3A_145, %dma_start3A_147, %dma_start3A_148] : memref<4x128x64xf32, #tpu.memory_space<vmem>> -> memref<1x128x64xf32, #tpu.memory_space<vmem>>
      %dma_start3A_150 = tpu.memref_squeeze %dma_start3A_149 : memref<1x128x64xf32, #tpu.memory_space<vmem>> -> memref<128x64xf32, #tpu.memory_space<vmem>>
      %dma_start3A_151 = arith.constant 0 : i32
      %dma_start3A_152 = tpu.memref_slice %arg8[%dma_start3A_146, %dma_start3A_151] : memref<32x128xi32, #tpu.memory_space<vmem>> -> memref<1x128xi32, #tpu.memory_space<vmem>>
      %dma_start3A_153 = tpu.memref_squeeze %dma_start3A_152 : memref<1x128xi32, #tpu.memory_space<vmem>> -> memref<128xi32, #tpu.memory_space<vmem>>
      %dma_start3A_154 = arith.constant 0 : i32
      %dma_start3A_155 = arith.constant 0 : i32
      %dma_start3A_156 = tpu.memref_slice %arg10[%dma_start3A_154, %dma_start3A_155] : memref<10240x64xf32, #tpu.memory_space<vmem_shared>> -> memref<10240x64xf32, #tpu.memory_space<vmem_shared>>
      tpu.enqueue_indirect_dma source(%dma_start3A_150 : memref<128x64xf32, #tpu.memory_space<vmem>>) target(%dma_start3A_156 : memref<10240x64xf32, #tpu.memory_space<vmem_shared>>) offsets(%dma_start3A_153 : memref<128xi32, #tpu.memory_space<vmem>>) semaphore(%arg18 : memref<!tpu.dma_semaphore, #tpu.memory_space<semaphore_mem>>) {add = true}
      %dma_wait3A_157 = arith.constant 31 : i32
      %dma_wait3A_158 = arith.constant 3 : i32
      %dma_wait3A_159 = arith.constant 0 : i32
      %dma_wait3A_160 = arith.constant 0 : i32
      %dma_wait3A_161 = tpu.memref_slice %arg9[%dma_wait3A_158, %dma_wait3A_159, %dma_wait3A_160] : memref<4x128x64xf32, #tpu.memory_space<vmem>> -> memref<1x128x64xf32, #tpu.memory_space<vmem>>
      %dma_wait3A_162 = tpu.memref_squeeze %dma_wait3A_161 : memref<1x128x64xf32, #tpu.memory_space<vmem>> -> memref<128x64xf32, #tpu.memory_space<vmem>>
      %dma_wait3A_163 = arith.constant 0 : i32
      %dma_wait3A_164 = tpu.memref_slice %arg7[%dma_wait3A_157, %dma_wait3A_163] : memref<32x128xi32, #tpu.memory_space<vmem>> -> memref<1x128xi32, #tpu.memory_space<vmem>>
      %dma_wait3A_165 = tpu.memref_squeeze %dma_wait3A_164 : memref<1x128xi32, #tpu.memory_space<vmem>> -> memref<128xi32, #tpu.memory_space<vmem>>
      %dma_wait3A_166 = arith.constant 0 : i32
      %dma_wait3A_167 = arith.constant 0 : i32
      %dma_wait3A_168 = tpu.memref_slice %arg11[%dma_wait3A_166, %dma_wait3A_167] : memref<10000x64xf32, #tpu.memory_space<vmem_shared>> -> memref<10000x64xf32, #tpu.memory_space<vmem_shared>>
      tpu.wait_indirect_dma semaphore(%arg15 : memref<!tpu.dma_semaphore, #tpu.memory_space<semaphore_mem>>) src(%dma_wait3A_168 : memref<10000x64xf32, #tpu.memory_space<vmem_shared>>) dst(%dma_wait3A_162 : memref<128x64xf32, #tpu.memory_space<vmem>>)
      %dma_start3A_169 = arith.constant 3 : i32
      %dma_start3A_170 = arith.constant 31 : i32
      %dma_start3A_171 = arith.constant 0 : i32
      %dma_start3A_172 = arith.constant 0 : i32
      %dma_start3A_173 = tpu.memref_slice %arg9[%dma_start3A_169, %dma_start3A_171, %dma_start3A_172] : memref<4x128x64xf32, #tpu.memory_space<vmem>> -> memref<1x128x64xf32, #tpu.memory_space<vmem>>
      %dma_start3A_174 = tpu.memref_squeeze %dma_start3A_173 : memref<1x128x64xf32, #tpu.memory_space<vmem>> -> memref<128x64xf32, #tpu.memory_space<vmem>>
      %dma_start3A_175 = arith.constant 0 : i32
      %dma_start3A_176 = tpu.memref_slice %arg8[%dma_start3A_170, %dma_start3A_175] : memref<32x128xi32, #tpu.memory_space<vmem>> -> memref<1x128xi32, #tpu.memory_space<vmem>>
      %dma_start3A_177 = tpu.memref_squeeze %dma_start3A_176 : memref<1x128xi32, #tpu.memory_space<vmem>> -> memref<128xi32, #tpu.memory_space<vmem>>
      %dma_start3A_178 = arith.constant 0 : i32
      %dma_start3A_179 = arith.constant 0 : i32
      %dma_start3A_180 = tpu.memref_slice %arg10[%dma_start3A_178, %dma_start3A_179] : memref<10240x64xf32, #tpu.memory_space<vmem_shared>> -> memref<10240x64xf32, #tpu.memory_space<vmem_shared>>
      tpu.enqueue_indirect_dma source(%dma_start3A_174 : memref<128x64xf32, #tpu.memory_space<vmem>>) target(%dma_start3A_180 : memref<10240x64xf32, #tpu.memory_space<vmem_shared>>) offsets(%dma_start3A_177 : memref<128xi32, #tpu.memory_space<vmem>>) semaphore(%arg19 : memref<!tpu.dma_semaphore, #tpu.memory_space<semaphore_mem>>) {add = true}
      %dma_wait3A_181 = arith.constant 0 : i32
      %dma_wait3A_182 = arith.constant 28 : i32
      %dma_wait3A_183 = arith.constant 0 : i32
      %dma_wait3A_184 = arith.constant 0 : i32
      %dma_wait3A_185 = tpu.memref_slice %arg9[%dma_wait3A_181, %dma_wait3A_183, %dma_wait3A_184] : memref<4x128x64xf32, #tpu.memory_space<vmem>> -> memref<1x128x64xf32, #tpu.memory_space<vmem>>
      %dma_wait3A_186 = tpu.memref_squeeze %dma_wait3A_185 : memref<1x128x64xf32, #tpu.memory_space<vmem>> -> memref<128x64xf32, #tpu.memory_space<vmem>>
      %dma_wait3A_187 = arith.constant 0 : i32
      %dma_wait3A_188 = tpu.memref_slice %arg8[%dma_wait3A_182, %dma_wait3A_187] : memref<32x128xi32, #tpu.memory_space<vmem>> -> memref<1x128xi32, #tpu.memory_space<vmem>>
      %dma_wait3A_189 = tpu.memref_squeeze %dma_wait3A_188 : memref<1x128xi32, #tpu.memory_space<vmem>> -> memref<128xi32, #tpu.memory_space<vmem>>
      %dma_wait3A_190 = arith.constant 0 : i32
      %dma_wait3A_191 = arith.constant 0 : i32
      %dma_wait3A_192 = tpu.memref_slice %arg10[%dma_wait3A_190, %dma_wait3A_191] : memref<10240x64xf32, #tpu.memory_space<vmem_shared>> -> memref<10240x64xf32, #tpu.memory_space<vmem_shared>>
      tpu.wait_indirect_dma semaphore(%arg16 : memref<!tpu.dma_semaphore, #tpu.memory_space<semaphore_mem>>) src(%dma_wait3A_186 : memref<128x64xf32, #tpu.memory_space<vmem>>) dst(%dma_wait3A_192 : memref<10240x64xf32, #tpu.memory_space<vmem_shared>>)
      %dma_wait3A_193 = arith.constant 1 : i32
      %dma_wait3A_194 = arith.constant 29 : i32
      %dma_wait3A_195 = arith.constant 0 : i32
      %dma_wait3A_196 = arith.constant 0 : i32
      %dma_wait3A_197 = tpu.memref_slice %arg9[%dma_wait3A_193, %dma_wait3A_195, %dma_wait3A_196] : memref<4x128x64xf32, #tpu.memory_space<vmem>> -> memref<1x128x64xf32, #tpu.memory_space<vmem>>
      %dma_wait3A_198 = tpu.memref_squeeze %dma_wait3A_197 : memref<1x128x64xf32, #tpu.memory_space<vmem>> -> memref<128x64xf32, #tpu.memory_space<vmem>>
      %dma_wait3A_199 = arith.constant 0 : i32
      %dma_wait3A_200 = tpu.memref_slice %arg8[%dma_wait3A_194, %dma_wait3A_199] : memref<32x128xi32, #tpu.memory_space<vmem>> -> memref<1x128xi32, #tpu.memory_space<vmem>>
      %dma_wait3A_201 = tpu.memref_squeeze %dma_wait3A_200 : memref<1x128xi32, #tpu.memory_space<vmem>> -> memref<128xi32, #tpu.memory_space<vmem>>
      %dma_wait3A_202 = arith.constant 0 : i32
      %dma_wait3A_203 = arith.constant 0 : i32
      %dma_wait3A_204 = tpu.memref_slice %arg10[%dma_wait3A_202, %dma_wait3A_203] : memref<10240x64xf32, #tpu.memory_space<vmem_shared>> -> memref<10240x64xf32, #tpu.memory_space<vmem_shared>>
      tpu.wait_indirect_dma semaphore(%arg17 : memref<!tpu.dma_semaphore, #tpu.memory_space<semaphore_mem>>) src(%dma_wait3A_198 : memref<128x64xf32, #tpu.memory_space<vmem>>) dst(%dma_wait3A_204 : memref<10240x64xf32, #tpu.memory_space<vmem_shared>>)
      %dma_wait3A_205 = arith.constant 2 : i32
      %dma_wait3A_206 = arith.constant 30 : i32
      %dma_wait3A_207 = arith.constant 0 : i32
      %dma_wait3A_208 = arith.constant 0 : i32
      %dma_wait3A_209 = tpu.memref_slice %arg9[%dma_wait3A_205, %dma_wait3A_207, %dma_wait3A_208] : memref<4x128x64xf32, #tpu.memory_space<vmem>> -> memref<1x128x64xf32, #tpu.memory_space<vmem>>
      %dma_wait3A_210 = tpu.memref_squeeze %dma_wait3A_209 : memref<1x128x64xf32, #tpu.memory_space<vmem>> -> memref<128x64xf32, #tpu.memory_space<vmem>>
      %dma_wait3A_211 = arith.constant 0 : i32
      %dma_wait3A_212 = tpu.memref_slice %arg8[%dma_wait3A_206, %dma_wait3A_211] : memref<32x128xi32, #tpu.memory_space<vmem>> -> memref<1x128xi32, #tpu.memory_space<vmem>>
      %dma_wait3A_213 = tpu.memref_squeeze %dma_wait3A_212 : memref<1x128xi32, #tpu.memory_space<vmem>> -> memref<128xi32, #tpu.memory_space<vmem>>
      %dma_wait3A_214 = arith.constant 0 : i32
      %dma_wait3A_215 = arith.constant 0 : i32
      %dma_wait3A_216 = tpu.memref_slice %arg10[%dma_wait3A_214, %dma_wait3A_215] : memref<10240x64xf32, #tpu.memory_space<vmem_shared>> -> memref<10240x64xf32, #tpu.memory_space<vmem_shared>>
      tpu.wait_indirect_dma semaphore(%arg18 : memref<!tpu.dma_semaphore, #tpu.memory_space<semaphore_mem>>) src(%dma_wait3A_210 : memref<128x64xf32, #tpu.memory_space<vmem>>) dst(%dma_wait3A_216 : memref<10240x64xf32, #tpu.memory_space<vmem_shared>>)
      %dma_wait3A_217 = arith.constant 3 : i32
      %dma_wait3A_218 = arith.constant 31 : i32
      %dma_wait3A_219 = arith.constant 0 : i32
      %dma_wait3A_220 = arith.constant 0 : i32
      %dma_wait3A_221 = tpu.memref_slice %arg9[%dma_wait3A_217, %dma_wait3A_219, %dma_wait3A_220] : memref<4x128x64xf32, #tpu.memory_space<vmem>> -> memref<1x128x64xf32, #tpu.memory_space<vmem>>
      %dma_wait3A_222 = tpu.memref_squeeze %dma_wait3A_221 : memref<1x128x64xf32, #tpu.memory_space<vmem>> -> memref<128x64xf32, #tpu.memory_space<vmem>>
      %dma_wait3A_223 = arith.constant 0 : i32
      %dma_wait3A_224 = tpu.memref_slice %arg8[%dma_wait3A_218, %dma_wait3A_223] : memref<32x128xi32, #tpu.memory_space<vmem>> -> memref<1x128xi32, #tpu.memory_space<vmem>>
      %dma_wait3A_225 = tpu.memref_squeeze %dma_wait3A_224 : memref<1x128xi32, #tpu.memory_space<vmem>> -> memref<128xi32, #tpu.memory_space<vmem>>
      %dma_wait3A_226 = arith.constant 0 : i32
      %dma_wait3A_227 = arith.constant 0 : i32
      %dma_wait3A_228 = tpu.memref_slice %arg10[%dma_wait3A_226, %dma_wait3A_227] : memref<10240x64xf32, #tpu.memory_space<vmem_shared>> -> memref<10240x64xf32, #tpu.memory_space<vmem_shared>>
      tpu.wait_indirect_dma semaphore(%arg19 : memref<!tpu.dma_semaphore, #tpu.memory_space<semaphore_mem>>) src(%dma_wait3A_222 : memref<128x64xf32, #tpu.memory_space<vmem>>) dst(%dma_wait3A_228 : memref<10240x64xf32, #tpu.memory_space<vmem_shared>>)
    }
    %scan3A_21 = arith.constant 5 : i32
    %barrier3A_22 = arith.constant 0 : index
    tpu.barrier barrier_id(%barrier3A_22)
    %mul3A_23 = arith.constant 640 : i32
    %mul3A_24 = arith.muli %arg1, %mul3A_23 : i32
    %mul3A_25 = arith.constant 640 : i32
    %mul3A_26 = arith.muli %arg1, %mul3A_25 : i32
    "tpu.region"() ({
      %run_scoped3A = tpu.sem_alloc : memref<!tpu.dma_semaphore, #tpu.memory_space<semaphore_mem>>
      %dma_start3A_27 = arith.constant 0 : i32
      %dma_start3A_28 = tpu.memref_slice %arg6[%arg0, %mul3A_26, %dma_start3A_27] : memref<2x10240x64xf32, #tpu.memory_space<hbm>> -> memref<1x640x64xf32, #tpu.memory_space<hbm>>
      %dma_start3A_29 = tpu.memref_squeeze %dma_start3A_28 : memref<1x640x64xf32, #tpu.memory_space<hbm>> -> memref<640x64xf32, #tpu.memory_space<hbm>>
      %dma_start3A_30 = arith.constant 0 : i32
      %dma_start3A_31 = tpu.memref_slice %arg10[%mul3A_24, %dma_start3A_30] : memref<10240x64xf32, #tpu.memory_space<vmem_shared>> -> memref<640x64xf32, #tpu.memory_space<vmem_shared>>
      tpu.enqueue_dma source(%dma_start3A_31 : memref<640x64xf32, #tpu.memory_space<vmem_shared>>) target(%dma_start3A_29 : memref<640x64xf32, #tpu.memory_space<hbm>>) target_semaphore(%run_scoped3A : memref<!tpu.dma_semaphore, #tpu.memory_space<semaphore_mem>>)
      %dma_wait3A_32 = arith.constant 0 : i32
      %dma_wait3A_33 = tpu.memref_slice %arg6[%arg0, %mul3A_26, %dma_wait3A_32] : memref<2x10240x64xf32, #tpu.memory_space<hbm>> -> memref<1x640x64xf32, #tpu.memory_space<hbm>>
      %dma_wait3A_34 = tpu.memref_squeeze %dma_wait3A_33 : memref<1x640x64xf32, #tpu.memory_space<hbm>> -> memref<640x64xf32, #tpu.memory_space<hbm>>
      %dma_wait3A_35 = arith.constant 0 : i32
      %dma_wait3A_36 = tpu.memref_slice %arg10[%mul3A_24, %dma_wait3A_35] : memref<10240x64xf32, #tpu.memory_space<vmem_shared>> -> memref<640x64xf32, #tpu.memory_space<vmem_shared>>
      tpu.wait_dma2 semaphore(%run_scoped3A : memref<!tpu.dma_semaphore, #tpu.memory_space<semaphore_mem>>) src(%dma_wait3A_36 : memref<640x64xf32, #tpu.memory_space<vmem_shared>>) dst(%dma_wait3A_34 : memref<640x64xf32, #tpu.memory_space<hbm>>)
      tpu.yield
    }) : () -> ()
    return
  }
}

#map = affine_map<(d0, d1) -> (0, 0)>
#map1 = affine_map<(d0, d1) -> (0, 0, 0)>
module attributes {stable_mosaic.version = 14 : i64} {
  func.func @k(%arg0: i32, %arg1: i32, %arg2: memref<10000x64xf32, #tpu.memory_space<hbm>>, %arg3: memref<32x160x128xi32, #tpu.memory_space<hbm>>, %arg4: memref<32x160x128xi32, #tpu.memory_space<hbm>>, %arg5: memref<640x64xf32, #tpu.memory_space<hbm>>, %arg6: memref<2x10240x64xf32, #tpu.memory_space<hbm>>, %arg7: memref<32x128xi32, #tpu.memory_space<vmem>>, %arg8: memref<32x128xi32, #tpu.memory_space<vmem>>, %arg9: memref<4x128x64xf32, #tpu.memory_space<vmem>>, %arg10: memref<10240x64xf32, #tpu.memory_space<vmem_shared>>, %arg11: memref<10000x64xf32, #tpu.memory_space<vmem_shared>>, %arg12: memref<!tpu.dma_semaphore, #tpu.memory_space<semaphore_mem>>, %arg13: memref<!tpu.dma_semaphore, #tpu.memory_space<semaphore_mem>>, %arg14: memref<!tpu.dma_semaphore, #tpu.memory_space<semaphore_mem>>, %arg15: memref<!tpu.dma_semaphore, #tpu.memory_space<semaphore_mem>>, %arg16: memref<!tpu.dma_semaphore, #tpu.memory_space<semaphore_mem>>, %arg17: memref<!tpu.dma_semaphore, #tpu.memory_space<semaphore_mem>>, %arg18: memref<!tpu.dma_semaphore, #tpu.memory_space<semaphore_mem>>, %arg19: memref<!tpu.dma_semaphore, #tpu.memory_space<semaphore_mem>>) attributes {dimension_semantics = [#tpu.dimension_semantics<core_parallel>, #tpu.dimension_semantics<subcore_parallel>], iteration_bounds = array<i64: 2, 16>, scalar_prefetch = 0 : i64, scratch_operands = 13 : i64, tpu.core_type = #tpu.core_type<sc_vector_subcore>, window_params = [{transform_indices = #map}, {transform_indices = #map1}, {transform_indices = #map1}, {transform_indices = #map}, {transform_indices = #map1}]} {
    %mul3A = arith.constant 2 : i32
    %mul3A_0 = arith.muli %arg1, %mul3A : i32
    %add3A = arith.addi %mul3A_0, %arg0 : i32
    %mul3A_1 = arith.constant 640 : i32
    %mul3A_2 = arith.muli %arg1, %mul3A_1 : i32
    %mul3A_3 = arith.constant 625 : i32
    %mul3A_4 = arith.muli %arg1, %mul3A_3 : i32
    %mul3A_5 = arith.constant 625 : i32
    %mul3A_6 = arith.muli %arg1, %mul3A_5 : i32
    %dma_start3A = arith.constant 0 : i32
    %dma_start3A_7 = tpu.memref_slice %arg10[%mul3A_2, %dma_start3A] : memref<10240x64xf32, #tpu.memory_space<vmem_shared>> -> memref<640x64xf32, #tpu.memory_space<vmem_shared>>
    tpu.enqueue_dma source(%arg5 : memref<640x64xf32, #tpu.memory_space<hbm>>) target(%dma_start3A_7 : memref<640x64xf32, #tpu.memory_space<vmem_shared>>) target_semaphore(%arg12 : memref<!tpu.dma_semaphore, #tpu.memory_space<semaphore_mem>>)
    %dma_start3A_8 = arith.constant 0 : i32
    %dma_start3A_9 = tpu.memref_slice %arg11[%mul3A_6, %dma_start3A_8] : memref<10000x64xf32, #tpu.memory_space<vmem_shared>> -> memref<625x64xf32, #tpu.memory_space<vmem_shared>>
    %dma_start3A_10 = arith.constant 0 : i32
    %dma_start3A_11 = tpu.memref_slice %arg2[%mul3A_4, %dma_start3A_10] : memref<10000x64xf32, #tpu.memory_space<hbm>> -> memref<625x64xf32, #tpu.memory_space<hbm>>
    tpu.enqueue_dma source(%dma_start3A_11 : memref<625x64xf32, #tpu.memory_space<hbm>>) target(%dma_start3A_9 : memref<625x64xf32, #tpu.memory_space<vmem_shared>>) target_semaphore(%arg13 : memref<!tpu.dma_semaphore, #tpu.memory_space<semaphore_mem>>)
    %dma_wait3A = arith.constant 0 : i32
    %dma_wait3A_12 = tpu.memref_slice %arg10[%mul3A_2, %dma_wait3A] : memref<10240x64xf32, #tpu.memory_space<vmem_shared>> -> memref<640x64xf32, #tpu.memory_space<vmem_shared>>
    tpu.wait_dma2 semaphore(%arg12 : memref<!tpu.dma_semaphore, #tpu.memory_space<semaphore_mem>>) src(%arg5 : memref<640x64xf32, #tpu.memory_space<hbm>>) dst(%dma_wait3A_12 : memref<640x64xf32, #tpu.memory_space<vmem_shared>>)
    %dma_wait3A_13 = arith.constant 0 : i32
    %dma_wait3A_14 = tpu.memref_slice %arg11[%mul3A_6, %dma_wait3A_13] : memref<10000x64xf32, #tpu.memory_space<vmem_shared>> -> memref<625x64xf32, #tpu.memory_space<vmem_shared>>
    %dma_wait3A_15 = arith.constant 0 : i32
    %dma_wait3A_16 = tpu.memref_slice %arg2[%mul3A_4, %dma_wait3A_15] : memref<10000x64xf32, #tpu.memory_space<hbm>> -> memref<625x64xf32, #tpu.memory_space<hbm>>
    tpu.wait_dma2 semaphore(%arg13 : memref<!tpu.dma_semaphore, #tpu.memory_space<semaphore_mem>>) src(%dma_wait3A_16 : memref<625x64xf32, #tpu.memory_space<hbm>>) dst(%dma_wait3A_14 : memref<625x64xf32, #tpu.memory_space<vmem_shared>>)
    %barrier3A = arith.constant 0 : index
    tpu.barrier barrier_id(%barrier3A)
    %scan3A = arith.constant 0 : i32
    %scan3A_17 = arith.constant 0 : i32
    %scan3A_18 = arith.constant 5 : i32
    %scan3A_19 = arith.addi %scan3A_17, %scan3A_18 : i32
    %scan3A_20 = arith.constant 1 : i32
    scf.for %scan3A_27 = %scan3A_17 to %scan3A_19 step %scan3A_20  : i32 {
      %mul3A_28 = arith.constant 32 : i32
      %mul3A_29 = arith.muli %scan3A_27, %mul3A_28 : i32
      "tpu.region"() ({
        %run_scoped3A = tpu.sem_alloc : memref<!tpu.dma_semaphore, #tpu.memory_space<semaphore_mem>>
        %dma_start3A_229 = arith.constant 0 : i32
        %dma_start3A_230 = tpu.memref_slice %arg3[%add3A, %mul3A_29, %dma_start3A_229] : memref<32x160x128xi32, #tpu.memory_space<hbm>> -> memref<1x32x128xi32, #tpu.memory_space<hbm>>
        %dma_start3A_231 = tpu.memref_squeeze %dma_start3A_230 : memref<1x32x128xi32, #tpu.memory_space<hbm>> -> memref<32x128xi32, #tpu.memory_space<hbm>>
        %dma_start3A_232 = arith.constant 0 : i32
        %dma_start3A_233 = tpu.memref_slice %arg3[%add3A, %mul3A_29, %dma_start3A_232] : memref<32x160x128xi32, #tpu.memory_space<hbm>> -> memref<1x32x128xi32, #tpu.memory_space<hbm>>
        %dma_start3A_234 = tpu.memref_squeeze %dma_start3A_233 : memref<1x32x128xi32, #tpu.memory_space<hbm>> -> memref<32x128xi32, #tpu.memory_space<hbm>>
        tpu.enqueue_dma source(%dma_start3A_234 : memref<32x128xi32, #tpu.memory_space<hbm>>) target(%arg7 : memref<32x128xi32, #tpu.memory_space<vmem>>) target_semaphore(%run_scoped3A : memref<!tpu.dma_semaphore, #tpu.memory_space<semaphore_mem>>)
        %dma_wait3A_235 = arith.constant 0 : i32
        %dma_wait3A_236 = tpu.memref_slice %arg3[%add3A, %mul3A_29, %dma_wait3A_235] : memref<32x160x128xi32, #tpu.memory_space<hbm>> -> memref<1x32x128xi32, #tpu.memory_space<hbm>>
        %dma_wait3A_237 = tpu.memref_squeeze %dma_wait3A_236 : memref<1x32x128xi32, #tpu.memory_space<hbm>> -> memref<32x128xi32, #tpu.memory_space<hbm>>
        %dma_wait3A_238 = arith.constant 0 : i32
        %dma_wait3A_239 = tpu.memref_slice %arg3[%add3A, %mul3A_29, %dma_wait3A_238] : memref<32x160x128xi32, #tpu.memory_space<hbm>> -> memref<1x32x128xi32, #tpu.memory_space<hbm>>
        %dma_wait3A_240 = tpu.memref_squeeze %dma_wait3A_239 : memref<1x32x128xi32, #tpu.memory_space<hbm>> -> memref<32x128xi32, #tpu.memory_space<hbm>>
        tpu.wait_dma2 semaphore(%run_scoped3A : memref<!tpu.dma_semaphore, #tpu.memory_space<semaphore_mem>>) src(%dma_wait3A_240 : memref<32x128xi32, #tpu.memory_space<hbm>>) dst(%arg7 : memref<32x128xi32, #tpu.memory_space<vmem>>)
        tpu.yield
      }) : () -> ()
      %mul3A_30 = arith.constant 32 : i32
      %mul3A_31 = arith.muli %scan3A_27, %mul3A_30 : i32
      "tpu.region"() ({
        %run_scoped3A = tpu.sem_alloc : memref<!tpu.dma_semaphore, #tpu.memory_space<semaphore_mem>>
        %dma_start3A_229 = arith.constant 0 : i32
        %dma_start3A_230 = tpu.memref_slice %arg4[%add3A, %mul3A_31, %dma_start3A_229] : memref<32x160x128xi32, #tpu.memory_space<hbm>> -> memref<1x32x128xi32, #tpu.memory_space<hbm>>
        %dma_start3A_231 = tpu.memref_squeeze %dma_start3A_230 : memref<1x32x128xi32, #tpu.memory_space<hbm>> -> memref<32x128xi32, #tpu.memory_space<hbm>>
        %dma_start3A_232 = arith.constant 0 : i32
        %dma_start3A_233 = tpu.memref_slice %arg4[%add3A, %mul3A_31, %dma_start3A_232] : memref<32x160x128xi32, #tpu.memory_space<hbm>> -> memref<1x32x128xi32, #tpu.memory_space<hbm>>
        %dma_start3A_234 = tpu.memref_squeeze %dma_start3A_233 : memref<1x32x128xi32, #tpu.memory_space<hbm>> -> memref<32x128xi32, #tpu.memory_space<hbm>>
        tpu.enqueue_dma source(%dma_start3A_234 : memref<32x128xi32, #tpu.memory_space<hbm>>) target(%arg8 : memref<32x128xi32, #tpu.memory_space<vmem>>) target_semaphore(%run_scoped3A : memref<!tpu.dma_semaphore, #tpu.memory_space<semaphore_mem>>)
        %dma_wait3A_235 = arith.constant 0 : i32
        %dma_wait3A_236 = tpu.memref_slice %arg4[%add3A, %mul3A_31, %dma_wait3A_235] : memref<32x160x128xi32, #tpu.memory_space<hbm>> -> memref<1x32x128xi32, #tpu.memory_space<hbm>>
        %dma_wait3A_237 = tpu.memref_squeeze %dma_wait3A_236 : memref<1x32x128xi32, #tpu.memory_space<hbm>> -> memref<32x128xi32, #tpu.memory_space<hbm>>
        %dma_wait3A_238 = arith.constant 0 : i32
        %dma_wait3A_239 = tpu.memref_slice %arg4[%add3A, %mul3A_31, %dma_wait3A_238] : memref<32x160x128xi32, #tpu.memory_space<hbm>> -> memref<1x32x128xi32, #tpu.memory_space<hbm>>
        %dma_wait3A_240 = tpu.memref_squeeze %dma_wait3A_239 : memref<1x32x128xi32, #tpu.memory_space<hbm>> -> memref<32x128xi32, #tpu.memory_space<hbm>>
        tpu.wait_dma2 semaphore(%run_scoped3A : memref<!tpu.dma_semaphore, #tpu.memory_space<semaphore_mem>>) src(%dma_wait3A_240 : memref<32x128xi32, #tpu.memory_space<hbm>>) dst(%arg8 : memref<32x128xi32, #tpu.memory_space<vmem>>)
        tpu.yield
      }) : () -> ()
      %dma_start3A_32 = arith.constant 0 : i32
      %dma_start3A_33 = arith.constant 0 : i32
      %dma_start3A_34 = arith.constant 0 : i32
      %dma_start3A_35 = arith.constant 0 : i32
      %dma_start3A_36 = tpu.memref_slice %arg9[%dma_start3A_33, %dma_start3A_34, %dma_start3A_35] : memref<4x128x64xf32, #tpu.memory_space<vmem>> -> memref<1x128x64xf32, #tpu.memory_space<vmem>>
      %dma_start3A_37 = tpu.memref_squeeze %dma_start3A_36 : memref<1x128x64xf32, #tpu.memory_space<vmem>> -> memref<128x64xf32, #tpu.memory_space<vmem>>
      %dma_start3A_38 = arith.constant 0 : i32
      %dma_start3A_39 = tpu.memref_slice %arg7[%dma_start3A_32, %dma_start3A_38] : memref<32x128xi32, #tpu.memory_space<vmem>> -> memref<1x128xi32, #tpu.memory_space<vmem>>
      %dma_start3A_40 = tpu.memref_squeeze %dma_start3A_39 : memref<1x128xi32, #tpu.memory_space<vmem>> -> memref<128xi32, #tpu.memory_space<vmem>>
      %dma_start3A_41 = arith.constant 0 : i32
      %dma_start3A_42 = arith.constant 0 : i32
      %dma_start3A_43 = tpu.memref_slice %arg11[%dma_start3A_41, %dma_start3A_42] : memref<10000x64xf32, #tpu.memory_space<vmem_shared>> -> memref<10000x64xf32, #tpu.memory_space<vmem_shared>>
      tpu.enqueue_indirect_dma source(%dma_start3A_43 : memref<10000x64xf32, #tpu.memory_space<vmem_shared>>) target(%dma_start3A_37 : memref<128x64xf32, #tpu.memory_space<vmem>>) offsets(%dma_start3A_40 : memref<128xi32, #tpu.memory_space<vmem>>) semaphore(%arg12 : memref<!tpu.dma_semaphore, #tpu.memory_space<semaphore_mem>>)
      %dma_start3A_44 = arith.constant 1 : i32
      %dma_start3A_45 = arith.constant 1 : i32
      %dma_start3A_46 = arith.constant 0 : i32
      %dma_start3A_47 = arith.constant 0 : i32
      %dma_start3A_48 = tpu.memref_slice %arg9[%dma_start3A_45, %dma_start3A_46, %dma_start3A_47] : memref<4x128x64xf32, #tpu.memory_space<vmem>> -> memref<1x128x64xf32, #tpu.memory_space<vmem>>
      %dma_start3A_49 = tpu.memref_squeeze %dma_start3A_48 : memref<1x128x64xf32, #tpu.memory_space<vmem>> -> memref<128x64xf32, #tpu.memory_space<vmem>>
      %dma_start3A_50 = arith.constant 0 : i32
      %dma_start3A_51 = tpu.memref_slice %arg7[%dma_start3A_44, %dma_start3A_50] : memref<32x128xi32, #tpu.memory_space<vmem>> -> memref<1x128xi32, #tpu.memory_space<vmem>>
      %dma_start3A_52 = tpu.memref_squeeze %dma_start3A_51 : memref<1x128xi32, #tpu.memory_space<vmem>> -> memref<128xi32, #tpu.memory_space<vmem>>
      %dma_start3A_53 = arith.constant 0 : i32
      %dma_start3A_54 = arith.constant 0 : i32
      %dma_start3A_55 = tpu.memref_slice %arg11[%dma_start3A_53, %dma_start3A_54] : memref<10000x64xf32, #tpu.memory_space<vmem_shared>> -> memref<10000x64xf32, #tpu.memory_space<vmem_shared>>
      tpu.enqueue_indirect_dma source(%dma_start3A_55 : memref<10000x64xf32, #tpu.memory_space<vmem_shared>>) target(%dma_start3A_49 : memref<128x64xf32, #tpu.memory_space<vmem>>) offsets(%dma_start3A_52 : memref<128xi32, #tpu.memory_space<vmem>>) semaphore(%arg13 : memref<!tpu.dma_semaphore, #tpu.memory_space<semaphore_mem>>)
      %dma_start3A_56 = arith.constant 2 : i32
      %dma_start3A_57 = arith.constant 2 : i32
      %dma_start3A_58 = arith.constant 0 : i32
      %dma_start3A_59 = arith.constant 0 : i32
      %dma_start3A_60 = tpu.memref_slice %arg9[%dma_start3A_57, %dma_start3A_58, %dma_start3A_59] : memref<4x128x64xf32, #tpu.memory_space<vmem>> -> memref<1x128x64xf32, #tpu.memory_space<vmem>>
      %dma_start3A_61 = tpu.memref_squeeze %dma_start3A_60 : memref<1x128x64xf32, #tpu.memory_space<vmem>> -> memref<128x64xf32, #tpu.memory_space<vmem>>
      %dma_start3A_62 = arith.constant 0 : i32
      %dma_start3A_63 = tpu.memref_slice %arg7[%dma_start3A_56, %dma_start3A_62] : memref<32x128xi32, #tpu.memory_space<vmem>> -> memref<1x128xi32, #tpu.memory_space<vmem>>
      %dma_start3A_64 = tpu.memref_squeeze %dma_start3A_63 : memref<1x128xi32, #tpu.memory_space<vmem>> -> memref<128xi32, #tpu.memory_space<vmem>>
      %dma_start3A_65 = arith.constant 0 : i32
      %dma_start3A_66 = arith.constant 0 : i32
      %dma_start3A_67 = tpu.memref_slice %arg11[%dma_start3A_65, %dma_start3A_66] : memref<10000x64xf32, #tpu.memory_space<vmem_shared>> -> memref<10000x64xf32, #tpu.memory_space<vmem_shared>>
      tpu.enqueue_indirect_dma source(%dma_start3A_67 : memref<10000x64xf32, #tpu.memory_space<vmem_shared>>) target(%dma_start3A_61 : memref<128x64xf32, #tpu.memory_space<vmem>>) offsets(%dma_start3A_64 : memref<128xi32, #tpu.memory_space<vmem>>) semaphore(%arg14 : memref<!tpu.dma_semaphore, #tpu.memory_space<semaphore_mem>>)
      %dma_start3A_68 = arith.constant 3 : i32
      %dma_start3A_69 = arith.constant 3 : i32
      %dma_start3A_70 = arith.constant 0 : i32
      %dma_start3A_71 = arith.constant 0 : i32
      %dma_start3A_72 = tpu.memref_slice %arg9[%dma_start3A_69, %dma_start3A_70, %dma_start3A_71] : memref<4x128x64xf32, #tpu.memory_space<vmem>> -> memref<1x128x64xf32, #tpu.memory_space<vmem>>
      %dma_start3A_73 = tpu.memref_squeeze %dma_start3A_72 : memref<1x128x64xf32, #tpu.memory_space<vmem>> -> memref<128x64xf32, #tpu.memory_space<vmem>>
      %dma_start3A_74 = arith.constant 0 : i32
      %dma_start3A_75 = tpu.memref_slice %arg7[%dma_start3A_68, %dma_start3A_74] : memref<32x128xi32, #tpu.memory_space<vmem>> -> memref<1x128xi32, #tpu.memory_space<vmem>>
      %dma_start3A_76 = tpu.memref_squeeze %dma_start3A_75 : memref<1x128xi32, #tpu.memory_space<vmem>> -> memref<128xi32, #tpu.memory_space<vmem>>
      %dma_start3A_77 = arith.constant 0 : i32
      %dma_start3A_78 = arith.constant 0 : i32
      %dma_start3A_79 = tpu.memref_slice %arg11[%dma_start3A_77, %dma_start3A_78] : memref<10000x64xf32, #tpu.memory_space<vmem_shared>> -> memref<10000x64xf32, #tpu.memory_space<vmem_shared>>
      tpu.enqueue_indirect_dma source(%dma_start3A_79 : memref<10000x64xf32, #tpu.memory_space<vmem_shared>>) target(%dma_start3A_73 : memref<128x64xf32, #tpu.memory_space<vmem>>) offsets(%dma_start3A_76 : memref<128xi32, #tpu.memory_space<vmem>>) semaphore(%arg15 : memref<!tpu.dma_semaphore, #tpu.memory_space<semaphore_mem>>)
      %scan3A_80 = arith.constant 0 : i32
      %scan3A_81 = arith.constant 7 : i32
      %scan3A_82 = arith.addi %scan3A_80, %scan3A_81 : i32
      %scan3A_83 = arith.constant 1 : i32
      scf.for %scan3A_229 = %scan3A_80 to %scan3A_82 step %scan3A_83  : i32 {
        %mul3A_230 = arith.constant 4 : i32
        %mul3A_231 = arith.muli %mul3A_230, %scan3A_229 : i32
        %add3A_232 = arith.constant 0 : i32
        %add3A_233 = arith.addi %mul3A_231, %add3A_232 : i32
        %dma_wait3A_234 = arith.constant 0 : i32
        %dma_wait3A_235 = arith.constant 0 : i32
        %dma_wait3A_236 = arith.constant 0 : i32
        %dma_wait3A_237 = tpu.memref_slice %arg9[%dma_wait3A_234, %dma_wait3A_235, %dma_wait3A_236] : memref<4x128x64xf32, #tpu.memory_space<vmem>> -> memref<1x128x64xf32, #tpu.memory_space<vmem>>
        %dma_wait3A_238 = tpu.memref_squeeze %dma_wait3A_237 : memref<1x128x64xf32, #tpu.memory_space<vmem>> -> memref<128x64xf32, #tpu.memory_space<vmem>>
        %dma_wait3A_239 = arith.constant 0 : i32
        %dma_wait3A_240 = tpu.memref_slice %arg7[%add3A_233, %dma_wait3A_239] : memref<32x128xi32, #tpu.memory_space<vmem>> -> memref<1x128xi32, #tpu.memory_space<vmem>>
        %dma_wait3A_241 = tpu.memref_squeeze %dma_wait3A_240 : memref<1x128xi32, #tpu.memory_space<vmem>> -> memref<128xi32, #tpu.memory_space<vmem>>
        %dma_wait3A_242 = arith.constant 0 : i32
        %dma_wait3A_243 = arith.constant 0 : i32
        %dma_wait3A_244 = tpu.memref_slice %arg11[%dma_wait3A_242, %dma_wait3A_243] : memref<10000x64xf32, #tpu.memory_space<vmem_shared>> -> memref<10000x64xf32, #tpu.memory_space<vmem_shared>>
        tpu.wait_indirect_dma semaphore(%arg12 : memref<!tpu.dma_semaphore, #tpu.memory_space<semaphore_mem>>) src(%dma_wait3A_244 : memref<10000x64xf32, #tpu.memory_space<vmem_shared>>) dst(%dma_wait3A_238 : memref<128x64xf32, #tpu.memory_space<vmem>>)
        %mul3A_245 = arith.constant 4 : i32
        %mul3A_246 = arith.muli %mul3A_245, %scan3A_229 : i32
        %add3A_247 = arith.constant 0 : i32
        %add3A_248 = arith.addi %mul3A_246, %add3A_247 : i32
        %dma_start3A_249 = arith.constant 0 : i32
        %dma_start3A_250 = arith.constant 0 : i32
        %dma_start3A_251 = arith.constant 0 : i32
        %dma_start3A_252 = tpu.memref_slice %arg9[%dma_start3A_249, %dma_start3A_250, %dma_start3A_251] : memref<4x128x64xf32, #tpu.memory_space<vmem>> -> memref<1x128x64xf32, #tpu.memory_space<vmem>>
        %dma_start3A_253 = tpu.memref_squeeze %dma_start3A_252 : memref<1x128x64xf32, #tpu.memory_space<vmem>> -> memref<128x64xf32, #tpu.memory_space<vmem>>
        %dma_start3A_254 = arith.constant 0 : i32
        %dma_start3A_255 = tpu.memref_slice %arg8[%add3A_248, %dma_start3A_254] : memref<32x128xi32, #tpu.memory_space<vmem>> -> memref<1x128xi32, #tpu.memory_space<vmem>>
        %dma_start3A_256 = tpu.memref_squeeze %dma_start3A_255 : memref<1x128xi32, #tpu.memory_space<vmem>> -> memref<128xi32, #tpu.memory_space<vmem>>
        %dma_start3A_257 = arith.constant 0 : i32
        %dma_start3A_258 = arith.constant 0 : i32
        %dma_start3A_259 = tpu.memref_slice %arg10[%dma_start3A_257, %dma_start3A_258] : memref<10240x64xf32, #tpu.memory_space<vmem_shared>> -> memref<10240x64xf32, #tpu.memory_space<vmem_shared>>
        tpu.enqueue_indirect_dma source(%dma_start3A_253 : memref<128x64xf32, #tpu.memory_space<vmem>>) target(%dma_start3A_259 : memref<10240x64xf32, #tpu.memory_space<vmem_shared>>) offsets(%dma_start3A_256 : memref<128xi32, #tpu.memory_space<vmem>>) semaphore(%arg16 : memref<!tpu.dma_semaphore, #tpu.memory_space<semaphore_mem>>) {add = true}
        %mul3A_260 = arith.constant 4 : i32
        %mul3A_261 = arith.muli %mul3A_260, %scan3A_229 : i32
        %add3A_262 = arith.constant 1 : i32
        %add3A_263 = arith.addi %mul3A_261, %add3A_262 : i32
        %dma_wait3A_264 = arith.constant 1 : i32
        %dma_wait3A_265 = arith.constant 0 : i32
        %dma_wait3A_266 = arith.constant 0 : i32
        %dma_wait3A_267 = tpu.memref_slice %arg9[%dma_wait3A_264, %dma_wait3A_265, %dma_wait3A_266] : memref<4x128x64xf32, #tpu.memory_space<vmem>> -> memref<1x128x64xf32, #tpu.memory_space<vmem>>
        %dma_wait3A_268 = tpu.memref_squeeze %dma_wait3A_267 : memref<1x128x64xf32, #tpu.memory_space<vmem>> -> memref<128x64xf32, #tpu.memory_space<vmem>>
        %dma_wait3A_269 = arith.constant 0 : i32
        %dma_wait3A_270 = tpu.memref_slice %arg7[%add3A_263, %dma_wait3A_269] : memref<32x128xi32, #tpu.memory_space<vmem>> -> memref<1x128xi32, #tpu.memory_space<vmem>>
        %dma_wait3A_271 = tpu.memref_squeeze %dma_wait3A_270 : memref<1x128xi32, #tpu.memory_space<vmem>> -> memref<128xi32, #tpu.memory_space<vmem>>
        %dma_wait3A_272 = arith.constant 0 : i32
        %dma_wait3A_273 = arith.constant 0 : i32
        %dma_wait3A_274 = tpu.memref_slice %arg11[%dma_wait3A_272, %dma_wait3A_273] : memref<10000x64xf32, #tpu.memory_space<vmem_shared>> -> memref<10000x64xf32, #tpu.memory_space<vmem_shared>>
        tpu.wait_indirect_dma semaphore(%arg13 : memref<!tpu.dma_semaphore, #tpu.memory_space<semaphore_mem>>) src(%dma_wait3A_274 : memref<10000x64xf32, #tpu.memory_space<vmem_shared>>) dst(%dma_wait3A_268 : memref<128x64xf32, #tpu.memory_space<vmem>>)
        %mul3A_275 = arith.constant 4 : i32
        %mul3A_276 = arith.muli %mul3A_275, %scan3A_229 : i32
        %add3A_277 = arith.constant 1 : i32
        %add3A_278 = arith.addi %mul3A_276, %add3A_277 : i32
        %dma_start3A_279 = arith.constant 1 : i32
        %dma_start3A_280 = arith.constant 0 : i32
        %dma_start3A_281 = arith.constant 0 : i32
        %dma_start3A_282 = tpu.memref_slice %arg9[%dma_start3A_279, %dma_start3A_280, %dma_start3A_281] : memref<4x128x64xf32, #tpu.memory_space<vmem>> -> memref<1x128x64xf32, #tpu.memory_space<vmem>>
        %dma_start3A_283 = tpu.memref_squeeze %dma_start3A_282 : memref<1x128x64xf32, #tpu.memory_space<vmem>> -> memref<128x64xf32, #tpu.memory_space<vmem>>
        %dma_start3A_284 = arith.constant 0 : i32
        %dma_start3A_285 = tpu.memref_slice %arg8[%add3A_278, %dma_start3A_284] : memref<32x128xi32, #tpu.memory_space<vmem>> -> memref<1x128xi32, #tpu.memory_space<vmem>>
        %dma_start3A_286 = tpu.memref_squeeze %dma_start3A_285 : memref<1x128xi32, #tpu.memory_space<vmem>> -> memref<128xi32, #tpu.memory_space<vmem>>
        %dma_start3A_287 = arith.constant 0 : i32
        %dma_start3A_288 = arith.constant 0 : i32
        %dma_start3A_289 = tpu.memref_slice %arg10[%dma_start3A_287, %dma_start3A_288] : memref<10240x64xf32, #tpu.memory_space<vmem_shared>> -> memref<10240x64xf32, #tpu.memory_space<vmem_shared>>
        tpu.enqueue_indirect_dma source(%dma_start3A_283 : memref<128x64xf32, #tpu.memory_space<vmem>>) target(%dma_start3A_289 : memref<10240x64xf32, #tpu.memory_space<vmem_shared>>) offsets(%dma_start3A_286 : memref<128xi32, #tpu.memory_space<vmem>>) semaphore(%arg17 : memref<!tpu.dma_semaphore, #tpu.memory_space<semaphore_mem>>) {add = true}
        %mul3A_290 = arith.constant 4 : i32
        %mul3A_291 = arith.muli %mul3A_290, %scan3A_229 : i32
        %add3A_292 = arith.constant 2 : i32
        %add3A_293 = arith.addi %mul3A_291, %add3A_292 : i32
        %dma_wait3A_294 = arith.constant 2 : i32
        %dma_wait3A_295 = arith.constant 0 : i32
        %dma_wait3A_296 = arith.constant 0 : i32
        %dma_wait3A_297 = tpu.memref_slice %arg9[%dma_wait3A_294, %dma_wait3A_295, %dma_wait3A_296] : memref<4x128x64xf32, #tpu.memory_space<vmem>> -> memref<1x128x64xf32, #tpu.memory_space<vmem>>
        %dma_wait3A_298 = tpu.memref_squeeze %dma_wait3A_297 : memref<1x128x64xf32, #tpu.memory_space<vmem>> -> memref<128x64xf32, #tpu.memory_space<vmem>>
        %dma_wait3A_299 = arith.constant 0 : i32
        %dma_wait3A_300 = tpu.memref_slice %arg7[%add3A_293, %dma_wait3A_299] : memref<32x128xi32, #tpu.memory_space<vmem>> -> memref<1x128xi32, #tpu.memory_space<vmem>>
        %dma_wait3A_301 = tpu.memref_squeeze %dma_wait3A_300 : memref<1x128xi32, #tpu.memory_space<vmem>> -> memref<128xi32, #tpu.memory_space<vmem>>
        %dma_wait3A_302 = arith.constant 0 : i32
        %dma_wait3A_303 = arith.constant 0 : i32
        %dma_wait3A_304 = tpu.memref_slice %arg11[%dma_wait3A_302, %dma_wait3A_303] : memref<10000x64xf32, #tpu.memory_space<vmem_shared>> -> memref<10000x64xf32, #tpu.memory_space<vmem_shared>>
        tpu.wait_indirect_dma semaphore(%arg14 : memref<!tpu.dma_semaphore, #tpu.memory_space<semaphore_mem>>) src(%dma_wait3A_304 : memref<10000x64xf32, #tpu.memory_space<vmem_shared>>) dst(%dma_wait3A_298 : memref<128x64xf32, #tpu.memory_space<vmem>>)
        %mul3A_305 = arith.constant 4 : i32
        %mul3A_306 = arith.muli %mul3A_305, %scan3A_229 : i32
        %add3A_307 = arith.constant 2 : i32
        %add3A_308 = arith.addi %mul3A_306, %add3A_307 : i32
        %dma_start3A_309 = arith.constant 2 : i32
        %dma_start3A_310 = arith.constant 0 : i32
        %dma_start3A_311 = arith.constant 0 : i32
        %dma_start3A_312 = tpu.memref_slice %arg9[%dma_start3A_309, %dma_start3A_310, %dma_start3A_311] : memref<4x128x64xf32, #tpu.memory_space<vmem>> -> memref<1x128x64xf32, #tpu.memory_space<vmem>>
        %dma_start3A_313 = tpu.memref_squeeze %dma_start3A_312 : memref<1x128x64xf32, #tpu.memory_space<vmem>> -> memref<128x64xf32, #tpu.memory_space<vmem>>
        %dma_start3A_314 = arith.constant 0 : i32
        %dma_start3A_315 = tpu.memref_slice %arg8[%add3A_308, %dma_start3A_314] : memref<32x128xi32, #tpu.memory_space<vmem>> -> memref<1x128xi32, #tpu.memory_space<vmem>>
        %dma_start3A_316 = tpu.memref_squeeze %dma_start3A_315 : memref<1x128xi32, #tpu.memory_space<vmem>> -> memref<128xi32, #tpu.memory_space<vmem>>
        %dma_start3A_317 = arith.constant 0 : i32
        %dma_start3A_318 = arith.constant 0 : i32
        %dma_start3A_319 = tpu.memref_slice %arg10[%dma_start3A_317, %dma_start3A_318] : memref<10240x64xf32, #tpu.memory_space<vmem_shared>> -> memref<10240x64xf32, #tpu.memory_space<vmem_shared>>
        tpu.enqueue_indirect_dma source(%dma_start3A_313 : memref<128x64xf32, #tpu.memory_space<vmem>>) target(%dma_start3A_319 : memref<10240x64xf32, #tpu.memory_space<vmem_shared>>) offsets(%dma_start3A_316 : memref<128xi32, #tpu.memory_space<vmem>>) semaphore(%arg18 : memref<!tpu.dma_semaphore, #tpu.memory_space<semaphore_mem>>) {add = true}
        %mul3A_320 = arith.constant 4 : i32
        %mul3A_321 = arith.muli %mul3A_320, %scan3A_229 : i32
        %add3A_322 = arith.constant 3 : i32
        %add3A_323 = arith.addi %mul3A_321, %add3A_322 : i32
        %dma_wait3A_324 = arith.constant 3 : i32
        %dma_wait3A_325 = arith.constant 0 : i32
        %dma_wait3A_326 = arith.constant 0 : i32
        %dma_wait3A_327 = tpu.memref_slice %arg9[%dma_wait3A_324, %dma_wait3A_325, %dma_wait3A_326] : memref<4x128x64xf32, #tpu.memory_space<vmem>> -> memref<1x128x64xf32, #tpu.memory_space<vmem>>
        %dma_wait3A_328 = tpu.memref_squeeze %dma_wait3A_327 : memref<1x128x64xf32, #tpu.memory_space<vmem>> -> memref<128x64xf32, #tpu.memory_space<vmem>>
        %dma_wait3A_329 = arith.constant 0 : i32
        %dma_wait3A_330 = tpu.memref_slice %arg7[%add3A_323, %dma_wait3A_329] : memref<32x128xi32, #tpu.memory_space<vmem>> -> memref<1x128xi32, #tpu.memory_space<vmem>>
        %dma_wait3A_331 = tpu.memref_squeeze %dma_wait3A_330 : memref<1x128xi32, #tpu.memory_space<vmem>> -> memref<128xi32, #tpu.memory_space<vmem>>
        %dma_wait3A_332 = arith.constant 0 : i32
        %dma_wait3A_333 = arith.constant 0 : i32
        %dma_wait3A_334 = tpu.memref_slice %arg11[%dma_wait3A_332, %dma_wait3A_333] : memref<10000x64xf32, #tpu.memory_space<vmem_shared>> -> memref<10000x64xf32, #tpu.memory_space<vmem_shared>>
        tpu.wait_indirect_dma semaphore(%arg15 : memref<!tpu.dma_semaphore, #tpu.memory_space<semaphore_mem>>) src(%dma_wait3A_334 : memref<10000x64xf32, #tpu.memory_space<vmem_shared>>) dst(%dma_wait3A_328 : memref<128x64xf32, #tpu.memory_space<vmem>>)
        %mul3A_335 = arith.constant 4 : i32
        %mul3A_336 = arith.muli %mul3A_335, %scan3A_229 : i32
        %add3A_337 = arith.constant 3 : i32
        %add3A_338 = arith.addi %mul3A_336, %add3A_337 : i32
        %dma_start3A_339 = arith.constant 3 : i32
        %dma_start3A_340 = arith.constant 0 : i32
        %dma_start3A_341 = arith.constant 0 : i32
        %dma_start3A_342 = tpu.memref_slice %arg9[%dma_start3A_339, %dma_start3A_340, %dma_start3A_341] : memref<4x128x64xf32, #tpu.memory_space<vmem>> -> memref<1x128x64xf32, #tpu.memory_space<vmem>>
        %dma_start3A_343 = tpu.memref_squeeze %dma_start3A_342 : memref<1x128x64xf32, #tpu.memory_space<vmem>> -> memref<128x64xf32, #tpu.memory_space<vmem>>
        %dma_start3A_344 = arith.constant 0 : i32
        %dma_start3A_345 = tpu.memref_slice %arg8[%add3A_338, %dma_start3A_344] : memref<32x128xi32, #tpu.memory_space<vmem>> -> memref<1x128xi32, #tpu.memory_space<vmem>>
        %dma_start3A_346 = tpu.memref_squeeze %dma_start3A_345 : memref<1x128xi32, #tpu.memory_space<vmem>> -> memref<128xi32, #tpu.memory_space<vmem>>
        %dma_start3A_347 = arith.constant 0 : i32
        %dma_start3A_348 = arith.constant 0 : i32
        %dma_start3A_349 = tpu.memref_slice %arg10[%dma_start3A_347, %dma_start3A_348] : memref<10240x64xf32, #tpu.memory_space<vmem_shared>> -> memref<10240x64xf32, #tpu.memory_space<vmem_shared>>
        tpu.enqueue_indirect_dma source(%dma_start3A_343 : memref<128x64xf32, #tpu.memory_space<vmem>>) target(%dma_start3A_349 : memref<10240x64xf32, #tpu.memory_space<vmem_shared>>) offsets(%dma_start3A_346 : memref<128xi32, #tpu.memory_space<vmem>>) semaphore(%arg19 : memref<!tpu.dma_semaphore, #tpu.memory_space<semaphore_mem>>) {add = true}
        %mul3A_350 = arith.constant 4 : i32
        %mul3A_351 = arith.muli %mul3A_350, %scan3A_229 : i32
        %add3A_352 = arith.constant 0 : i32
        %add3A_353 = arith.addi %mul3A_351, %add3A_352 : i32
        %dma_wait3A_354 = arith.constant 0 : i32
        %dma_wait3A_355 = arith.constant 0 : i32
        %dma_wait3A_356 = arith.constant 0 : i32
        %dma_wait3A_357 = tpu.memref_slice %arg9[%dma_wait3A_354, %dma_wait3A_355, %dma_wait3A_356] : memref<4x128x64xf32, #tpu.memory_space<vmem>> -> memref<1x128x64xf32, #tpu.memory_space<vmem>>
        %dma_wait3A_358 = tpu.memref_squeeze %dma_wait3A_357 : memref<1x128x64xf32, #tpu.memory_space<vmem>> -> memref<128x64xf32, #tpu.memory_space<vmem>>
        %dma_wait3A_359 = arith.constant 0 : i32
        %dma_wait3A_360 = tpu.memref_slice %arg8[%add3A_353, %dma_wait3A_359] : memref<32x128xi32, #tpu.memory_space<vmem>> -> memref<1x128xi32, #tpu.memory_space<vmem>>
        %dma_wait3A_361 = tpu.memref_squeeze %dma_wait3A_360 : memref<1x128xi32, #tpu.memory_space<vmem>> -> memref<128xi32, #tpu.memory_space<vmem>>
        %dma_wait3A_362 = arith.constant 0 : i32
        %dma_wait3A_363 = arith.constant 0 : i32
        %dma_wait3A_364 = tpu.memref_slice %arg10[%dma_wait3A_362, %dma_wait3A_363] : memref<10240x64xf32, #tpu.memory_space<vmem_shared>> -> memref<10240x64xf32, #tpu.memory_space<vmem_shared>>
        tpu.wait_indirect_dma semaphore(%arg16 : memref<!tpu.dma_semaphore, #tpu.memory_space<semaphore_mem>>) src(%dma_wait3A_358 : memref<128x64xf32, #tpu.memory_space<vmem>>) dst(%dma_wait3A_364 : memref<10240x64xf32, #tpu.memory_space<vmem_shared>>)
        %add3A_365 = arith.constant 1 : i32
        %add3A_366 = arith.addi %scan3A_229, %add3A_365 : i32
        %mul3A_367 = arith.constant 4 : i32
        %mul3A_368 = arith.muli %mul3A_367, %add3A_366 : i32
        %add3A_369 = arith.constant 0 : i32
        %add3A_370 = arith.addi %mul3A_368, %add3A_369 : i32
        %dma_start3A_371 = arith.constant 0 : i32
        %dma_start3A_372 = arith.constant 0 : i32
        %dma_start3A_373 = arith.constant 0 : i32
        %dma_start3A_374 = tpu.memref_slice %arg9[%dma_start3A_371, %dma_start3A_372, %dma_start3A_373] : memref<4x128x64xf32, #tpu.memory_space<vmem>> -> memref<1x128x64xf32, #tpu.memory_space<vmem>>
        %dma_start3A_375 = tpu.memref_squeeze %dma_start3A_374 : memref<1x128x64xf32, #tpu.memory_space<vmem>> -> memref<128x64xf32, #tpu.memory_space<vmem>>
        %dma_start3A_376 = arith.constant 0 : i32
        %dma_start3A_377 = tpu.memref_slice %arg7[%add3A_370, %dma_start3A_376] : memref<32x128xi32, #tpu.memory_space<vmem>> -> memref<1x128xi32, #tpu.memory_space<vmem>>
        %dma_start3A_378 = tpu.memref_squeeze %dma_start3A_377 : memref<1x128xi32, #tpu.memory_space<vmem>> -> memref<128xi32, #tpu.memory_space<vmem>>
        %dma_start3A_379 = arith.constant 0 : i32
        %dma_start3A_380 = arith.constant 0 : i32
        %dma_start3A_381 = tpu.memref_slice %arg11[%dma_start3A_379, %dma_start3A_380] : memref<10000x64xf32, #tpu.memory_space<vmem_shared>> -> memref<10000x64xf32, #tpu.memory_space<vmem_shared>>
        tpu.enqueue_indirect_dma source(%dma_start3A_381 : memref<10000x64xf32, #tpu.memory_space<vmem_shared>>) target(%dma_start3A_375 : memref<128x64xf32, #tpu.memory_space<vmem>>) offsets(%dma_start3A_378 : memref<128xi32, #tpu.memory_space<vmem>>) semaphore(%arg12 : memref<!tpu.dma_semaphore, #tpu.memory_space<semaphore_mem>>)
        %mul3A_382 = arith.constant 4 : i32
        %mul3A_383 = arith.muli %mul3A_382, %scan3A_229 : i32
        %add3A_384 = arith.constant 1 : i32
        %add3A_385 = arith.addi %mul3A_383, %add3A_384 : i32
        %dma_wait3A_386 = arith.constant 1 : i32
        %dma_wait3A_387 = arith.constant 0 : i32
        %dma_wait3A_388 = arith.constant 0 : i32
        %dma_wait3A_389 = tpu.memref_slice %arg9[%dma_wait3A_386, %dma_wait3A_387, %dma_wait3A_388] : memref<4x128x64xf32, #tpu.memory_space<vmem>> -> memref<1x128x64xf32, #tpu.memory_space<vmem>>
        %dma_wait3A_390 = tpu.memref_squeeze %dma_wait3A_389 : memref<1x128x64xf32, #tpu.memory_space<vmem>> -> memref<128x64xf32, #tpu.memory_space<vmem>>
        %dma_wait3A_391 = arith.constant 0 : i32
        %dma_wait3A_392 = tpu.memref_slice %arg8[%add3A_385, %dma_wait3A_391] : memref<32x128xi32, #tpu.memory_space<vmem>> -> memref<1x128xi32, #tpu.memory_space<vmem>>
        %dma_wait3A_393 = tpu.memref_squeeze %dma_wait3A_392 : memref<1x128xi32, #tpu.memory_space<vmem>> -> memref<128xi32, #tpu.memory_space<vmem>>
        %dma_wait3A_394 = arith.constant 0 : i32
        %dma_wait3A_395 = arith.constant 0 : i32
        %dma_wait3A_396 = tpu.memref_slice %arg10[%dma_wait3A_394, %dma_wait3A_395] : memref<10240x64xf32, #tpu.memory_space<vmem_shared>> -> memref<10240x64xf32, #tpu.memory_space<vmem_shared>>
        tpu.wait_indirect_dma semaphore(%arg17 : memref<!tpu.dma_semaphore, #tpu.memory_space<semaphore_mem>>) src(%dma_wait3A_390 : memref<128x64xf32, #tpu.memory_space<vmem>>) dst(%dma_wait3A_396 : memref<10240x64xf32, #tpu.memory_space<vmem_shared>>)
        %add3A_397 = arith.constant 1 : i32
        %add3A_398 = arith.addi %scan3A_229, %add3A_397 : i32
        %mul3A_399 = arith.constant 4 : i32
        %mul3A_400 = arith.muli %mul3A_399, %add3A_398 : i32
        %add3A_401 = arith.constant 1 : i32
        %add3A_402 = arith.addi %mul3A_400, %add3A_401 : i32
        %dma_start3A_403 = arith.constant 1 : i32
        %dma_start3A_404 = arith.constant 0 : i32
        %dma_start3A_405 = arith.constant 0 : i32
        %dma_start3A_406 = tpu.memref_slice %arg9[%dma_start3A_403, %dma_start3A_404, %dma_start3A_405] : memref<4x128x64xf32, #tpu.memory_space<vmem>> -> memref<1x128x64xf32, #tpu.memory_space<vmem>>
        %dma_start3A_407 = tpu.memref_squeeze %dma_start3A_406 : memref<1x128x64xf32, #tpu.memory_space<vmem>> -> memref<128x64xf32, #tpu.memory_space<vmem>>
        %dma_start3A_408 = arith.constant 0 : i32
        %dma_start3A_409 = tpu.memref_slice %arg7[%add3A_402, %dma_start3A_408] : memref<32x128xi32, #tpu.memory_space<vmem>> -> memref<1x128xi32, #tpu.memory_space<vmem>>
        %dma_start3A_410 = tpu.memref_squeeze %dma_start3A_409 : memref<1x128xi32, #tpu.memory_space<vmem>> -> memref<128xi32, #tpu.memory_space<vmem>>
        %dma_start3A_411 = arith.constant 0 : i32
        %dma_start3A_412 = arith.constant 0 : i32
        %dma_start3A_413 = tpu.memref_slice %arg11[%dma_start3A_411, %dma_start3A_412] : memref<10000x64xf32, #tpu.memory_space<vmem_shared>> -> memref<10000x64xf32, #tpu.memory_space<vmem_shared>>
        tpu.enqueue_indirect_dma source(%dma_start3A_413 : memref<10000x64xf32, #tpu.memory_space<vmem_shared>>) target(%dma_start3A_407 : memref<128x64xf32, #tpu.memory_space<vmem>>) offsets(%dma_start3A_410 : memref<128xi32, #tpu.memory_space<vmem>>) semaphore(%arg13 : memref<!tpu.dma_semaphore, #tpu.memory_space<semaphore_mem>>)
        %mul3A_414 = arith.constant 4 : i32
        %mul3A_415 = arith.muli %mul3A_414, %scan3A_229 : i32
        %add3A_416 = arith.constant 2 : i32
        %add3A_417 = arith.addi %mul3A_415, %add3A_416 : i32
        %dma_wait3A_418 = arith.constant 2 : i32
        %dma_wait3A_419 = arith.constant 0 : i32
        %dma_wait3A_420 = arith.constant 0 : i32
        %dma_wait3A_421 = tpu.memref_slice %arg9[%dma_wait3A_418, %dma_wait3A_419, %dma_wait3A_420] : memref<4x128x64xf32, #tpu.memory_space<vmem>> -> memref<1x128x64xf32, #tpu.memory_space<vmem>>
        %dma_wait3A_422 = tpu.memref_squeeze %dma_wait3A_421 : memref<1x128x64xf32, #tpu.memory_space<vmem>> -> memref<128x64xf32, #tpu.memory_space<vmem>>
        %dma_wait3A_423 = arith.constant 0 : i32
        %dma_wait3A_424 = tpu.memref_slice %arg8[%add3A_417, %dma_wait3A_423] : memref<32x128xi32, #tpu.memory_space<vmem>> -> memref<1x128xi32, #tpu.memory_space<vmem>>
        %dma_wait3A_425 = tpu.memref_squeeze %dma_wait3A_424 : memref<1x128xi32, #tpu.memory_space<vmem>> -> memref<128xi32, #tpu.memory_space<vmem>>
        %dma_wait3A_426 = arith.constant 0 : i32
        %dma_wait3A_427 = arith.constant 0 : i32
        %dma_wait3A_428 = tpu.memref_slice %arg10[%dma_wait3A_426, %dma_wait3A_427] : memref<10240x64xf32, #tpu.memory_space<vmem_shared>> -> memref<10240x64xf32, #tpu.memory_space<vmem_shared>>
        tpu.wait_indirect_dma semaphore(%arg18 : memref<!tpu.dma_semaphore, #tpu.memory_space<semaphore_mem>>) src(%dma_wait3A_422 : memref<128x64xf32, #tpu.memory_space<vmem>>) dst(%dma_wait3A_428 : memref<10240x64xf32, #tpu.memory_space<vmem_shared>>)
        %add3A_429 = arith.constant 1 : i32
        %add3A_430 = arith.addi %scan3A_229, %add3A_429 : i32
        %mul3A_431 = arith.constant 4 : i32
        %mul3A_432 = arith.muli %mul3A_431, %add3A_430 : i32
        %add3A_433 = arith.constant 2 : i32
        %add3A_434 = arith.addi %mul3A_432, %add3A_433 : i32
        %dma_start3A_435 = arith.constant 2 : i32
        %dma_start3A_436 = arith.constant 0 : i32
        %dma_start3A_437 = arith.constant 0 : i32
        %dma_start3A_438 = tpu.memref_slice %arg9[%dma_start3A_435, %dma_start3A_436, %dma_start3A_437] : memref<4x128x64xf32, #tpu.memory_space<vmem>> -> memref<1x128x64xf32, #tpu.memory_space<vmem>>
        %dma_start3A_439 = tpu.memref_squeeze %dma_start3A_438 : memref<1x128x64xf32, #tpu.memory_space<vmem>> -> memref<128x64xf32, #tpu.memory_space<vmem>>
        %dma_start3A_440 = arith.constant 0 : i32
        %dma_start3A_441 = tpu.memref_slice %arg7[%add3A_434, %dma_start3A_440] : memref<32x128xi32, #tpu.memory_space<vmem>> -> memref<1x128xi32, #tpu.memory_space<vmem>>
        %dma_start3A_442 = tpu.memref_squeeze %dma_start3A_441 : memref<1x128xi32, #tpu.memory_space<vmem>> -> memref<128xi32, #tpu.memory_space<vmem>>
        %dma_start3A_443 = arith.constant 0 : i32
        %dma_start3A_444 = arith.constant 0 : i32
        %dma_start3A_445 = tpu.memref_slice %arg11[%dma_start3A_443, %dma_start3A_444] : memref<10000x64xf32, #tpu.memory_space<vmem_shared>> -> memref<10000x64xf32, #tpu.memory_space<vmem_shared>>
        tpu.enqueue_indirect_dma source(%dma_start3A_445 : memref<10000x64xf32, #tpu.memory_space<vmem_shared>>) target(%dma_start3A_439 : memref<128x64xf32, #tpu.memory_space<vmem>>) offsets(%dma_start3A_442 : memref<128xi32, #tpu.memory_space<vmem>>) semaphore(%arg14 : memref<!tpu.dma_semaphore, #tpu.memory_space<semaphore_mem>>)
        %mul3A_446 = arith.constant 4 : i32
        %mul3A_447 = arith.muli %mul3A_446, %scan3A_229 : i32
        %add3A_448 = arith.constant 3 : i32
        %add3A_449 = arith.addi %mul3A_447, %add3A_448 : i32
        %dma_wait3A_450 = arith.constant 3 : i32
        %dma_wait3A_451 = arith.constant 0 : i32
        %dma_wait3A_452 = arith.constant 0 : i32
        %dma_wait3A_453 = tpu.memref_slice %arg9[%dma_wait3A_450, %dma_wait3A_451, %dma_wait3A_452] : memref<4x128x64xf32, #tpu.memory_space<vmem>> -> memref<1x128x64xf32, #tpu.memory_space<vmem>>
        %dma_wait3A_454 = tpu.memref_squeeze %dma_wait3A_453 : memref<1x128x64xf32, #tpu.memory_space<vmem>> -> memref<128x64xf32, #tpu.memory_space<vmem>>
        %dma_wait3A_455 = arith.constant 0 : i32
        %dma_wait3A_456 = tpu.memref_slice %arg8[%add3A_449, %dma_wait3A_455] : memref<32x128xi32, #tpu.memory_space<vmem>> -> memref<1x128xi32, #tpu.memory_space<vmem>>
        %dma_wait3A_457 = tpu.memref_squeeze %dma_wait3A_456 : memref<1x128xi32, #tpu.memory_space<vmem>> -> memref<128xi32, #tpu.memory_space<vmem>>
        %dma_wait3A_458 = arith.constant 0 : i32
        %dma_wait3A_459 = arith.constant 0 : i32
        %dma_wait3A_460 = tpu.memref_slice %arg10[%dma_wait3A_458, %dma_wait3A_459] : memref<10240x64xf32, #tpu.memory_space<vmem_shared>> -> memref<10240x64xf32, #tpu.memory_space<vmem_shared>>
        tpu.wait_indirect_dma semaphore(%arg19 : memref<!tpu.dma_semaphore, #tpu.memory_space<semaphore_mem>>) src(%dma_wait3A_454 : memref<128x64xf32, #tpu.memory_space<vmem>>) dst(%dma_wait3A_460 : memref<10240x64xf32, #tpu.memory_space<vmem_shared>>)
        %add3A_461 = arith.constant 1 : i32
        %add3A_462 = arith.addi %scan3A_229, %add3A_461 : i32
        %mul3A_463 = arith.constant 4 : i32
        %mul3A_464 = arith.muli %mul3A_463, %add3A_462 : i32
        %add3A_465 = arith.constant 3 : i32
        %add3A_466 = arith.addi %mul3A_464, %add3A_465 : i32
        %dma_start3A_467 = arith.constant 3 : i32
        %dma_start3A_468 = arith.constant 0 : i32
        %dma_start3A_469 = arith.constant 0 : i32
        %dma_start3A_470 = tpu.memref_slice %arg9[%dma_start3A_467, %dma_start3A_468, %dma_start3A_469] : memref<4x128x64xf32, #tpu.memory_space<vmem>> -> memref<1x128x64xf32, #tpu.memory_space<vmem>>
        %dma_start3A_471 = tpu.memref_squeeze %dma_start3A_470 : memref<1x128x64xf32, #tpu.memory_space<vmem>> -> memref<128x64xf32, #tpu.memory_space<vmem>>
        %dma_start3A_472 = arith.constant 0 : i32
        %dma_start3A_473 = tpu.memref_slice %arg7[%add3A_466, %dma_start3A_472] : memref<32x128xi32, #tpu.memory_space<vmem>> -> memref<1x128xi32, #tpu.memory_space<vmem>>
        %dma_start3A_474 = tpu.memref_squeeze %dma_start3A_473 : memref<1x128xi32, #tpu.memory_space<vmem>> -> memref<128xi32, #tpu.memory_space<vmem>>
        %dma_start3A_475 = arith.constant 0 : i32
        %dma_start3A_476 = arith.constant 0 : i32
        %dma_start3A_477 = tpu.memref_slice %arg11[%dma_start3A_475, %dma_start3A_476] : memref<10000x64xf32, #tpu.memory_space<vmem_shared>> -> memref<10000x64xf32, #tpu.memory_space<vmem_shared>>
        tpu.enqueue_indirect_dma source(%dma_start3A_477 : memref<10000x64xf32, #tpu.memory_space<vmem_shared>>) target(%dma_start3A_471 : memref<128x64xf32, #tpu.memory_space<vmem>>) offsets(%dma_start3A_474 : memref<128xi32, #tpu.memory_space<vmem>>) semaphore(%arg15 : memref<!tpu.dma_semaphore, #tpu.memory_space<semaphore_mem>>)
      }
      %scan3A_84 = arith.constant 7 : i32
      %dma_wait3A_85 = arith.constant 28 : i32
      %dma_wait3A_86 = arith.constant 0 : i32
      %dma_wait3A_87 = arith.constant 0 : i32
      %dma_wait3A_88 = arith.constant 0 : i32
      %dma_wait3A_89 = tpu.memref_slice %arg9[%dma_wait3A_86, %dma_wait3A_87, %dma_wait3A_88] : memref<4x128x64xf32, #tpu.memory_space<vmem>> -> memref<1x128x64xf32, #tpu.memory_space<vmem>>
      %dma_wait3A_90 = tpu.memref_squeeze %dma_wait3A_89 : memref<1x128x64xf32, #tpu.memory_space<vmem>> -> memref<128x64xf32, #tpu.memory_space<vmem>>
      %dma_wait3A_91 = arith.constant 0 : i32
      %dma_wait3A_92 = tpu.memref_slice %arg7[%dma_wait3A_85, %dma_wait3A_91] : memref<32x128xi32, #tpu.memory_space<vmem>> -> memref<1x128xi32, #tpu.memory_space<vmem>>
      %dma_wait3A_93 = tpu.memref_squeeze %dma_wait3A_92 : memref<1x128xi32, #tpu.memory_space<vmem>> -> memref<128xi32, #tpu.memory_space<vmem>>
      %dma_wait3A_94 = arith.constant 0 : i32
      %dma_wait3A_95 = arith.constant 0 : i32
      %dma_wait3A_96 = tpu.memref_slice %arg11[%dma_wait3A_94, %dma_wait3A_95] : memref<10000x64xf32, #tpu.memory_space<vmem_shared>> -> memref<10000x64xf32, #tpu.memory_space<vmem_shared>>
      tpu.wait_indirect_dma semaphore(%arg12 : memref<!tpu.dma_semaphore, #tpu.memory_space<semaphore_mem>>) src(%dma_wait3A_96 : memref<10000x64xf32, #tpu.memory_space<vmem_shared>>) dst(%dma_wait3A_90 : memref<128x64xf32, #tpu.memory_space<vmem>>)
      %dma_start3A_97 = arith.constant 0 : i32
      %dma_start3A_98 = arith.constant 28 : i32
      %dma_start3A_99 = arith.constant 0 : i32
      %dma_start3A_100 = arith.constant 0 : i32
      %dma_start3A_101 = tpu.memref_slice %arg9[%dma_start3A_97, %dma_start3A_99, %dma_start3A_100] : memref<4x128x64xf32, #tpu.memory_space<vmem>> -> memref<1x128x64xf32, #tpu.memory_space<vmem>>
      %dma_start3A_102 = tpu.memref_squeeze %dma_start3A_101 : memref<1x128x64xf32, #tpu.memory_space<vmem>> -> memref<128x64xf32, #tpu.memory_space<vmem>>
      %dma_start3A_103 = arith.constant 0 : i32
      %dma_start3A_104 = tpu.memref_slice %arg8[%dma_start3A_98, %dma_start3A_103] : memref<32x128xi32, #tpu.memory_space<vmem>> -> memref<1x128xi32, #tpu.memory_space<vmem>>
      %dma_start3A_105 = tpu.memref_squeeze %dma_start3A_104 : memref<1x128xi32, #tpu.memory_space<vmem>> -> memref<128xi32, #tpu.memory_space<vmem>>
      %dma_start3A_106 = arith.constant 0 : i32
      %dma_start3A_107 = arith.constant 0 : i32
      %dma_start3A_108 = tpu.memref_slice %arg10[%dma_start3A_106, %dma_start3A_107] : memref<10240x64xf32, #tpu.memory_space<vmem_shared>> -> memref<10240x64xf32, #tpu.memory_space<vmem_shared>>
      tpu.enqueue_indirect_dma source(%dma_start3A_102 : memref<128x64xf32, #tpu.memory_space<vmem>>) target(%dma_start3A_108 : memref<10240x64xf32, #tpu.memory_space<vmem_shared>>) offsets(%dma_start3A_105 : memref<128xi32, #tpu.memory_space<vmem>>) semaphore(%arg16 : memref<!tpu.dma_semaphore, #tpu.memory_space<semaphore_mem>>) {add = true}
      %dma_wait3A_109 = arith.constant 29 : i32
      %dma_wait3A_110 = arith.constant 1 : i32
      %dma_wait3A_111 = arith.constant 0 : i32
      %dma_wait3A_112 = arith.constant 0 : i32
      %dma_wait3A_113 = tpu.memref_slice %arg9[%dma_wait3A_110, %dma_wait3A_111, %dma_wait3A_112] : memref<4x128x64xf32, #tpu.memory_space<vmem>> -> memref<1x128x64xf32, #tpu.memory_space<vmem>>
      %dma_wait3A_114 = tpu.memref_squeeze %dma_wait3A_113 : memref<1x128x64xf32, #tpu.memory_space<vmem>> -> memref<128x64xf32, #tpu.memory_space<vmem>>
      %dma_wait3A_115 = arith.constant 0 : i32
      %dma_wait3A_116 = tpu.memref_slice %arg7[%dma_wait3A_109, %dma_wait3A_115] : memref<32x128xi32, #tpu.memory_space<vmem>> -> memref<1x128xi32, #tpu.memory_space<vmem>>
      %dma_wait3A_117 = tpu.memref_squeeze %dma_wait3A_116 : memref<1x128xi32, #tpu.memory_space<vmem>> -> memref<128xi32, #tpu.memory_space<vmem>>
      %dma_wait3A_118 = arith.constant 0 : i32
      %dma_wait3A_119 = arith.constant 0 : i32
      %dma_wait3A_120 = tpu.memref_slice %arg11[%dma_wait3A_118, %dma_wait3A_119] : memref<10000x64xf32, #tpu.memory_space<vmem_shared>> -> memref<10000x64xf32, #tpu.memory_space<vmem_shared>>
      tpu.wait_indirect_dma semaphore(%arg13 : memref<!tpu.dma_semaphore, #tpu.memory_space<semaphore_mem>>) src(%dma_wait3A_120 : memref<10000x64xf32, #tpu.memory_space<vmem_shared>>) dst(%dma_wait3A_114 : memref<128x64xf32, #tpu.memory_space<vmem>>)
      %dma_start3A_121 = arith.constant 1 : i32
      %dma_start3A_122 = arith.constant 29 : i32
      %dma_start3A_123 = arith.constant 0 : i32
      %dma_start3A_124 = arith.constant 0 : i32
      %dma_start3A_125 = tpu.memref_slice %arg9[%dma_start3A_121, %dma_start3A_123, %dma_start3A_124] : memref<4x128x64xf32, #tpu.memory_space<vmem>> -> memref<1x128x64xf32, #tpu.memory_space<vmem>>
      %dma_start3A_126 = tpu.memref_squeeze %dma_start3A_125 : memref<1x128x64xf32, #tpu.memory_space<vmem>> -> memref<128x64xf32, #tpu.memory_space<vmem>>
      %dma_start3A_127 = arith.constant 0 : i32
      %dma_start3A_128 = tpu.memref_slice %arg8[%dma_start3A_122, %dma_start3A_127] : memref<32x128xi32, #tpu.memory_space<vmem>> -> memref<1x128xi32, #tpu.memory_space<vmem>>
      %dma_start3A_129 = tpu.memref_squeeze %dma_start3A_128 : memref<1x128xi32, #tpu.memory_space<vmem>> -> memref<128xi32, #tpu.memory_space<vmem>>
      %dma_start3A_130 = arith.constant 0 : i32
      %dma_start3A_131 = arith.constant 0 : i32
      %dma_start3A_132 = tpu.memref_slice %arg10[%dma_start3A_130, %dma_start3A_131] : memref<10240x64xf32, #tpu.memory_space<vmem_shared>> -> memref<10240x64xf32, #tpu.memory_space<vmem_shared>>
      tpu.enqueue_indirect_dma source(%dma_start3A_126 : memref<128x64xf32, #tpu.memory_space<vmem>>) target(%dma_start3A_132 : memref<10240x64xf32, #tpu.memory_space<vmem_shared>>) offsets(%dma_start3A_129 : memref<128xi32, #tpu.memory_space<vmem>>) semaphore(%arg17 : memref<!tpu.dma_semaphore, #tpu.memory_space<semaphore_mem>>) {add = true}
      %dma_wait3A_133 = arith.constant 30 : i32
      %dma_wait3A_134 = arith.constant 2 : i32
      %dma_wait3A_135 = arith.constant 0 : i32
      %dma_wait3A_136 = arith.constant 0 : i32
      %dma_wait3A_137 = tpu.memref_slice %arg9[%dma_wait3A_134, %dma_wait3A_135, %dma_wait3A_136] : memref<4x128x64xf32, #tpu.memory_space<vmem>> -> memref<1x128x64xf32, #tpu.memory_space<vmem>>
      %dma_wait3A_138 = tpu.memref_squeeze %dma_wait3A_137 : memref<1x128x64xf32, #tpu.memory_space<vmem>> -> memref<128x64xf32, #tpu.memory_space<vmem>>
      %dma_wait3A_139 = arith.constant 0 : i32
      %dma_wait3A_140 = tpu.memref_slice %arg7[%dma_wait3A_133, %dma_wait3A_139] : memref<32x128xi32, #tpu.memory_space<vmem>> -> memref<1x128xi32, #tpu.memory_space<vmem>>
      %dma_wait3A_141 = tpu.memref_squeeze %dma_wait3A_140 : memref<1x128xi32, #tpu.memory_space<vmem>> -> memref<128xi32, #tpu.memory_space<vmem>>
      %dma_wait3A_142 = arith.constant 0 : i32
      %dma_wait3A_143 = arith.constant 0 : i32
      %dma_wait3A_144 = tpu.memref_slice %arg11[%dma_wait3A_142, %dma_wait3A_143] : memref<10000x64xf32, #tpu.memory_space<vmem_shared>> -> memref<10000x64xf32, #tpu.memory_space<vmem_shared>>
      tpu.wait_indirect_dma semaphore(%arg14 : memref<!tpu.dma_semaphore, #tpu.memory_space<semaphore_mem>>) src(%dma_wait3A_144 : memref<10000x64xf32, #tpu.memory_space<vmem_shared>>) dst(%dma_wait3A_138 : memref<128x64xf32, #tpu.memory_space<vmem>>)
      %dma_start3A_145 = arith.constant 2 : i32
      %dma_start3A_146 = arith.constant 30 : i32
      %dma_start3A_147 = arith.constant 0 : i32
      %dma_start3A_148 = arith.constant 0 : i32
      %dma_start3A_149 = tpu.memref_slice %arg9[%dma_start3A_145, %dma_start3A_147, %dma_start3A_148] : memref<4x128x64xf32, #tpu.memory_space<vmem>> -> memref<1x128x64xf32, #tpu.memory_space<vmem>>
      %dma_start3A_150 = tpu.memref_squeeze %dma_start3A_149 : memref<1x128x64xf32, #tpu.memory_space<vmem>> -> memref<128x64xf32, #tpu.memory_space<vmem>>
      %dma_start3A_151 = arith.constant 0 : i32
      %dma_start3A_152 = tpu.memref_slice %arg8[%dma_start3A_146, %dma_start3A_151] : memref<32x128xi32, #tpu.memory_space<vmem>> -> memref<1x128xi32, #tpu.memory_space<vmem>>
      %dma_start3A_153 = tpu.memref_squeeze %dma_start3A_152 : memref<1x128xi32, #tpu.memory_space<vmem>> -> memref<128xi32, #tpu.memory_space<vmem>>
      %dma_start3A_154 = arith.constant 0 : i32
      %dma_start3A_155 = arith.constant 0 : i32
      %dma_start3A_156 = tpu.memref_slice %arg10[%dma_start3A_154, %dma_start3A_155] : memref<10240x64xf32, #tpu.memory_space<vmem_shared>> -> memref<10240x64xf32, #tpu.memory_space<vmem_shared>>
      tpu.enqueue_indirect_dma source(%dma_start3A_150 : memref<128x64xf32, #tpu.memory_space<vmem>>) target(%dma_start3A_156 : memref<10240x64xf32, #tpu.memory_space<vmem_shared>>) offsets(%dma_start3A_153 : memref<128xi32, #tpu.memory_space<vmem>>) semaphore(%arg18 : memref<!tpu.dma_semaphore, #tpu.memory_space<semaphore_mem>>) {add = true}
      %dma_wait3A_157 = arith.constant 31 : i32
      %dma_wait3A_158 = arith.constant 3 : i32
      %dma_wait3A_159 = arith.constant 0 : i32
      %dma_wait3A_160 = arith.constant 0 : i32
      %dma_wait3A_161 = tpu.memref_slice %arg9[%dma_wait3A_158, %dma_wait3A_159, %dma_wait3A_160] : memref<4x128x64xf32, #tpu.memory_space<vmem>> -> memref<1x128x64xf32, #tpu.memory_space<vmem>>
      %dma_wait3A_162 = tpu.memref_squeeze %dma_wait3A_161 : memref<1x128x64xf32, #tpu.memory_space<vmem>> -> memref<128x64xf32, #tpu.memory_space<vmem>>
      %dma_wait3A_163 = arith.constant 0 : i32
      %dma_wait3A_164 = tpu.memref_slice %arg7[%dma_wait3A_157, %dma_wait3A_163] : memref<32x128xi32, #tpu.memory_space<vmem>> -> memref<1x128xi32, #tpu.memory_space<vmem>>
      %dma_wait3A_165 = tpu.memref_squeeze %dma_wait3A_164 : memref<1x128xi32, #tpu.memory_space<vmem>> -> memref<128xi32, #tpu.memory_space<vmem>>
      %dma_wait3A_166 = arith.constant 0 : i32
      %dma_wait3A_167 = arith.constant 0 : i32
      %dma_wait3A_168 = tpu.memref_slice %arg11[%dma_wait3A_166, %dma_wait3A_167] : memref<10000x64xf32, #tpu.memory_space<vmem_shared>> -> memref<10000x64xf32, #tpu.memory_space<vmem_shared>>
      tpu.wait_indirect_dma semaphore(%arg15 : memref<!tpu.dma_semaphore, #tpu.memory_space<semaphore_mem>>) src(%dma_wait3A_168 : memref<10000x64xf32, #tpu.memory_space<vmem_shared>>) dst(%dma_wait3A_162 : memref<128x64xf32, #tpu.memory_space<vmem>>)
      %dma_start3A_169 = arith.constant 3 : i32
      %dma_start3A_170 = arith.constant 31 : i32
      %dma_start3A_171 = arith.constant 0 : i32
      %dma_start3A_172 = arith.constant 0 : i32
      %dma_start3A_173 = tpu.memref_slice %arg9[%dma_start3A_169, %dma_start3A_171, %dma_start3A_172] : memref<4x128x64xf32, #tpu.memory_space<vmem>> -> memref<1x128x64xf32, #tpu.memory_space<vmem>>
      %dma_start3A_174 = tpu.memref_squeeze %dma_start3A_173 : memref<1x128x64xf32, #tpu.memory_space<vmem>> -> memref<128x64xf32, #tpu.memory_space<vmem>>
      %dma_start3A_175 = arith.constant 0 : i32
      %dma_start3A_176 = tpu.memref_slice %arg8[%dma_start3A_170, %dma_start3A_175] : memref<32x128xi32, #tpu.memory_space<vmem>> -> memref<1x128xi32, #tpu.memory_space<vmem>>
      %dma_start3A_177 = tpu.memref_squeeze %dma_start3A_176 : memref<1x128xi32, #tpu.memory_space<vmem>> -> memref<128xi32, #tpu.memory_space<vmem>>
      %dma_start3A_178 = arith.constant 0 : i32
      %dma_start3A_179 = arith.constant 0 : i32
      %dma_start3A_180 = tpu.memref_slice %arg10[%dma_start3A_178, %dma_start3A_179] : memref<10240x64xf32, #tpu.memory_space<vmem_shared>> -> memref<10240x64xf32, #tpu.memory_space<vmem_shared>>
      tpu.enqueue_indirect_dma source(%dma_start3A_174 : memref<128x64xf32, #tpu.memory_space<vmem>>) target(%dma_start3A_180 : memref<10240x64xf32, #tpu.memory_space<vmem_shared>>) offsets(%dma_start3A_177 : memref<128xi32, #tpu.memory_space<vmem>>) semaphore(%arg19 : memref<!tpu.dma_semaphore, #tpu.memory_space<semaphore_mem>>) {add = true}
      %dma_wait3A_181 = arith.constant 0 : i32
      %dma_wait3A_182 = arith.constant 28 : i32
      %dma_wait3A_183 = arith.constant 0 : i32
      %dma_wait3A_184 = arith.constant 0 : i32
      %dma_wait3A_185 = tpu.memref_slice %arg9[%dma_wait3A_181, %dma_wait3A_183, %dma_wait3A_184] : memref<4x128x64xf32, #tpu.memory_space<vmem>> -> memref<1x128x64xf32, #tpu.memory_space<vmem>>
      %dma_wait3A_186 = tpu.memref_squeeze %dma_wait3A_185 : memref<1x128x64xf32, #tpu.memory_space<vmem>> -> memref<128x64xf32, #tpu.memory_space<vmem>>
      %dma_wait3A_187 = arith.constant 0 : i32
      %dma_wait3A_188 = tpu.memref_slice %arg8[%dma_wait3A_182, %dma_wait3A_187] : memref<32x128xi32, #tpu.memory_space<vmem>> -> memref<1x128xi32, #tpu.memory_space<vmem>>
      %dma_wait3A_189 = tpu.memref_squeeze %dma_wait3A_188 : memref<1x128xi32, #tpu.memory_space<vmem>> -> memref<128xi32, #tpu.memory_space<vmem>>
      %dma_wait3A_190 = arith.constant 0 : i32
      %dma_wait3A_191 = arith.constant 0 : i32
      %dma_wait3A_192 = tpu.memref_slice %arg10[%dma_wait3A_190, %dma_wait3A_191] : memref<10240x64xf32, #tpu.memory_space<vmem_shared>> -> memref<10240x64xf32, #tpu.memory_space<vmem_shared>>
      tpu.wait_indirect_dma semaphore(%arg16 : memref<!tpu.dma_semaphore, #tpu.memory_space<semaphore_mem>>) src(%dma_wait3A_186 : memref<128x64xf32, #tpu.memory_space<vmem>>) dst(%dma_wait3A_192 : memref<10240x64xf32, #tpu.memory_space<vmem_shared>>)
      %dma_wait3A_193 = arith.constant 1 : i32
      %dma_wait3A_194 = arith.constant 29 : i32
      %dma_wait3A_195 = arith.constant 0 : i32
      %dma_wait3A_196 = arith.constant 0 : i32
      %dma_wait3A_197 = tpu.memref_slice %arg9[%dma_wait3A_193, %dma_wait3A_195, %dma_wait3A_196] : memref<4x128x64xf32, #tpu.memory_space<vmem>> -> memref<1x128x64xf32, #tpu.memory_space<vmem>>
      %dma_wait3A_198 = tpu.memref_squeeze %dma_wait3A_197 : memref<1x128x64xf32, #tpu.memory_space<vmem>> -> memref<128x64xf32, #tpu.memory_space<vmem>>
      %dma_wait3A_199 = arith.constant 0 : i32
      %dma_wait3A_200 = tpu.memref_slice %arg8[%dma_wait3A_194, %dma_wait3A_199] : memref<32x128xi32, #tpu.memory_space<vmem>> -> memref<1x128xi32, #tpu.memory_space<vmem>>
      %dma_wait3A_201 = tpu.memref_squeeze %dma_wait3A_200 : memref<1x128xi32, #tpu.memory_space<vmem>> -> memref<128xi32, #tpu.memory_space<vmem>>
      %dma_wait3A_202 = arith.constant 0 : i32
      %dma_wait3A_203 = arith.constant 0 : i32
      %dma_wait3A_204 = tpu.memref_slice %arg10[%dma_wait3A_202, %dma_wait3A_203] : memref<10240x64xf32, #tpu.memory_space<vmem_shared>> -> memref<10240x64xf32, #tpu.memory_space<vmem_shared>>
      tpu.wait_indirect_dma semaphore(%arg17 : memref<!tpu.dma_semaphore, #tpu.memory_space<semaphore_mem>>) src(%dma_wait3A_198 : memref<128x64xf32, #tpu.memory_space<vmem>>) dst(%dma_wait3A_204 : memref<10240x64xf32, #tpu.memory_space<vmem_shared>>)
      %dma_wait3A_205 = arith.constant 2 : i32
      %dma_wait3A_206 = arith.constant 30 : i32
      %dma_wait3A_207 = arith.constant 0 : i32
      %dma_wait3A_208 = arith.constant 0 : i32
      %dma_wait3A_209 = tpu.memref_slice %arg9[%dma_wait3A_205, %dma_wait3A_207, %dma_wait3A_208] : memref<4x128x64xf32, #tpu.memory_space<vmem>> -> memref<1x128x64xf32, #tpu.memory_space<vmem>>
      %dma_wait3A_210 = tpu.memref_squeeze %dma_wait3A_209 : memref<1x128x64xf32, #tpu.memory_space<vmem>> -> memref<128x64xf32, #tpu.memory_space<vmem>>
      %dma_wait3A_211 = arith.constant 0 : i32
      %dma_wait3A_212 = tpu.memref_slice %arg8[%dma_wait3A_206, %dma_wait3A_211] : memref<32x128xi32, #tpu.memory_space<vmem>> -> memref<1x128xi32, #tpu.memory_space<vmem>>
      %dma_wait3A_213 = tpu.memref_squeeze %dma_wait3A_212 : memref<1x128xi32, #tpu.memory_space<vmem>> -> memref<128xi32, #tpu.memory_space<vmem>>
      %dma_wait3A_214 = arith.constant 0 : i32
      %dma_wait3A_215 = arith.constant 0 : i32
      %dma_wait3A_216 = tpu.memref_slice %arg10[%dma_wait3A_214, %dma_wait3A_215] : memref<10240x64xf32, #tpu.memory_space<vmem_shared>> -> memref<10240x64xf32, #tpu.memory_space<vmem_shared>>
      tpu.wait_indirect_dma semaphore(%arg18 : memref<!tpu.dma_semaphore, #tpu.memory_space<semaphore_mem>>) src(%dma_wait3A_210 : memref<128x64xf32, #tpu.memory_space<vmem>>) dst(%dma_wait3A_216 : memref<10240x64xf32, #tpu.memory_space<vmem_shared>>)
      %dma_wait3A_217 = arith.constant 3 : i32
      %dma_wait3A_218 = arith.constant 31 : i32
      %dma_wait3A_219 = arith.constant 0 : i32
      %dma_wait3A_220 = arith.constant 0 : i32
      %dma_wait3A_221 = tpu.memref_slice %arg9[%dma_wait3A_217, %dma_wait3A_219, %dma_wait3A_220] : memref<4x128x64xf32, #tpu.memory_space<vmem>> -> memref<1x128x64xf32, #tpu.memory_space<vmem>>
      %dma_wait3A_222 = tpu.memref_squeeze %dma_wait3A_221 : memref<1x128x64xf32, #tpu.memory_space<vmem>> -> memref<128x64xf32, #tpu.memory_space<vmem>>
      %dma_wait3A_223 = arith.constant 0 : i32
      %dma_wait3A_224 = tpu.memref_slice %arg8[%dma_wait3A_218, %dma_wait3A_223] : memref<32x128xi32, #tpu.memory_space<vmem>> -> memref<1x128xi32, #tpu.memory_space<vmem>>
      %dma_wait3A_225 = tpu.memref_squeeze %dma_wait3A_224 : memref<1x128xi32, #tpu.memory_space<vmem>> -> memref<128xi32, #tpu.memory_space<vmem>>
      %dma_wait3A_226 = arith.constant 0 : i32
      %dma_wait3A_227 = arith.constant 0 : i32
      %dma_wait3A_228 = tpu.memref_slice %arg10[%dma_wait3A_226, %dma_wait3A_227] : memref<10240x64xf32, #tpu.memory_space<vmem_shared>> -> memref<10240x64xf32, #tpu.memory_space<vmem_shared>>
      tpu.wait_indirect_dma semaphore(%arg19 : memref<!tpu.dma_semaphore, #tpu.memory_space<semaphore_mem>>) src(%dma_wait3A_222 : memref<128x64xf32, #tpu.memory_space<vmem>>) dst(%dma_wait3A_228 : memref<10240x64xf32, #tpu.memory_space<vmem_shared>>)
    }
    %scan3A_21 = arith.constant 5 : i32
    %barrier3A_22 = arith.constant 0 : index
    tpu.barrier barrier_id(%barrier3A_22)
    %mul3A_23 = arith.constant 640 : i32
    %mul3A_24 = arith.muli %arg1, %mul3A_23 : i32
    %mul3A_25 = arith.constant 640 : i32
    %mul3A_26 = arith.muli %arg1, %mul3A_25 : i32
    "tpu.region"() ({
      %run_scoped3A = tpu.sem_alloc : memref<!tpu.dma_semaphore, #tpu.memory_space<semaphore_mem>>
      %dma_start3A_27 = arith.constant 0 : i32
      %dma_start3A_28 = tpu.memref_slice %arg6[%arg0, %mul3A_26, %dma_start3A_27] : memref<2x10240x64xf32, #tpu.memory_space<hbm>> -> memref<1x640x64xf32, #tpu.memory_space<hbm>>
      %dma_start3A_29 = tpu.memref_squeeze %dma_start3A_28 : memref<1x640x64xf32, #tpu.memory_space<hbm>> -> memref<640x64xf32, #tpu.memory_space<hbm>>
      %dma_start3A_30 = arith.constant 0 : i32
      %dma_start3A_31 = tpu.memref_slice %arg10[%mul3A_24, %dma_start3A_30] : memref<10240x64xf32, #tpu.memory_space<vmem_shared>> -> memref<640x64xf32, #tpu.memory_space<vmem_shared>>
      tpu.enqueue_dma source(%dma_start3A_31 : memref<640x64xf32, #tpu.memory_space<vmem_shared>>) target(%dma_start3A_29 : memref<640x64xf32, #tpu.memory_space<hbm>>) target_semaphore(%run_scoped3A : memref<!tpu.dma_semaphore, #tpu.memory_space<semaphore_mem>>)
      %dma_wait3A_32 = arith.constant 0 : i32
      %dma_wait3A_33 = tpu.memref_slice %arg6[%arg0, %mul3A_26, %dma_wait3A_32] : memref<2x10240x64xf32, #tpu.memory_space<hbm>> -> memref<1x640x64xf32, #tpu.memory_space<hbm>>
      %dma_wait3A_34 = tpu.memref_squeeze %dma_wait3A_33 : memref<1x640x64xf32, #tpu.memory_space<hbm>> -> memref<640x64xf32, #tpu.memory_space<hbm>>
      %dma_wait3A_35 = arith.constant 0 : i32
      %dma_wait3A_36 = tpu.memref_slice %arg10[%mul3A_24, %dma_wait3A_35] : memref<10240x64xf32, #tpu.memory_space<vmem_shared>> -> memref<640x64xf32, #tpu.memory_space<vmem_shared>>
      tpu.wait_dma2 semaphore(%run_scoped3A : memref<!tpu.dma_semaphore, #tpu.memory_space<semaphore_mem>>) src(%dma_wait3A_36 : memref<640x64xf32, #tpu.memory_space<vmem_shared>>) dst(%dma_wait3A_34 : memref<640x64xf32, #tpu.memory_space<hbm>>)
      tpu.yield
    }) : () -> ()
    return
  }
}

#map = affine_map<(d0, d1) -> (0, 0)>
#map1 = affine_map<(d0, d1) -> (0, 0, 0)>
module attributes {stable_mosaic.version = 14 : i64} {
  func.func @k(%arg0: i32, %arg1: i32, %arg2: memref<10000x64xf32, #tpu.memory_space<hbm>>, %arg3: memref<32x160x128xi32, #tpu.memory_space<hbm>>, %arg4: memref<32x160x128xi32, #tpu.memory_space<hbm>>, %arg5: memref<640x64xf32, #tpu.memory_space<hbm>>, %arg6: memref<2x10240x64xf32, #tpu.memory_space<hbm>>, %arg7: memref<32x128xi32, #tpu.memory_space<vmem>>, %arg8: memref<32x128xi32, #tpu.memory_space<vmem>>, %arg9: memref<4x128x64xf32, #tpu.memory_space<vmem>>, %arg10: memref<10240x64xf32, #tpu.memory_space<vmem_shared>>, %arg11: memref<10000x64xf32, #tpu.memory_space<vmem_shared>>, %arg12: memref<!tpu.dma_semaphore, #tpu.memory_space<semaphore_mem>>, %arg13: memref<!tpu.dma_semaphore, #tpu.memory_space<semaphore_mem>>, %arg14: memref<!tpu.dma_semaphore, #tpu.memory_space<semaphore_mem>>, %arg15: memref<!tpu.dma_semaphore, #tpu.memory_space<semaphore_mem>>, %arg16: memref<!tpu.dma_semaphore, #tpu.memory_space<semaphore_mem>>, %arg17: memref<!tpu.dma_semaphore, #tpu.memory_space<semaphore_mem>>, %arg18: memref<!tpu.dma_semaphore, #tpu.memory_space<semaphore_mem>>, %arg19: memref<!tpu.dma_semaphore, #tpu.memory_space<semaphore_mem>>) attributes {dimension_semantics = [#tpu.dimension_semantics<core_parallel>, #tpu.dimension_semantics<subcore_parallel>], iteration_bounds = array<i64: 2, 16>, scalar_prefetch = 0 : i64, scratch_operands = 13 : i64, tpu.core_type = #tpu.core_type<sc_vector_subcore>, window_params = [{transform_indices = #map}, {transform_indices = #map1}, {transform_indices = #map1}, {transform_indices = #map}, {transform_indices = #map1}]} {
    %mul3A = arith.constant 2 : i32
    %mul3A_0 = arith.muli %arg1, %mul3A : i32
    %add3A = arith.addi %mul3A_0, %arg0 : i32
    %mul3A_1 = arith.constant 640 : i32
    %mul3A_2 = arith.muli %arg1, %mul3A_1 : i32
    %mul3A_3 = arith.constant 625 : i32
    %mul3A_4 = arith.muli %arg1, %mul3A_3 : i32
    %mul3A_5 = arith.constant 625 : i32
    %mul3A_6 = arith.muli %arg1, %mul3A_5 : i32
    %dma_start3A = arith.constant 0 : i32
    %dma_start3A_7 = tpu.memref_slice %arg10[%mul3A_2, %dma_start3A] : memref<10240x64xf32, #tpu.memory_space<vmem_shared>> -> memref<640x64xf32, #tpu.memory_space<vmem_shared>>
    tpu.enqueue_dma source(%arg5 : memref<640x64xf32, #tpu.memory_space<hbm>>) target(%dma_start3A_7 : memref<640x64xf32, #tpu.memory_space<vmem_shared>>) target_semaphore(%arg12 : memref<!tpu.dma_semaphore, #tpu.memory_space<semaphore_mem>>)
    %dma_start3A_8 = arith.constant 0 : i32
    %dma_start3A_9 = tpu.memref_slice %arg11[%mul3A_6, %dma_start3A_8] : memref<10000x64xf32, #tpu.memory_space<vmem_shared>> -> memref<625x64xf32, #tpu.memory_space<vmem_shared>>
    %dma_start3A_10 = arith.constant 0 : i32
    %dma_start3A_11 = tpu.memref_slice %arg2[%mul3A_4, %dma_start3A_10] : memref<10000x64xf32, #tpu.memory_space<hbm>> -> memref<625x64xf32, #tpu.memory_space<hbm>>
    tpu.enqueue_dma source(%dma_start3A_11 : memref<625x64xf32, #tpu.memory_space<hbm>>) target(%dma_start3A_9 : memref<625x64xf32, #tpu.memory_space<vmem_shared>>) target_semaphore(%arg13 : memref<!tpu.dma_semaphore, #tpu.memory_space<semaphore_mem>>)
    %dma_wait3A = arith.constant 0 : i32
    %dma_wait3A_12 = tpu.memref_slice %arg10[%mul3A_2, %dma_wait3A] : memref<10240x64xf32, #tpu.memory_space<vmem_shared>> -> memref<640x64xf32, #tpu.memory_space<vmem_shared>>
    tpu.wait_dma2 semaphore(%arg12 : memref<!tpu.dma_semaphore, #tpu.memory_space<semaphore_mem>>) src(%arg5 : memref<640x64xf32, #tpu.memory_space<hbm>>) dst(%dma_wait3A_12 : memref<640x64xf32, #tpu.memory_space<vmem_shared>>)
    %dma_wait3A_13 = arith.constant 0 : i32
    %dma_wait3A_14 = tpu.memref_slice %arg11[%mul3A_6, %dma_wait3A_13] : memref<10000x64xf32, #tpu.memory_space<vmem_shared>> -> memref<625x64xf32, #tpu.memory_space<vmem_shared>>
    %dma_wait3A_15 = arith.constant 0 : i32
    %dma_wait3A_16 = tpu.memref_slice %arg2[%mul3A_4, %dma_wait3A_15] : memref<10000x64xf32, #tpu.memory_space<hbm>> -> memref<625x64xf32, #tpu.memory_space<hbm>>
    tpu.wait_dma2 semaphore(%arg13 : memref<!tpu.dma_semaphore, #tpu.memory_space<semaphore_mem>>) src(%dma_wait3A_16 : memref<625x64xf32, #tpu.memory_space<hbm>>) dst(%dma_wait3A_14 : memref<625x64xf32, #tpu.memory_space<vmem_shared>>)
    %barrier3A = arith.constant 0 : index
    tpu.barrier barrier_id(%barrier3A)
    %scan3A = arith.constant 0 : i32
    %scan3A_17 = arith.constant 0 : i32
    %scan3A_18 = arith.constant 5 : i32
    %scan3A_19 = arith.addi %scan3A_17, %scan3A_18 : i32
    %scan3A_20 = arith.constant 1 : i32
    scf.for %scan3A_27 = %scan3A_17 to %scan3A_19 step %scan3A_20  : i32 {
      %mul3A_28 = arith.constant 32 : i32
      %mul3A_29 = arith.muli %scan3A_27, %mul3A_28 : i32
      "tpu.region"() ({
        %run_scoped3A = tpu.sem_alloc : memref<!tpu.dma_semaphore, #tpu.memory_space<semaphore_mem>>
        %dma_start3A_229 = arith.constant 0 : i32
        %dma_start3A_230 = tpu.memref_slice %arg3[%add3A, %mul3A_29, %dma_start3A_229] : memref<32x160x128xi32, #tpu.memory_space<hbm>> -> memref<1x32x128xi32, #tpu.memory_space<hbm>>
        %dma_start3A_231 = tpu.memref_squeeze %dma_start3A_230 : memref<1x32x128xi32, #tpu.memory_space<hbm>> -> memref<32x128xi32, #tpu.memory_space<hbm>>
        %dma_start3A_232 = arith.constant 0 : i32
        %dma_start3A_233 = tpu.memref_slice %arg3[%add3A, %mul3A_29, %dma_start3A_232] : memref<32x160x128xi32, #tpu.memory_space<hbm>> -> memref<1x32x128xi32, #tpu.memory_space<hbm>>
        %dma_start3A_234 = tpu.memref_squeeze %dma_start3A_233 : memref<1x32x128xi32, #tpu.memory_space<hbm>> -> memref<32x128xi32, #tpu.memory_space<hbm>>
        tpu.enqueue_dma source(%dma_start3A_234 : memref<32x128xi32, #tpu.memory_space<hbm>>) target(%arg7 : memref<32x128xi32, #tpu.memory_space<vmem>>) target_semaphore(%run_scoped3A : memref<!tpu.dma_semaphore, #tpu.memory_space<semaphore_mem>>)
        %dma_wait3A_235 = arith.constant 0 : i32
        %dma_wait3A_236 = tpu.memref_slice %arg3[%add3A, %mul3A_29, %dma_wait3A_235] : memref<32x160x128xi32, #tpu.memory_space<hbm>> -> memref<1x32x128xi32, #tpu.memory_space<hbm>>
        %dma_wait3A_237 = tpu.memref_squeeze %dma_wait3A_236 : memref<1x32x128xi32, #tpu.memory_space<hbm>> -> memref<32x128xi32, #tpu.memory_space<hbm>>
        %dma_wait3A_238 = arith.constant 0 : i32
        %dma_wait3A_239 = tpu.memref_slice %arg3[%add3A, %mul3A_29, %dma_wait3A_238] : memref<32x160x128xi32, #tpu.memory_space<hbm>> -> memref<1x32x128xi32, #tpu.memory_space<hbm>>
        %dma_wait3A_240 = tpu.memref_squeeze %dma_wait3A_239 : memref<1x32x128xi32, #tpu.memory_space<hbm>> -> memref<32x128xi32, #tpu.memory_space<hbm>>
        tpu.wait_dma2 semaphore(%run_scoped3A : memref<!tpu.dma_semaphore, #tpu.memory_space<semaphore_mem>>) src(%dma_wait3A_240 : memref<32x128xi32, #tpu.memory_space<hbm>>) dst(%arg7 : memref<32x128xi32, #tpu.memory_space<vmem>>)
        tpu.yield
      }) : () -> ()
      %mul3A_30 = arith.constant 32 : i32
      %mul3A_31 = arith.muli %scan3A_27, %mul3A_30 : i32
      "tpu.region"() ({
        %run_scoped3A = tpu.sem_alloc : memref<!tpu.dma_semaphore, #tpu.memory_space<semaphore_mem>>
        %dma_start3A_229 = arith.constant 0 : i32
        %dma_start3A_230 = tpu.memref_slice %arg4[%add3A, %mul3A_31, %dma_start3A_229] : memref<32x160x128xi32, #tpu.memory_space<hbm>> -> memref<1x32x128xi32, #tpu.memory_space<hbm>>
        %dma_start3A_231 = tpu.memref_squeeze %dma_start3A_230 : memref<1x32x128xi32, #tpu.memory_space<hbm>> -> memref<32x128xi32, #tpu.memory_space<hbm>>
        %dma_start3A_232 = arith.constant 0 : i32
        %dma_start3A_233 = tpu.memref_slice %arg4[%add3A, %mul3A_31, %dma_start3A_232] : memref<32x160x128xi32, #tpu.memory_space<hbm>> -> memref<1x32x128xi32, #tpu.memory_space<hbm>>
        %dma_start3A_234 = tpu.memref_squeeze %dma_start3A_233 : memref<1x32x128xi32, #tpu.memory_space<hbm>> -> memref<32x128xi32, #tpu.memory_space<hbm>>
        tpu.enqueue_dma source(%dma_start3A_234 : memref<32x128xi32, #tpu.memory_space<hbm>>) target(%arg8 : memref<32x128xi32, #tpu.memory_space<vmem>>) target_semaphore(%run_scoped3A : memref<!tpu.dma_semaphore, #tpu.memory_space<semaphore_mem>>)
        %dma_wait3A_235 = arith.constant 0 : i32
        %dma_wait3A_236 = tpu.memref_slice %arg4[%add3A, %mul3A_31, %dma_wait3A_235] : memref<32x160x128xi32, #tpu.memory_space<hbm>> -> memref<1x32x128xi32, #tpu.memory_space<hbm>>
        %dma_wait3A_237 = tpu.memref_squeeze %dma_wait3A_236 : memref<1x32x128xi32, #tpu.memory_space<hbm>> -> memref<32x128xi32, #tpu.memory_space<hbm>>
        %dma_wait3A_238 = arith.constant 0 : i32
        %dma_wait3A_239 = tpu.memref_slice %arg4[%add3A, %mul3A_31, %dma_wait3A_238] : memref<32x160x128xi32, #tpu.memory_space<hbm>> -> memref<1x32x128xi32, #tpu.memory_space<hbm>>
        %dma_wait3A_240 = tpu.memref_squeeze %dma_wait3A_239 : memref<1x32x128xi32, #tpu.memory_space<hbm>> -> memref<32x128xi32, #tpu.memory_space<hbm>>
        tpu.wait_dma2 semaphore(%run_scoped3A : memref<!tpu.dma_semaphore, #tpu.memory_space<semaphore_mem>>) src(%dma_wait3A_240 : memref<32x128xi32, #tpu.memory_space<hbm>>) dst(%arg8 : memref<32x128xi32, #tpu.memory_space<vmem>>)
        tpu.yield
      }) : () -> ()
      %dma_start3A_32 = arith.constant 0 : i32
      %dma_start3A_33 = arith.constant 0 : i32
      %dma_start3A_34 = arith.constant 0 : i32
      %dma_start3A_35 = arith.constant 0 : i32
      %dma_start3A_36 = tpu.memref_slice %arg9[%dma_start3A_33, %dma_start3A_34, %dma_start3A_35] : memref<4x128x64xf32, #tpu.memory_space<vmem>> -> memref<1x128x64xf32, #tpu.memory_space<vmem>>
      %dma_start3A_37 = tpu.memref_squeeze %dma_start3A_36 : memref<1x128x64xf32, #tpu.memory_space<vmem>> -> memref<128x64xf32, #tpu.memory_space<vmem>>
      %dma_start3A_38 = arith.constant 0 : i32
      %dma_start3A_39 = tpu.memref_slice %arg7[%dma_start3A_32, %dma_start3A_38] : memref<32x128xi32, #tpu.memory_space<vmem>> -> memref<1x128xi32, #tpu.memory_space<vmem>>
      %dma_start3A_40 = tpu.memref_squeeze %dma_start3A_39 : memref<1x128xi32, #tpu.memory_space<vmem>> -> memref<128xi32, #tpu.memory_space<vmem>>
      %dma_start3A_41 = arith.constant 0 : i32
      %dma_start3A_42 = arith.constant 0 : i32
      %dma_start3A_43 = tpu.memref_slice %arg11[%dma_start3A_41, %dma_start3A_42] : memref<10000x64xf32, #tpu.memory_space<vmem_shared>> -> memref<10000x64xf32, #tpu.memory_space<vmem_shared>>
      tpu.enqueue_indirect_dma source(%dma_start3A_43 : memref<10000x64xf32, #tpu.memory_space<vmem_shared>>) target(%dma_start3A_37 : memref<128x64xf32, #tpu.memory_space<vmem>>) offsets(%dma_start3A_40 : memref<128xi32, #tpu.memory_space<vmem>>) semaphore(%arg12 : memref<!tpu.dma_semaphore, #tpu.memory_space<semaphore_mem>>)
      %dma_start3A_44 = arith.constant 1 : i32
      %dma_start3A_45 = arith.constant 1 : i32
      %dma_start3A_46 = arith.constant 0 : i32
      %dma_start3A_47 = arith.constant 0 : i32
      %dma_start3A_48 = tpu.memref_slice %arg9[%dma_start3A_45, %dma_start3A_46, %dma_start3A_47] : memref<4x128x64xf32, #tpu.memory_space<vmem>> -> memref<1x128x64xf32, #tpu.memory_space<vmem>>
      %dma_start3A_49 = tpu.memref_squeeze %dma_start3A_48 : memref<1x128x64xf32, #tpu.memory_space<vmem>> -> memref<128x64xf32, #tpu.memory_space<vmem>>
      %dma_start3A_50 = arith.constant 0 : i32
      %dma_start3A_51 = tpu.memref_slice %arg7[%dma_start3A_44, %dma_start3A_50] : memref<32x128xi32, #tpu.memory_space<vmem>> -> memref<1x128xi32, #tpu.memory_space<vmem>>
      %dma_start3A_52 = tpu.memref_squeeze %dma_start3A_51 : memref<1x128xi32, #tpu.memory_space<vmem>> -> memref<128xi32, #tpu.memory_space<vmem>>
      %dma_start3A_53 = arith.constant 0 : i32
      %dma_start3A_54 = arith.constant 0 : i32
      %dma_start3A_55 = tpu.memref_slice %arg11[%dma_start3A_53, %dma_start3A_54] : memref<10000x64xf32, #tpu.memory_space<vmem_shared>> -> memref<10000x64xf32, #tpu.memory_space<vmem_shared>>
      tpu.enqueue_indirect_dma source(%dma_start3A_55 : memref<10000x64xf32, #tpu.memory_space<vmem_shared>>) target(%dma_start3A_49 : memref<128x64xf32, #tpu.memory_space<vmem>>) offsets(%dma_start3A_52 : memref<128xi32, #tpu.memory_space<vmem>>) semaphore(%arg13 : memref<!tpu.dma_semaphore, #tpu.memory_space<semaphore_mem>>)
      %dma_start3A_56 = arith.constant 2 : i32
      %dma_start3A_57 = arith.constant 2 : i32
      %dma_start3A_58 = arith.constant 0 : i32
      %dma_start3A_59 = arith.constant 0 : i32
      %dma_start3A_60 = tpu.memref_slice %arg9[%dma_start3A_57, %dma_start3A_58, %dma_start3A_59] : memref<4x128x64xf32, #tpu.memory_space<vmem>> -> memref<1x128x64xf32, #tpu.memory_space<vmem>>
      %dma_start3A_61 = tpu.memref_squeeze %dma_start3A_60 : memref<1x128x64xf32, #tpu.memory_space<vmem>> -> memref<128x64xf32, #tpu.memory_space<vmem>>
      %dma_start3A_62 = arith.constant 0 : i32
      %dma_start3A_63 = tpu.memref_slice %arg7[%dma_start3A_56, %dma_start3A_62] : memref<32x128xi32, #tpu.memory_space<vmem>> -> memref<1x128xi32, #tpu.memory_space<vmem>>
      %dma_start3A_64 = tpu.memref_squeeze %dma_start3A_63 : memref<1x128xi32, #tpu.memory_space<vmem>> -> memref<128xi32, #tpu.memory_space<vmem>>
      %dma_start3A_65 = arith.constant 0 : i32
      %dma_start3A_66 = arith.constant 0 : i32
      %dma_start3A_67 = tpu.memref_slice %arg11[%dma_start3A_65, %dma_start3A_66] : memref<10000x64xf32, #tpu.memory_space<vmem_shared>> -> memref<10000x64xf32, #tpu.memory_space<vmem_shared>>
      tpu.enqueue_indirect_dma source(%dma_start3A_67 : memref<10000x64xf32, #tpu.memory_space<vmem_shared>>) target(%dma_start3A_61 : memref<128x64xf32, #tpu.memory_space<vmem>>) offsets(%dma_start3A_64 : memref<128xi32, #tpu.memory_space<vmem>>) semaphore(%arg14 : memref<!tpu.dma_semaphore, #tpu.memory_space<semaphore_mem>>)
      %dma_start3A_68 = arith.constant 3 : i32
      %dma_start3A_69 = arith.constant 3 : i32
      %dma_start3A_70 = arith.constant 0 : i32
      %dma_start3A_71 = arith.constant 0 : i32
      %dma_start3A_72 = tpu.memref_slice %arg9[%dma_start3A_69, %dma_start3A_70, %dma_start3A_71] : memref<4x128x64xf32, #tpu.memory_space<vmem>> -> memref<1x128x64xf32, #tpu.memory_space<vmem>>
      %dma_start3A_73 = tpu.memref_squeeze %dma_start3A_72 : memref<1x128x64xf32, #tpu.memory_space<vmem>> -> memref<128x64xf32, #tpu.memory_space<vmem>>
      %dma_start3A_74 = arith.constant 0 : i32
      %dma_start3A_75 = tpu.memref_slice %arg7[%dma_start3A_68, %dma_start3A_74] : memref<32x128xi32, #tpu.memory_space<vmem>> -> memref<1x128xi32, #tpu.memory_space<vmem>>
      %dma_start3A_76 = tpu.memref_squeeze %dma_start3A_75 : memref<1x128xi32, #tpu.memory_space<vmem>> -> memref<128xi32, #tpu.memory_space<vmem>>
      %dma_start3A_77 = arith.constant 0 : i32
      %dma_start3A_78 = arith.constant 0 : i32
      %dma_start3A_79 = tpu.memref_slice %arg11[%dma_start3A_77, %dma_start3A_78] : memref<10000x64xf32, #tpu.memory_space<vmem_shared>> -> memref<10000x64xf32, #tpu.memory_space<vmem_shared>>
      tpu.enqueue_indirect_dma source(%dma_start3A_79 : memref<10000x64xf32, #tpu.memory_space<vmem_shared>>) target(%dma_start3A_73 : memref<128x64xf32, #tpu.memory_space<vmem>>) offsets(%dma_start3A_76 : memref<128xi32, #tpu.memory_space<vmem>>) semaphore(%arg15 : memref<!tpu.dma_semaphore, #tpu.memory_space<semaphore_mem>>)
      %scan3A_80 = arith.constant 0 : i32
      %scan3A_81 = arith.constant 7 : i32
      %scan3A_82 = arith.addi %scan3A_80, %scan3A_81 : i32
      %scan3A_83 = arith.constant 1 : i32
      scf.for %scan3A_229 = %scan3A_80 to %scan3A_82 step %scan3A_83  : i32 {
        %mul3A_230 = arith.constant 4 : i32
        %mul3A_231 = arith.muli %mul3A_230, %scan3A_229 : i32
        %add3A_232 = arith.constant 0 : i32
        %add3A_233 = arith.addi %mul3A_231, %add3A_232 : i32
        %dma_wait3A_234 = arith.constant 0 : i32
        %dma_wait3A_235 = arith.constant 0 : i32
        %dma_wait3A_236 = arith.constant 0 : i32
        %dma_wait3A_237 = tpu.memref_slice %arg9[%dma_wait3A_234, %dma_wait3A_235, %dma_wait3A_236] : memref<4x128x64xf32, #tpu.memory_space<vmem>> -> memref<1x128x64xf32, #tpu.memory_space<vmem>>
        %dma_wait3A_238 = tpu.memref_squeeze %dma_wait3A_237 : memref<1x128x64xf32, #tpu.memory_space<vmem>> -> memref<128x64xf32, #tpu.memory_space<vmem>>
        %dma_wait3A_239 = arith.constant 0 : i32
        %dma_wait3A_240 = tpu.memref_slice %arg7[%add3A_233, %dma_wait3A_239] : memref<32x128xi32, #tpu.memory_space<vmem>> -> memref<1x128xi32, #tpu.memory_space<vmem>>
        %dma_wait3A_241 = tpu.memref_squeeze %dma_wait3A_240 : memref<1x128xi32, #tpu.memory_space<vmem>> -> memref<128xi32, #tpu.memory_space<vmem>>
        %dma_wait3A_242 = arith.constant 0 : i32
        %dma_wait3A_243 = arith.constant 0 : i32
        %dma_wait3A_244 = tpu.memref_slice %arg11[%dma_wait3A_242, %dma_wait3A_243] : memref<10000x64xf32, #tpu.memory_space<vmem_shared>> -> memref<10000x64xf32, #tpu.memory_space<vmem_shared>>
        tpu.wait_indirect_dma semaphore(%arg12 : memref<!tpu.dma_semaphore, #tpu.memory_space<semaphore_mem>>) src(%dma_wait3A_244 : memref<10000x64xf32, #tpu.memory_space<vmem_shared>>) dst(%dma_wait3A_238 : memref<128x64xf32, #tpu.memory_space<vmem>>)
        %mul3A_245 = arith.constant 4 : i32
        %mul3A_246 = arith.muli %mul3A_245, %scan3A_229 : i32
        %add3A_247 = arith.constant 0 : i32
        %add3A_248 = arith.addi %mul3A_246, %add3A_247 : i32
        %dma_start3A_249 = arith.constant 0 : i32
        %dma_start3A_250 = arith.constant 0 : i32
        %dma_start3A_251 = arith.constant 0 : i32
        %dma_start3A_252 = tpu.memref_slice %arg9[%dma_start3A_249, %dma_start3A_250, %dma_start3A_251] : memref<4x128x64xf32, #tpu.memory_space<vmem>> -> memref<1x128x64xf32, #tpu.memory_space<vmem>>
        %dma_start3A_253 = tpu.memref_squeeze %dma_start3A_252 : memref<1x128x64xf32, #tpu.memory_space<vmem>> -> memref<128x64xf32, #tpu.memory_space<vmem>>
        %dma_start3A_254 = arith.constant 0 : i32
        %dma_start3A_255 = tpu.memref_slice %arg8[%add3A_248, %dma_start3A_254] : memref<32x128xi32, #tpu.memory_space<vmem>> -> memref<1x128xi32, #tpu.memory_space<vmem>>
        %dma_start3A_256 = tpu.memref_squeeze %dma_start3A_255 : memref<1x128xi32, #tpu.memory_space<vmem>> -> memref<128xi32, #tpu.memory_space<vmem>>
        %dma_start3A_257 = arith.constant 0 : i32
        %dma_start3A_258 = arith.constant 0 : i32
        %dma_start3A_259 = tpu.memref_slice %arg10[%dma_start3A_257, %dma_start3A_258] : memref<10240x64xf32, #tpu.memory_space<vmem_shared>> -> memref<10240x64xf32, #tpu.memory_space<vmem_shared>>
        tpu.enqueue_indirect_dma source(%dma_start3A_253 : memref<128x64xf32, #tpu.memory_space<vmem>>) target(%dma_start3A_259 : memref<10240x64xf32, #tpu.memory_space<vmem_shared>>) offsets(%dma_start3A_256 : memref<128xi32, #tpu.memory_space<vmem>>) semaphore(%arg16 : memref<!tpu.dma_semaphore, #tpu.memory_space<semaphore_mem>>) {add = true}
        %mul3A_260 = arith.constant 4 : i32
        %mul3A_261 = arith.muli %mul3A_260, %scan3A_229 : i32
        %add3A_262 = arith.constant 1 : i32
        %add3A_263 = arith.addi %mul3A_261, %add3A_262 : i32
        %dma_wait3A_264 = arith.constant 1 : i32
        %dma_wait3A_265 = arith.constant 0 : i32
        %dma_wait3A_266 = arith.constant 0 : i32
        %dma_wait3A_267 = tpu.memref_slice %arg9[%dma_wait3A_264, %dma_wait3A_265, %dma_wait3A_266] : memref<4x128x64xf32, #tpu.memory_space<vmem>> -> memref<1x128x64xf32, #tpu.memory_space<vmem>>
        %dma_wait3A_268 = tpu.memref_squeeze %dma_wait3A_267 : memref<1x128x64xf32, #tpu.memory_space<vmem>> -> memref<128x64xf32, #tpu.memory_space<vmem>>
        %dma_wait3A_269 = arith.constant 0 : i32
        %dma_wait3A_270 = tpu.memref_slice %arg7[%add3A_263, %dma_wait3A_269] : memref<32x128xi32, #tpu.memory_space<vmem>> -> memref<1x128xi32, #tpu.memory_space<vmem>>
        %dma_wait3A_271 = tpu.memref_squeeze %dma_wait3A_270 : memref<1x128xi32, #tpu.memory_space<vmem>> -> memref<128xi32, #tpu.memory_space<vmem>>
        %dma_wait3A_272 = arith.constant 0 : i32
        %dma_wait3A_273 = arith.constant 0 : i32
        %dma_wait3A_274 = tpu.memref_slice %arg11[%dma_wait3A_272, %dma_wait3A_273] : memref<10000x64xf32, #tpu.memory_space<vmem_shared>> -> memref<10000x64xf32, #tpu.memory_space<vmem_shared>>
        tpu.wait_indirect_dma semaphore(%arg13 : memref<!tpu.dma_semaphore, #tpu.memory_space<semaphore_mem>>) src(%dma_wait3A_274 : memref<10000x64xf32, #tpu.memory_space<vmem_shared>>) dst(%dma_wait3A_268 : memref<128x64xf32, #tpu.memory_space<vmem>>)
        %mul3A_275 = arith.constant 4 : i32
        %mul3A_276 = arith.muli %mul3A_275, %scan3A_229 : i32
        %add3A_277 = arith.constant 1 : i32
        %add3A_278 = arith.addi %mul3A_276, %add3A_277 : i32
        %dma_start3A_279 = arith.constant 1 : i32
        %dma_start3A_280 = arith.constant 0 : i32
        %dma_start3A_281 = arith.constant 0 : i32
        %dma_start3A_282 = tpu.memref_slice %arg9[%dma_start3A_279, %dma_start3A_280, %dma_start3A_281] : memref<4x128x64xf32, #tpu.memory_space<vmem>> -> memref<1x128x64xf32, #tpu.memory_space<vmem>>
        %dma_start3A_283 = tpu.memref_squeeze %dma_start3A_282 : memref<1x128x64xf32, #tpu.memory_space<vmem>> -> memref<128x64xf32, #tpu.memory_space<vmem>>
        %dma_start3A_284 = arith.constant 0 : i32
        %dma_start3A_285 = tpu.memref_slice %arg8[%add3A_278, %dma_start3A_284] : memref<32x128xi32, #tpu.memory_space<vmem>> -> memref<1x128xi32, #tpu.memory_space<vmem>>
        %dma_start3A_286 = tpu.memref_squeeze %dma_start3A_285 : memref<1x128xi32, #tpu.memory_space<vmem>> -> memref<128xi32, #tpu.memory_space<vmem>>
        %dma_start3A_287 = arith.constant 0 : i32
        %dma_start3A_288 = arith.constant 0 : i32
        %dma_start3A_289 = tpu.memref_slice %arg10[%dma_start3A_287, %dma_start3A_288] : memref<10240x64xf32, #tpu.memory_space<vmem_shared>> -> memref<10240x64xf32, #tpu.memory_space<vmem_shared>>
        tpu.enqueue_indirect_dma source(%dma_start3A_283 : memref<128x64xf32, #tpu.memory_space<vmem>>) target(%dma_start3A_289 : memref<10240x64xf32, #tpu.memory_space<vmem_shared>>) offsets(%dma_start3A_286 : memref<128xi32, #tpu.memory_space<vmem>>) semaphore(%arg17 : memref<!tpu.dma_semaphore, #tpu.memory_space<semaphore_mem>>) {add = true}
        %mul3A_290 = arith.constant 4 : i32
        %mul3A_291 = arith.muli %mul3A_290, %scan3A_229 : i32
        %add3A_292 = arith.constant 2 : i32
        %add3A_293 = arith.addi %mul3A_291, %add3A_292 : i32
        %dma_wait3A_294 = arith.constant 2 : i32
        %dma_wait3A_295 = arith.constant 0 : i32
        %dma_wait3A_296 = arith.constant 0 : i32
        %dma_wait3A_297 = tpu.memref_slice %arg9[%dma_wait3A_294, %dma_wait3A_295, %dma_wait3A_296] : memref<4x128x64xf32, #tpu.memory_space<vmem>> -> memref<1x128x64xf32, #tpu.memory_space<vmem>>
        %dma_wait3A_298 = tpu.memref_squeeze %dma_wait3A_297 : memref<1x128x64xf32, #tpu.memory_space<vmem>> -> memref<128x64xf32, #tpu.memory_space<vmem>>
        %dma_wait3A_299 = arith.constant 0 : i32
        %dma_wait3A_300 = tpu.memref_slice %arg7[%add3A_293, %dma_wait3A_299] : memref<32x128xi32, #tpu.memory_space<vmem>> -> memref<1x128xi32, #tpu.memory_space<vmem>>
        %dma_wait3A_301 = tpu.memref_squeeze %dma_wait3A_300 : memref<1x128xi32, #tpu.memory_space<vmem>> -> memref<128xi32, #tpu.memory_space<vmem>>
        %dma_wait3A_302 = arith.constant 0 : i32
        %dma_wait3A_303 = arith.constant 0 : i32
        %dma_wait3A_304 = tpu.memref_slice %arg11[%dma_wait3A_302, %dma_wait3A_303] : memref<10000x64xf32, #tpu.memory_space<vmem_shared>> -> memref<10000x64xf32, #tpu.memory_space<vmem_shared>>
        tpu.wait_indirect_dma semaphore(%arg14 : memref<!tpu.dma_semaphore, #tpu.memory_space<semaphore_mem>>) src(%dma_wait3A_304 : memref<10000x64xf32, #tpu.memory_space<vmem_shared>>) dst(%dma_wait3A_298 : memref<128x64xf32, #tpu.memory_space<vmem>>)
        %mul3A_305 = arith.constant 4 : i32
        %mul3A_306 = arith.muli %mul3A_305, %scan3A_229 : i32
        %add3A_307 = arith.constant 2 : i32
        %add3A_308 = arith.addi %mul3A_306, %add3A_307 : i32
        %dma_start3A_309 = arith.constant 2 : i32
        %dma_start3A_310 = arith.constant 0 : i32
        %dma_start3A_311 = arith.constant 0 : i32
        %dma_start3A_312 = tpu.memref_slice %arg9[%dma_start3A_309, %dma_start3A_310, %dma_start3A_311] : memref<4x128x64xf32, #tpu.memory_space<vmem>> -> memref<1x128x64xf32, #tpu.memory_space<vmem>>
        %dma_start3A_313 = tpu.memref_squeeze %dma_start3A_312 : memref<1x128x64xf32, #tpu.memory_space<vmem>> -> memref<128x64xf32, #tpu.memory_space<vmem>>
        %dma_start3A_314 = arith.constant 0 : i32
        %dma_start3A_315 = tpu.memref_slice %arg8[%add3A_308, %dma_start3A_314] : memref<32x128xi32, #tpu.memory_space<vmem>> -> memref<1x128xi32, #tpu.memory_space<vmem>>
        %dma_start3A_316 = tpu.memref_squeeze %dma_start3A_315 : memref<1x128xi32, #tpu.memory_space<vmem>> -> memref<128xi32, #tpu.memory_space<vmem>>
        %dma_start3A_317 = arith.constant 0 : i32
        %dma_start3A_318 = arith.constant 0 : i32
        %dma_start3A_319 = tpu.memref_slice %arg10[%dma_start3A_317, %dma_start3A_318] : memref<10240x64xf32, #tpu.memory_space<vmem_shared>> -> memref<10240x64xf32, #tpu.memory_space<vmem_shared>>
        tpu.enqueue_indirect_dma source(%dma_start3A_313 : memref<128x64xf32, #tpu.memory_space<vmem>>) target(%dma_start3A_319 : memref<10240x64xf32, #tpu.memory_space<vmem_shared>>) offsets(%dma_start3A_316 : memref<128xi32, #tpu.memory_space<vmem>>) semaphore(%arg18 : memref<!tpu.dma_semaphore, #tpu.memory_space<semaphore_mem>>) {add = true}
        %mul3A_320 = arith.constant 4 : i32
        %mul3A_321 = arith.muli %mul3A_320, %scan3A_229 : i32
        %add3A_322 = arith.constant 3 : i32
        %add3A_323 = arith.addi %mul3A_321, %add3A_322 : i32
        %dma_wait3A_324 = arith.constant 3 : i32
        %dma_wait3A_325 = arith.constant 0 : i32
        %dma_wait3A_326 = arith.constant 0 : i32
        %dma_wait3A_327 = tpu.memref_slice %arg9[%dma_wait3A_324, %dma_wait3A_325, %dma_wait3A_326] : memref<4x128x64xf32, #tpu.memory_space<vmem>> -> memref<1x128x64xf32, #tpu.memory_space<vmem>>
        %dma_wait3A_328 = tpu.memref_squeeze %dma_wait3A_327 : memref<1x128x64xf32, #tpu.memory_space<vmem>> -> memref<128x64xf32, #tpu.memory_space<vmem>>
        %dma_wait3A_329 = arith.constant 0 : i32
        %dma_wait3A_330 = tpu.memref_slice %arg7[%add3A_323, %dma_wait3A_329] : memref<32x128xi32, #tpu.memory_space<vmem>> -> memref<1x128xi32, #tpu.memory_space<vmem>>
        %dma_wait3A_331 = tpu.memref_squeeze %dma_wait3A_330 : memref<1x128xi32, #tpu.memory_space<vmem>> -> memref<128xi32, #tpu.memory_space<vmem>>
        %dma_wait3A_332 = arith.constant 0 : i32
        %dma_wait3A_333 = arith.constant 0 : i32
        %dma_wait3A_334 = tpu.memref_slice %arg11[%dma_wait3A_332, %dma_wait3A_333] : memref<10000x64xf32, #tpu.memory_space<vmem_shared>> -> memref<10000x64xf32, #tpu.memory_space<vmem_shared>>
        tpu.wait_indirect_dma semaphore(%arg15 : memref<!tpu.dma_semaphore, #tpu.memory_space<semaphore_mem>>) src(%dma_wait3A_334 : memref<10000x64xf32, #tpu.memory_space<vmem_shared>>) dst(%dma_wait3A_328 : memref<128x64xf32, #tpu.memory_space<vmem>>)
        %mul3A_335 = arith.constant 4 : i32
        %mul3A_336 = arith.muli %mul3A_335, %scan3A_229 : i32
        %add3A_337 = arith.constant 3 : i32
        %add3A_338 = arith.addi %mul3A_336, %add3A_337 : i32
        %dma_start3A_339 = arith.constant 3 : i32
        %dma_start3A_340 = arith.constant 0 : i32
        %dma_start3A_341 = arith.constant 0 : i32
        %dma_start3A_342 = tpu.memref_slice %arg9[%dma_start3A_339, %dma_start3A_340, %dma_start3A_341] : memref<4x128x64xf32, #tpu.memory_space<vmem>> -> memref<1x128x64xf32, #tpu.memory_space<vmem>>
        %dma_start3A_343 = tpu.memref_squeeze %dma_start3A_342 : memref<1x128x64xf32, #tpu.memory_space<vmem>> -> memref<128x64xf32, #tpu.memory_space<vmem>>
        %dma_start3A_344 = arith.constant 0 : i32
        %dma_start3A_345 = tpu.memref_slice %arg8[%add3A_338, %dma_start3A_344] : memref<32x128xi32, #tpu.memory_space<vmem>> -> memref<1x128xi32, #tpu.memory_space<vmem>>
        %dma_start3A_346 = tpu.memref_squeeze %dma_start3A_345 : memref<1x128xi32, #tpu.memory_space<vmem>> -> memref<128xi32, #tpu.memory_space<vmem>>
        %dma_start3A_347 = arith.constant 0 : i32
        %dma_start3A_348 = arith.constant 0 : i32
        %dma_start3A_349 = tpu.memref_slice %arg10[%dma_start3A_347, %dma_start3A_348] : memref<10240x64xf32, #tpu.memory_space<vmem_shared>> -> memref<10240x64xf32, #tpu.memory_space<vmem_shared>>
        tpu.enqueue_indirect_dma source(%dma_start3A_343 : memref<128x64xf32, #tpu.memory_space<vmem>>) target(%dma_start3A_349 : memref<10240x64xf32, #tpu.memory_space<vmem_shared>>) offsets(%dma_start3A_346 : memref<128xi32, #tpu.memory_space<vmem>>) semaphore(%arg19 : memref<!tpu.dma_semaphore, #tpu.memory_space<semaphore_mem>>) {add = true}
        %mul3A_350 = arith.constant 4 : i32
        %mul3A_351 = arith.muli %mul3A_350, %scan3A_229 : i32
        %add3A_352 = arith.constant 0 : i32
        %add3A_353 = arith.addi %mul3A_351, %add3A_352 : i32
        %dma_wait3A_354 = arith.constant 0 : i32
        %dma_wait3A_355 = arith.constant 0 : i32
        %dma_wait3A_356 = arith.constant 0 : i32
        %dma_wait3A_357 = tpu.memref_slice %arg9[%dma_wait3A_354, %dma_wait3A_355, %dma_wait3A_356] : memref<4x128x64xf32, #tpu.memory_space<vmem>> -> memref<1x128x64xf32, #tpu.memory_space<vmem>>
        %dma_wait3A_358 = tpu.memref_squeeze %dma_wait3A_357 : memref<1x128x64xf32, #tpu.memory_space<vmem>> -> memref<128x64xf32, #tpu.memory_space<vmem>>
        %dma_wait3A_359 = arith.constant 0 : i32
        %dma_wait3A_360 = tpu.memref_slice %arg8[%add3A_353, %dma_wait3A_359] : memref<32x128xi32, #tpu.memory_space<vmem>> -> memref<1x128xi32, #tpu.memory_space<vmem>>
        %dma_wait3A_361 = tpu.memref_squeeze %dma_wait3A_360 : memref<1x128xi32, #tpu.memory_space<vmem>> -> memref<128xi32, #tpu.memory_space<vmem>>
        %dma_wait3A_362 = arith.constant 0 : i32
        %dma_wait3A_363 = arith.constant 0 : i32
        %dma_wait3A_364 = tpu.memref_slice %arg10[%dma_wait3A_362, %dma_wait3A_363] : memref<10240x64xf32, #tpu.memory_space<vmem_shared>> -> memref<10240x64xf32, #tpu.memory_space<vmem_shared>>
        tpu.wait_indirect_dma semaphore(%arg16 : memref<!tpu.dma_semaphore, #tpu.memory_space<semaphore_mem>>) src(%dma_wait3A_358 : memref<128x64xf32, #tpu.memory_space<vmem>>) dst(%dma_wait3A_364 : memref<10240x64xf32, #tpu.memory_space<vmem_shared>>)
        %add3A_365 = arith.constant 1 : i32
        %add3A_366 = arith.addi %scan3A_229, %add3A_365 : i32
        %mul3A_367 = arith.constant 4 : i32
        %mul3A_368 = arith.muli %mul3A_367, %add3A_366 : i32
        %add3A_369 = arith.constant 0 : i32
        %add3A_370 = arith.addi %mul3A_368, %add3A_369 : i32
        %dma_start3A_371 = arith.constant 0 : i32
        %dma_start3A_372 = arith.constant 0 : i32
        %dma_start3A_373 = arith.constant 0 : i32
        %dma_start3A_374 = tpu.memref_slice %arg9[%dma_start3A_371, %dma_start3A_372, %dma_start3A_373] : memref<4x128x64xf32, #tpu.memory_space<vmem>> -> memref<1x128x64xf32, #tpu.memory_space<vmem>>
        %dma_start3A_375 = tpu.memref_squeeze %dma_start3A_374 : memref<1x128x64xf32, #tpu.memory_space<vmem>> -> memref<128x64xf32, #tpu.memory_space<vmem>>
        %dma_start3A_376 = arith.constant 0 : i32
        %dma_start3A_377 = tpu.memref_slice %arg7[%add3A_370, %dma_start3A_376] : memref<32x128xi32, #tpu.memory_space<vmem>> -> memref<1x128xi32, #tpu.memory_space<vmem>>
        %dma_start3A_378 = tpu.memref_squeeze %dma_start3A_377 : memref<1x128xi32, #tpu.memory_space<vmem>> -> memref<128xi32, #tpu.memory_space<vmem>>
        %dma_start3A_379 = arith.constant 0 : i32
        %dma_start3A_380 = arith.constant 0 : i32
        %dma_start3A_381 = tpu.memref_slice %arg11[%dma_start3A_379, %dma_start3A_380] : memref<10000x64xf32, #tpu.memory_space<vmem_shared>> -> memref<10000x64xf32, #tpu.memory_space<vmem_shared>>
        tpu.enqueue_indirect_dma source(%dma_start3A_381 : memref<10000x64xf32, #tpu.memory_space<vmem_shared>>) target(%dma_start3A_375 : memref<128x64xf32, #tpu.memory_space<vmem>>) offsets(%dma_start3A_378 : memref<128xi32, #tpu.memory_space<vmem>>) semaphore(%arg12 : memref<!tpu.dma_semaphore, #tpu.memory_space<semaphore_mem>>)
        %mul3A_382 = arith.constant 4 : i32
        %mul3A_383 = arith.muli %mul3A_382, %scan3A_229 : i32
        %add3A_384 = arith.constant 1 : i32
        %add3A_385 = arith.addi %mul3A_383, %add3A_384 : i32
        %dma_wait3A_386 = arith.constant 1 : i32
        %dma_wait3A_387 = arith.constant 0 : i32
        %dma_wait3A_388 = arith.constant 0 : i32
        %dma_wait3A_389 = tpu.memref_slice %arg9[%dma_wait3A_386, %dma_wait3A_387, %dma_wait3A_388] : memref<4x128x64xf32, #tpu.memory_space<vmem>> -> memref<1x128x64xf32, #tpu.memory_space<vmem>>
        %dma_wait3A_390 = tpu.memref_squeeze %dma_wait3A_389 : memref<1x128x64xf32, #tpu.memory_space<vmem>> -> memref<128x64xf32, #tpu.memory_space<vmem>>
        %dma_wait3A_391 = arith.constant 0 : i32
        %dma_wait3A_392 = tpu.memref_slice %arg8[%add3A_385, %dma_wait3A_391] : memref<32x128xi32, #tpu.memory_space<vmem>> -> memref<1x128xi32, #tpu.memory_space<vmem>>
        %dma_wait3A_393 = tpu.memref_squeeze %dma_wait3A_392 : memref<1x128xi32, #tpu.memory_space<vmem>> -> memref<128xi32, #tpu.memory_space<vmem>>
        %dma_wait3A_394 = arith.constant 0 : i32
        %dma_wait3A_395 = arith.constant 0 : i32
        %dma_wait3A_396 = tpu.memref_slice %arg10[%dma_wait3A_394, %dma_wait3A_395] : memref<10240x64xf32, #tpu.memory_space<vmem_shared>> -> memref<10240x64xf32, #tpu.memory_space<vmem_shared>>
        tpu.wait_indirect_dma semaphore(%arg17 : memref<!tpu.dma_semaphore, #tpu.memory_space<semaphore_mem>>) src(%dma_wait3A_390 : memref<128x64xf32, #tpu.memory_space<vmem>>) dst(%dma_wait3A_396 : memref<10240x64xf32, #tpu.memory_space<vmem_shared>>)
        %add3A_397 = arith.constant 1 : i32
        %add3A_398 = arith.addi %scan3A_229, %add3A_397 : i32
        %mul3A_399 = arith.constant 4 : i32
        %mul3A_400 = arith.muli %mul3A_399, %add3A_398 : i32
        %add3A_401 = arith.constant 1 : i32
        %add3A_402 = arith.addi %mul3A_400, %add3A_401 : i32
        %dma_start3A_403 = arith.constant 1 : i32
        %dma_start3A_404 = arith.constant 0 : i32
        %dma_start3A_405 = arith.constant 0 : i32
        %dma_start3A_406 = tpu.memref_slice %arg9[%dma_start3A_403, %dma_start3A_404, %dma_start3A_405] : memref<4x128x64xf32, #tpu.memory_space<vmem>> -> memref<1x128x64xf32, #tpu.memory_space<vmem>>
        %dma_start3A_407 = tpu.memref_squeeze %dma_start3A_406 : memref<1x128x64xf32, #tpu.memory_space<vmem>> -> memref<128x64xf32, #tpu.memory_space<vmem>>
        %dma_start3A_408 = arith.constant 0 : i32
        %dma_start3A_409 = tpu.memref_slice %arg7[%add3A_402, %dma_start3A_408] : memref<32x128xi32, #tpu.memory_space<vmem>> -> memref<1x128xi32, #tpu.memory_space<vmem>>
        %dma_start3A_410 = tpu.memref_squeeze %dma_start3A_409 : memref<1x128xi32, #tpu.memory_space<vmem>> -> memref<128xi32, #tpu.memory_space<vmem>>
        %dma_start3A_411 = arith.constant 0 : i32
        %dma_start3A_412 = arith.constant 0 : i32
        %dma_start3A_413 = tpu.memref_slice %arg11[%dma_start3A_411, %dma_start3A_412] : memref<10000x64xf32, #tpu.memory_space<vmem_shared>> -> memref<10000x64xf32, #tpu.memory_space<vmem_shared>>
        tpu.enqueue_indirect_dma source(%dma_start3A_413 : memref<10000x64xf32, #tpu.memory_space<vmem_shared>>) target(%dma_start3A_407 : memref<128x64xf32, #tpu.memory_space<vmem>>) offsets(%dma_start3A_410 : memref<128xi32, #tpu.memory_space<vmem>>) semaphore(%arg13 : memref<!tpu.dma_semaphore, #tpu.memory_space<semaphore_mem>>)
        %mul3A_414 = arith.constant 4 : i32
        %mul3A_415 = arith.muli %mul3A_414, %scan3A_229 : i32
        %add3A_416 = arith.constant 2 : i32
        %add3A_417 = arith.addi %mul3A_415, %add3A_416 : i32
        %dma_wait3A_418 = arith.constant 2 : i32
        %dma_wait3A_419 = arith.constant 0 : i32
        %dma_wait3A_420 = arith.constant 0 : i32
        %dma_wait3A_421 = tpu.memref_slice %arg9[%dma_wait3A_418, %dma_wait3A_419, %dma_wait3A_420] : memref<4x128x64xf32, #tpu.memory_space<vmem>> -> memref<1x128x64xf32, #tpu.memory_space<vmem>>
        %dma_wait3A_422 = tpu.memref_squeeze %dma_wait3A_421 : memref<1x128x64xf32, #tpu.memory_space<vmem>> -> memref<128x64xf32, #tpu.memory_space<vmem>>
        %dma_wait3A_423 = arith.constant 0 : i32
        %dma_wait3A_424 = tpu.memref_slice %arg8[%add3A_417, %dma_wait3A_423] : memref<32x128xi32, #tpu.memory_space<vmem>> -> memref<1x128xi32, #tpu.memory_space<vmem>>
        %dma_wait3A_425 = tpu.memref_squeeze %dma_wait3A_424 : memref<1x128xi32, #tpu.memory_space<vmem>> -> memref<128xi32, #tpu.memory_space<vmem>>
        %dma_wait3A_426 = arith.constant 0 : i32
        %dma_wait3A_427 = arith.constant 0 : i32
        %dma_wait3A_428 = tpu.memref_slice %arg10[%dma_wait3A_426, %dma_wait3A_427] : memref<10240x64xf32, #tpu.memory_space<vmem_shared>> -> memref<10240x64xf32, #tpu.memory_space<vmem_shared>>
        tpu.wait_indirect_dma semaphore(%arg18 : memref<!tpu.dma_semaphore, #tpu.memory_space<semaphore_mem>>) src(%dma_wait3A_422 : memref<128x64xf32, #tpu.memory_space<vmem>>) dst(%dma_wait3A_428 : memref<10240x64xf32, #tpu.memory_space<vmem_shared>>)
        %add3A_429 = arith.constant 1 : i32
        %add3A_430 = arith.addi %scan3A_229, %add3A_429 : i32
        %mul3A_431 = arith.constant 4 : i32
        %mul3A_432 = arith.muli %mul3A_431, %add3A_430 : i32
        %add3A_433 = arith.constant 2 : i32
        %add3A_434 = arith.addi %mul3A_432, %add3A_433 : i32
        %dma_start3A_435 = arith.constant 2 : i32
        %dma_start3A_436 = arith.constant 0 : i32
        %dma_start3A_437 = arith.constant 0 : i32
        %dma_start3A_438 = tpu.memref_slice %arg9[%dma_start3A_435, %dma_start3A_436, %dma_start3A_437] : memref<4x128x64xf32, #tpu.memory_space<vmem>> -> memref<1x128x64xf32, #tpu.memory_space<vmem>>
        %dma_start3A_439 = tpu.memref_squeeze %dma_start3A_438 : memref<1x128x64xf32, #tpu.memory_space<vmem>> -> memref<128x64xf32, #tpu.memory_space<vmem>>
        %dma_start3A_440 = arith.constant 0 : i32
        %dma_start3A_441 = tpu.memref_slice %arg7[%add3A_434, %dma_start3A_440] : memref<32x128xi32, #tpu.memory_space<vmem>> -> memref<1x128xi32, #tpu.memory_space<vmem>>
        %dma_start3A_442 = tpu.memref_squeeze %dma_start3A_441 : memref<1x128xi32, #tpu.memory_space<vmem>> -> memref<128xi32, #tpu.memory_space<vmem>>
        %dma_start3A_443 = arith.constant 0 : i32
        %dma_start3A_444 = arith.constant 0 : i32
        %dma_start3A_445 = tpu.memref_slice %arg11[%dma_start3A_443, %dma_start3A_444] : memref<10000x64xf32, #tpu.memory_space<vmem_shared>> -> memref<10000x64xf32, #tpu.memory_space<vmem_shared>>
        tpu.enqueue_indirect_dma source(%dma_start3A_445 : memref<10000x64xf32, #tpu.memory_space<vmem_shared>>) target(%dma_start3A_439 : memref<128x64xf32, #tpu.memory_space<vmem>>) offsets(%dma_start3A_442 : memref<128xi32, #tpu.memory_space<vmem>>) semaphore(%arg14 : memref<!tpu.dma_semaphore, #tpu.memory_space<semaphore_mem>>)
        %mul3A_446 = arith.constant 4 : i32
        %mul3A_447 = arith.muli %mul3A_446, %scan3A_229 : i32
        %add3A_448 = arith.constant 3 : i32
        %add3A_449 = arith.addi %mul3A_447, %add3A_448 : i32
        %dma_wait3A_450 = arith.constant 3 : i32
        %dma_wait3A_451 = arith.constant 0 : i32
        %dma_wait3A_452 = arith.constant 0 : i32
        %dma_wait3A_453 = tpu.memref_slice %arg9[%dma_wait3A_450, %dma_wait3A_451, %dma_wait3A_452] : memref<4x128x64xf32, #tpu.memory_space<vmem>> -> memref<1x128x64xf32, #tpu.memory_space<vmem>>
        %dma_wait3A_454 = tpu.memref_squeeze %dma_wait3A_453 : memref<1x128x64xf32, #tpu.memory_space<vmem>> -> memref<128x64xf32, #tpu.memory_space<vmem>>
        %dma_wait3A_455 = arith.constant 0 : i32
        %dma_wait3A_456 = tpu.memref_slice %arg8[%add3A_449, %dma_wait3A_455] : memref<32x128xi32, #tpu.memory_space<vmem>> -> memref<1x128xi32, #tpu.memory_space<vmem>>
        %dma_wait3A_457 = tpu.memref_squeeze %dma_wait3A_456 : memref<1x128xi32, #tpu.memory_space<vmem>> -> memref<128xi32, #tpu.memory_space<vmem>>
        %dma_wait3A_458 = arith.constant 0 : i32
        %dma_wait3A_459 = arith.constant 0 : i32
        %dma_wait3A_460 = tpu.memref_slice %arg10[%dma_wait3A_458, %dma_wait3A_459] : memref<10240x64xf32, #tpu.memory_space<vmem_shared>> -> memref<10240x64xf32, #tpu.memory_space<vmem_shared>>
        tpu.wait_indirect_dma semaphore(%arg19 : memref<!tpu.dma_semaphore, #tpu.memory_space<semaphore_mem>>) src(%dma_wait3A_454 : memref<128x64xf32, #tpu.memory_space<vmem>>) dst(%dma_wait3A_460 : memref<10240x64xf32, #tpu.memory_space<vmem_shared>>)
        %add3A_461 = arith.constant 1 : i32
        %add3A_462 = arith.addi %scan3A_229, %add3A_461 : i32
        %mul3A_463 = arith.constant 4 : i32
        %mul3A_464 = arith.muli %mul3A_463, %add3A_462 : i32
        %add3A_465 = arith.constant 3 : i32
        %add3A_466 = arith.addi %mul3A_464, %add3A_465 : i32
        %dma_start3A_467 = arith.constant 3 : i32
        %dma_start3A_468 = arith.constant 0 : i32
        %dma_start3A_469 = arith.constant 0 : i32
        %dma_start3A_470 = tpu.memref_slice %arg9[%dma_start3A_467, %dma_start3A_468, %dma_start3A_469] : memref<4x128x64xf32, #tpu.memory_space<vmem>> -> memref<1x128x64xf32, #tpu.memory_space<vmem>>
        %dma_start3A_471 = tpu.memref_squeeze %dma_start3A_470 : memref<1x128x64xf32, #tpu.memory_space<vmem>> -> memref<128x64xf32, #tpu.memory_space<vmem>>
        %dma_start3A_472 = arith.constant 0 : i32
        %dma_start3A_473 = tpu.memref_slice %arg7[%add3A_466, %dma_start3A_472] : memref<32x128xi32, #tpu.memory_space<vmem>> -> memref<1x128xi32, #tpu.memory_space<vmem>>
        %dma_start3A_474 = tpu.memref_squeeze %dma_start3A_473 : memref<1x128xi32, #tpu.memory_space<vmem>> -> memref<128xi32, #tpu.memory_space<vmem>>
        %dma_start3A_475 = arith.constant 0 : i32
        %dma_start3A_476 = arith.constant 0 : i32
        %dma_start3A_477 = tpu.memref_slice %arg11[%dma_start3A_475, %dma_start3A_476] : memref<10000x64xf32, #tpu.memory_space<vmem_shared>> -> memref<10000x64xf32, #tpu.memory_space<vmem_shared>>
        tpu.enqueue_indirect_dma source(%dma_start3A_477 : memref<10000x64xf32, #tpu.memory_space<vmem_shared>>) target(%dma_start3A_471 : memref<128x64xf32, #tpu.memory_space<vmem>>) offsets(%dma_start3A_474 : memref<128xi32, #tpu.memory_space<vmem>>) semaphore(%arg15 : memref<!tpu.dma_semaphore, #tpu.memory_space<semaphore_mem>>)
      }
      %scan3A_84 = arith.constant 7 : i32
      %dma_wait3A_85 = arith.constant 28 : i32
      %dma_wait3A_86 = arith.constant 0 : i32
      %dma_wait3A_87 = arith.constant 0 : i32
      %dma_wait3A_88 = arith.constant 0 : i32
      %dma_wait3A_89 = tpu.memref_slice %arg9[%dma_wait3A_86, %dma_wait3A_87, %dma_wait3A_88] : memref<4x128x64xf32, #tpu.memory_space<vmem>> -> memref<1x128x64xf32, #tpu.memory_space<vmem>>
      %dma_wait3A_90 = tpu.memref_squeeze %dma_wait3A_89 : memref<1x128x64xf32, #tpu.memory_space<vmem>> -> memref<128x64xf32, #tpu.memory_space<vmem>>
      %dma_wait3A_91 = arith.constant 0 : i32
      %dma_wait3A_92 = tpu.memref_slice %arg7[%dma_wait3A_85, %dma_wait3A_91] : memref<32x128xi32, #tpu.memory_space<vmem>> -> memref<1x128xi32, #tpu.memory_space<vmem>>
      %dma_wait3A_93 = tpu.memref_squeeze %dma_wait3A_92 : memref<1x128xi32, #tpu.memory_space<vmem>> -> memref<128xi32, #tpu.memory_space<vmem>>
      %dma_wait3A_94 = arith.constant 0 : i32
      %dma_wait3A_95 = arith.constant 0 : i32
      %dma_wait3A_96 = tpu.memref_slice %arg11[%dma_wait3A_94, %dma_wait3A_95] : memref<10000x64xf32, #tpu.memory_space<vmem_shared>> -> memref<10000x64xf32, #tpu.memory_space<vmem_shared>>
      tpu.wait_indirect_dma semaphore(%arg12 : memref<!tpu.dma_semaphore, #tpu.memory_space<semaphore_mem>>) src(%dma_wait3A_96 : memref<10000x64xf32, #tpu.memory_space<vmem_shared>>) dst(%dma_wait3A_90 : memref<128x64xf32, #tpu.memory_space<vmem>>)
      %dma_start3A_97 = arith.constant 0 : i32
      %dma_start3A_98 = arith.constant 28 : i32
      %dma_start3A_99 = arith.constant 0 : i32
      %dma_start3A_100 = arith.constant 0 : i32
      %dma_start3A_101 = tpu.memref_slice %arg9[%dma_start3A_97, %dma_start3A_99, %dma_start3A_100] : memref<4x128x64xf32, #tpu.memory_space<vmem>> -> memref<1x128x64xf32, #tpu.memory_space<vmem>>
      %dma_start3A_102 = tpu.memref_squeeze %dma_start3A_101 : memref<1x128x64xf32, #tpu.memory_space<vmem>> -> memref<128x64xf32, #tpu.memory_space<vmem>>
      %dma_start3A_103 = arith.constant 0 : i32
      %dma_start3A_104 = tpu.memref_slice %arg8[%dma_start3A_98, %dma_start3A_103] : memref<32x128xi32, #tpu.memory_space<vmem>> -> memref<1x128xi32, #tpu.memory_space<vmem>>
      %dma_start3A_105 = tpu.memref_squeeze %dma_start3A_104 : memref<1x128xi32, #tpu.memory_space<vmem>> -> memref<128xi32, #tpu.memory_space<vmem>>
      %dma_start3A_106 = arith.constant 0 : i32
      %dma_start3A_107 = arith.constant 0 : i32
      %dma_start3A_108 = tpu.memref_slice %arg10[%dma_start3A_106, %dma_start3A_107] : memref<10240x64xf32, #tpu.memory_space<vmem_shared>> -> memref<10240x64xf32, #tpu.memory_space<vmem_shared>>
      tpu.enqueue_indirect_dma source(%dma_start3A_102 : memref<128x64xf32, #tpu.memory_space<vmem>>) target(%dma_start3A_108 : memref<10240x64xf32, #tpu.memory_space<vmem_shared>>) offsets(%dma_start3A_105 : memref<128xi32, #tpu.memory_space<vmem>>) semaphore(%arg16 : memref<!tpu.dma_semaphore, #tpu.memory_space<semaphore_mem>>) {add = true}
      %dma_wait3A_109 = arith.constant 29 : i32
      %dma_wait3A_110 = arith.constant 1 : i32
      %dma_wait3A_111 = arith.constant 0 : i32
      %dma_wait3A_112 = arith.constant 0 : i32
      %dma_wait3A_113 = tpu.memref_slice %arg9[%dma_wait3A_110, %dma_wait3A_111, %dma_wait3A_112] : memref<4x128x64xf32, #tpu.memory_space<vmem>> -> memref<1x128x64xf32, #tpu.memory_space<vmem>>
      %dma_wait3A_114 = tpu.memref_squeeze %dma_wait3A_113 : memref<1x128x64xf32, #tpu.memory_space<vmem>> -> memref<128x64xf32, #tpu.memory_space<vmem>>
      %dma_wait3A_115 = arith.constant 0 : i32
      %dma_wait3A_116 = tpu.memref_slice %arg7[%dma_wait3A_109, %dma_wait3A_115] : memref<32x128xi32, #tpu.memory_space<vmem>> -> memref<1x128xi32, #tpu.memory_space<vmem>>
      %dma_wait3A_117 = tpu.memref_squeeze %dma_wait3A_116 : memref<1x128xi32, #tpu.memory_space<vmem>> -> memref<128xi32, #tpu.memory_space<vmem>>
      %dma_wait3A_118 = arith.constant 0 : i32
      %dma_wait3A_119 = arith.constant 0 : i32
      %dma_wait3A_120 = tpu.memref_slice %arg11[%dma_wait3A_118, %dma_wait3A_119] : memref<10000x64xf32, #tpu.memory_space<vmem_shared>> -> memref<10000x64xf32, #tpu.memory_space<vmem_shared>>
      tpu.wait_indirect_dma semaphore(%arg13 : memref<!tpu.dma_semaphore, #tpu.memory_space<semaphore_mem>>) src(%dma_wait3A_120 : memref<10000x64xf32, #tpu.memory_space<vmem_shared>>) dst(%dma_wait3A_114 : memref<128x64xf32, #tpu.memory_space<vmem>>)
      %dma_start3A_121 = arith.constant 1 : i32
      %dma_start3A_122 = arith.constant 29 : i32
      %dma_start3A_123 = arith.constant 0 : i32
      %dma_start3A_124 = arith.constant 0 : i32
      %dma_start3A_125 = tpu.memref_slice %arg9[%dma_start3A_121, %dma_start3A_123, %dma_start3A_124] : memref<4x128x64xf32, #tpu.memory_space<vmem>> -> memref<1x128x64xf32, #tpu.memory_space<vmem>>
      %dma_start3A_126 = tpu.memref_squeeze %dma_start3A_125 : memref<1x128x64xf32, #tpu.memory_space<vmem>> -> memref<128x64xf32, #tpu.memory_space<vmem>>
      %dma_start3A_127 = arith.constant 0 : i32
      %dma_start3A_128 = tpu.memref_slice %arg8[%dma_start3A_122, %dma_start3A_127] : memref<32x128xi32, #tpu.memory_space<vmem>> -> memref<1x128xi32, #tpu.memory_space<vmem>>
      %dma_start3A_129 = tpu.memref_squeeze %dma_start3A_128 : memref<1x128xi32, #tpu.memory_space<vmem>> -> memref<128xi32, #tpu.memory_space<vmem>>
      %dma_start3A_130 = arith.constant 0 : i32
      %dma_start3A_131 = arith.constant 0 : i32
      %dma_start3A_132 = tpu.memref_slice %arg10[%dma_start3A_130, %dma_start3A_131] : memref<10240x64xf32, #tpu.memory_space<vmem_shared>> -> memref<10240x64xf32, #tpu.memory_space<vmem_shared>>
      tpu.enqueue_indirect_dma source(%dma_start3A_126 : memref<128x64xf32, #tpu.memory_space<vmem>>) target(%dma_start3A_132 : memref<10240x64xf32, #tpu.memory_space<vmem_shared>>) offsets(%dma_start3A_129 : memref<128xi32, #tpu.memory_space<vmem>>) semaphore(%arg17 : memref<!tpu.dma_semaphore, #tpu.memory_space<semaphore_mem>>) {add = true}
      %dma_wait3A_133 = arith.constant 30 : i32
      %dma_wait3A_134 = arith.constant 2 : i32
      %dma_wait3A_135 = arith.constant 0 : i32
      %dma_wait3A_136 = arith.constant 0 : i32
      %dma_wait3A_137 = tpu.memref_slice %arg9[%dma_wait3A_134, %dma_wait3A_135, %dma_wait3A_136] : memref<4x128x64xf32, #tpu.memory_space<vmem>> -> memref<1x128x64xf32, #tpu.memory_space<vmem>>
      %dma_wait3A_138 = tpu.memref_squeeze %dma_wait3A_137 : memref<1x128x64xf32, #tpu.memory_space<vmem>> -> memref<128x64xf32, #tpu.memory_space<vmem>>
      %dma_wait3A_139 = arith.constant 0 : i32
      %dma_wait3A_140 = tpu.memref_slice %arg7[%dma_wait3A_133, %dma_wait3A_139] : memref<32x128xi32, #tpu.memory_space<vmem>> -> memref<1x128xi32, #tpu.memory_space<vmem>>
      %dma_wait3A_141 = tpu.memref_squeeze %dma_wait3A_140 : memref<1x128xi32, #tpu.memory_space<vmem>> -> memref<128xi32, #tpu.memory_space<vmem>>
      %dma_wait3A_142 = arith.constant 0 : i32
      %dma_wait3A_143 = arith.constant 0 : i32
      %dma_wait3A_144 = tpu.memref_slice %arg11[%dma_wait3A_142, %dma_wait3A_143] : memref<10000x64xf32, #tpu.memory_space<vmem_shared>> -> memref<10000x64xf32, #tpu.memory_space<vmem_shared>>
      tpu.wait_indirect_dma semaphore(%arg14 : memref<!tpu.dma_semaphore, #tpu.memory_space<semaphore_mem>>) src(%dma_wait3A_144 : memref<10000x64xf32, #tpu.memory_space<vmem_shared>>) dst(%dma_wait3A_138 : memref<128x64xf32, #tpu.memory_space<vmem>>)
      %dma_start3A_145 = arith.constant 2 : i32
      %dma_start3A_146 = arith.constant 30 : i32
      %dma_start3A_147 = arith.constant 0 : i32
      %dma_start3A_148 = arith.constant 0 : i32
      %dma_start3A_149 = tpu.memref_slice %arg9[%dma_start3A_145, %dma_start3A_147, %dma_start3A_148] : memref<4x128x64xf32, #tpu.memory_space<vmem>> -> memref<1x128x64xf32, #tpu.memory_space<vmem>>
      %dma_start3A_150 = tpu.memref_squeeze %dma_start3A_149 : memref<1x128x64xf32, #tpu.memory_space<vmem>> -> memref<128x64xf32, #tpu.memory_space<vmem>>
      %dma_start3A_151 = arith.constant 0 : i32
      %dma_start3A_152 = tpu.memref_slice %arg8[%dma_start3A_146, %dma_start3A_151] : memref<32x128xi32, #tpu.memory_space<vmem>> -> memref<1x128xi32, #tpu.memory_space<vmem>>
      %dma_start3A_153 = tpu.memref_squeeze %dma_start3A_152 : memref<1x128xi32, #tpu.memory_space<vmem>> -> memref<128xi32, #tpu.memory_space<vmem>>
      %dma_start3A_154 = arith.constant 0 : i32
      %dma_start3A_155 = arith.constant 0 : i32
      %dma_start3A_156 = tpu.memref_slice %arg10[%dma_start3A_154, %dma_start3A_155] : memref<10240x64xf32, #tpu.memory_space<vmem_shared>> -> memref<10240x64xf32, #tpu.memory_space<vmem_shared>>
      tpu.enqueue_indirect_dma source(%dma_start3A_150 : memref<128x64xf32, #tpu.memory_space<vmem>>) target(%dma_start3A_156 : memref<10240x64xf32, #tpu.memory_space<vmem_shared>>) offsets(%dma_start3A_153 : memref<128xi32, #tpu.memory_space<vmem>>) semaphore(%arg18 : memref<!tpu.dma_semaphore, #tpu.memory_space<semaphore_mem>>) {add = true}
      %dma_wait3A_157 = arith.constant 31 : i32
      %dma_wait3A_158 = arith.constant 3 : i32
      %dma_wait3A_159 = arith.constant 0 : i32
      %dma_wait3A_160 = arith.constant 0 : i32
      %dma_wait3A_161 = tpu.memref_slice %arg9[%dma_wait3A_158, %dma_wait3A_159, %dma_wait3A_160] : memref<4x128x64xf32, #tpu.memory_space<vmem>> -> memref<1x128x64xf32, #tpu.memory_space<vmem>>
      %dma_wait3A_162 = tpu.memref_squeeze %dma_wait3A_161 : memref<1x128x64xf32, #tpu.memory_space<vmem>> -> memref<128x64xf32, #tpu.memory_space<vmem>>
      %dma_wait3A_163 = arith.constant 0 : i32
      %dma_wait3A_164 = tpu.memref_slice %arg7[%dma_wait3A_157, %dma_wait3A_163] : memref<32x128xi32, #tpu.memory_space<vmem>> -> memref<1x128xi32, #tpu.memory_space<vmem>>
      %dma_wait3A_165 = tpu.memref_squeeze %dma_wait3A_164 : memref<1x128xi32, #tpu.memory_space<vmem>> -> memref<128xi32, #tpu.memory_space<vmem>>
      %dma_wait3A_166 = arith.constant 0 : i32
      %dma_wait3A_167 = arith.constant 0 : i32
      %dma_wait3A_168 = tpu.memref_slice %arg11[%dma_wait3A_166, %dma_wait3A_167] : memref<10000x64xf32, #tpu.memory_space<vmem_shared>> -> memref<10000x64xf32, #tpu.memory_space<vmem_shared>>
      tpu.wait_indirect_dma semaphore(%arg15 : memref<!tpu.dma_semaphore, #tpu.memory_space<semaphore_mem>>) src(%dma_wait3A_168 : memref<10000x64xf32, #tpu.memory_space<vmem_shared>>) dst(%dma_wait3A_162 : memref<128x64xf32, #tpu.memory_space<vmem>>)
      %dma_start3A_169 = arith.constant 3 : i32
      %dma_start3A_170 = arith.constant 31 : i32
      %dma_start3A_171 = arith.constant 0 : i32
      %dma_start3A_172 = arith.constant 0 : i32
      %dma_start3A_173 = tpu.memref_slice %arg9[%dma_start3A_169, %dma_start3A_171, %dma_start3A_172] : memref<4x128x64xf32, #tpu.memory_space<vmem>> -> memref<1x128x64xf32, #tpu.memory_space<vmem>>
      %dma_start3A_174 = tpu.memref_squeeze %dma_start3A_173 : memref<1x128x64xf32, #tpu.memory_space<vmem>> -> memref<128x64xf32, #tpu.memory_space<vmem>>
      %dma_start3A_175 = arith.constant 0 : i32
      %dma_start3A_176 = tpu.memref_slice %arg8[%dma_start3A_170, %dma_start3A_175] : memref<32x128xi32, #tpu.memory_space<vmem>> -> memref<1x128xi32, #tpu.memory_space<vmem>>
      %dma_start3A_177 = tpu.memref_squeeze %dma_start3A_176 : memref<1x128xi32, #tpu.memory_space<vmem>> -> memref<128xi32, #tpu.memory_space<vmem>>
      %dma_start3A_178 = arith.constant 0 : i32
      %dma_start3A_179 = arith.constant 0 : i32
      %dma_start3A_180 = tpu.memref_slice %arg10[%dma_start3A_178, %dma_start3A_179] : memref<10240x64xf32, #tpu.memory_space<vmem_shared>> -> memref<10240x64xf32, #tpu.memory_space<vmem_shared>>
      tpu.enqueue_indirect_dma source(%dma_start3A_174 : memref<128x64xf32, #tpu.memory_space<vmem>>) target(%dma_start3A_180 : memref<10240x64xf32, #tpu.memory_space<vmem_shared>>) offsets(%dma_start3A_177 : memref<128xi32, #tpu.memory_space<vmem>>) semaphore(%arg19 : memref<!tpu.dma_semaphore, #tpu.memory_space<semaphore_mem>>) {add = true}
      %dma_wait3A_181 = arith.constant 0 : i32
      %dma_wait3A_182 = arith.constant 28 : i32
      %dma_wait3A_183 = arith.constant 0 : i32
      %dma_wait3A_184 = arith.constant 0 : i32
      %dma_wait3A_185 = tpu.memref_slice %arg9[%dma_wait3A_181, %dma_wait3A_183, %dma_wait3A_184] : memref<4x128x64xf32, #tpu.memory_space<vmem>> -> memref<1x128x64xf32, #tpu.memory_space<vmem>>
      %dma_wait3A_186 = tpu.memref_squeeze %dma_wait3A_185 : memref<1x128x64xf32, #tpu.memory_space<vmem>> -> memref<128x64xf32, #tpu.memory_space<vmem>>
      %dma_wait3A_187 = arith.constant 0 : i32
      %dma_wait3A_188 = tpu.memref_slice %arg8[%dma_wait3A_182, %dma_wait3A_187] : memref<32x128xi32, #tpu.memory_space<vmem>> -> memref<1x128xi32, #tpu.memory_space<vmem>>
      %dma_wait3A_189 = tpu.memref_squeeze %dma_wait3A_188 : memref<1x128xi32, #tpu.memory_space<vmem>> -> memref<128xi32, #tpu.memory_space<vmem>>
      %dma_wait3A_190 = arith.constant 0 : i32
      %dma_wait3A_191 = arith.constant 0 : i32
      %dma_wait3A_192 = tpu.memref_slice %arg10[%dma_wait3A_190, %dma_wait3A_191] : memref<10240x64xf32, #tpu.memory_space<vmem_shared>> -> memref<10240x64xf32, #tpu.memory_space<vmem_shared>>
      tpu.wait_indirect_dma semaphore(%arg16 : memref<!tpu.dma_semaphore, #tpu.memory_space<semaphore_mem>>) src(%dma_wait3A_186 : memref<128x64xf32, #tpu.memory_space<vmem>>) dst(%dma_wait3A_192 : memref<10240x64xf32, #tpu.memory_space<vmem_shared>>)
      %dma_wait3A_193 = arith.constant 1 : i32
      %dma_wait3A_194 = arith.constant 29 : i32
      %dma_wait3A_195 = arith.constant 0 : i32
      %dma_wait3A_196 = arith.constant 0 : i32
      %dma_wait3A_197 = tpu.memref_slice %arg9[%dma_wait3A_193, %dma_wait3A_195, %dma_wait3A_196] : memref<4x128x64xf32, #tpu.memory_space<vmem>> -> memref<1x128x64xf32, #tpu.memory_space<vmem>>
      %dma_wait3A_198 = tpu.memref_squeeze %dma_wait3A_197 : memref<1x128x64xf32, #tpu.memory_space<vmem>> -> memref<128x64xf32, #tpu.memory_space<vmem>>
      %dma_wait3A_199 = arith.constant 0 : i32
      %dma_wait3A_200 = tpu.memref_slice %arg8[%dma_wait3A_194, %dma_wait3A_199] : memref<32x128xi32, #tpu.memory_space<vmem>> -> memref<1x128xi32, #tpu.memory_space<vmem>>
      %dma_wait3A_201 = tpu.memref_squeeze %dma_wait3A_200 : memref<1x128xi32, #tpu.memory_space<vmem>> -> memref<128xi32, #tpu.memory_space<vmem>>
      %dma_wait3A_202 = arith.constant 0 : i32
      %dma_wait3A_203 = arith.constant 0 : i32
      %dma_wait3A_204 = tpu.memref_slice %arg10[%dma_wait3A_202, %dma_wait3A_203] : memref<10240x64xf32, #tpu.memory_space<vmem_shared>> -> memref<10240x64xf32, #tpu.memory_space<vmem_shared>>
      tpu.wait_indirect_dma semaphore(%arg17 : memref<!tpu.dma_semaphore, #tpu.memory_space<semaphore_mem>>) src(%dma_wait3A_198 : memref<128x64xf32, #tpu.memory_space<vmem>>) dst(%dma_wait3A_204 : memref<10240x64xf32, #tpu.memory_space<vmem_shared>>)
      %dma_wait3A_205 = arith.constant 2 : i32
      %dma_wait3A_206 = arith.constant 30 : i32
      %dma_wait3A_207 = arith.constant 0 : i32
      %dma_wait3A_208 = arith.constant 0 : i32
      %dma_wait3A_209 = tpu.memref_slice %arg9[%dma_wait3A_205, %dma_wait3A_207, %dma_wait3A_208] : memref<4x128x64xf32, #tpu.memory_space<vmem>> -> memref<1x128x64xf32, #tpu.memory_space<vmem>>
      %dma_wait3A_210 = tpu.memref_squeeze %dma_wait3A_209 : memref<1x128x64xf32, #tpu.memory_space<vmem>> -> memref<128x64xf32, #tpu.memory_space<vmem>>
      %dma_wait3A_211 = arith.constant 0 : i32
      %dma_wait3A_212 = tpu.memref_slice %arg8[%dma_wait3A_206, %dma_wait3A_211] : memref<32x128xi32, #tpu.memory_space<vmem>> -> memref<1x128xi32, #tpu.memory_space<vmem>>
      %dma_wait3A_213 = tpu.memref_squeeze %dma_wait3A_212 : memref<1x128xi32, #tpu.memory_space<vmem>> -> memref<128xi32, #tpu.memory_space<vmem>>
      %dma_wait3A_214 = arith.constant 0 : i32
      %dma_wait3A_215 = arith.constant 0 : i32
      %dma_wait3A_216 = tpu.memref_slice %arg10[%dma_wait3A_214, %dma_wait3A_215] : memref<10240x64xf32, #tpu.memory_space<vmem_shared>> -> memref<10240x64xf32, #tpu.memory_space<vmem_shared>>
      tpu.wait_indirect_dma semaphore(%arg18 : memref<!tpu.dma_semaphore, #tpu.memory_space<semaphore_mem>>) src(%dma_wait3A_210 : memref<128x64xf32, #tpu.memory_space<vmem>>) dst(%dma_wait3A_216 : memref<10240x64xf32, #tpu.memory_space<vmem_shared>>)
      %dma_wait3A_217 = arith.constant 3 : i32
      %dma_wait3A_218 = arith.constant 31 : i32
      %dma_wait3A_219 = arith.constant 0 : i32
      %dma_wait3A_220 = arith.constant 0 : i32
      %dma_wait3A_221 = tpu.memref_slice %arg9[%dma_wait3A_217, %dma_wait3A_219, %dma_wait3A_220] : memref<4x128x64xf32, #tpu.memory_space<vmem>> -> memref<1x128x64xf32, #tpu.memory_space<vmem>>
      %dma_wait3A_222 = tpu.memref_squeeze %dma_wait3A_221 : memref<1x128x64xf32, #tpu.memory_space<vmem>> -> memref<128x64xf32, #tpu.memory_space<vmem>>
      %dma_wait3A_223 = arith.constant 0 : i32
      %dma_wait3A_224 = tpu.memref_slice %arg8[%dma_wait3A_218, %dma_wait3A_223] : memref<32x128xi32, #tpu.memory_space<vmem>> -> memref<1x128xi32, #tpu.memory_space<vmem>>
      %dma_wait3A_225 = tpu.memref_squeeze %dma_wait3A_224 : memref<1x128xi32, #tpu.memory_space<vmem>> -> memref<128xi32, #tpu.memory_space<vmem>>
      %dma_wait3A_226 = arith.constant 0 : i32
      %dma_wait3A_227 = arith.constant 0 : i32
      %dma_wait3A_228 = tpu.memref_slice %arg10[%dma_wait3A_226, %dma_wait3A_227] : memref<10240x64xf32, #tpu.memory_space<vmem_shared>> -> memref<10240x64xf32, #tpu.memory_space<vmem_shared>>
      tpu.wait_indirect_dma semaphore(%arg19 : memref<!tpu.dma_semaphore, #tpu.memory_space<semaphore_mem>>) src(%dma_wait3A_222 : memref<128x64xf32, #tpu.memory_space<vmem>>) dst(%dma_wait3A_228 : memref<10240x64xf32, #tpu.memory_space<vmem_shared>>)
    }
    %scan3A_21 = arith.constant 5 : i32
    %barrier3A_22 = arith.constant 0 : index
    tpu.barrier barrier_id(%barrier3A_22)
    %mul3A_23 = arith.constant 640 : i32
    %mul3A_24 = arith.muli %arg1, %mul3A_23 : i32
    %mul3A_25 = arith.constant 640 : i32
    %mul3A_26 = arith.muli %arg1, %mul3A_25 : i32
    "tpu.region"() ({
      %run_scoped3A = tpu.sem_alloc : memref<!tpu.dma_semaphore, #tpu.memory_space<semaphore_mem>>
      %dma_start3A_27 = arith.constant 0 : i32
      %dma_start3A_28 = tpu.memref_slice %arg6[%arg0, %mul3A_26, %dma_start3A_27] : memref<2x10240x64xf32, #tpu.memory_space<hbm>> -> memref<1x640x64xf32, #tpu.memory_space<hbm>>
      %dma_start3A_29 = tpu.memref_squeeze %dma_start3A_28 : memref<1x640x64xf32, #tpu.memory_space<hbm>> -> memref<640x64xf32, #tpu.memory_space<hbm>>
      %dma_start3A_30 = arith.constant 0 : i32
      %dma_start3A_31 = tpu.memref_slice %arg10[%mul3A_24, %dma_start3A_30] : memref<10240x64xf32, #tpu.memory_space<vmem_shared>> -> memref<640x64xf32, #tpu.memory_space<vmem_shared>>
      tpu.enqueue_dma source(%dma_start3A_31 : memref<640x64xf32, #tpu.memory_space<vmem_shared>>) target(%dma_start3A_29 : memref<640x64xf32, #tpu.memory_space<hbm>>) target_semaphore(%run_scoped3A : memref<!tpu.dma_semaphore, #tpu.memory_space<semaphore_mem>>)
      %dma_wait3A_32 = arith.constant 0 : i32
      %dma_wait3A_33 = tpu.memref_slice %arg6[%arg0, %mul3A_26, %dma_wait3A_32] : memref<2x10240x64xf32, #tpu.memory_space<hbm>> -> memref<1x640x64xf32, #tpu.memory_space<hbm>>
      %dma_wait3A_34 = tpu.memref_squeeze %dma_wait3A_33 : memref<1x640x64xf32, #tpu.memory_space<hbm>> -> memref<640x64xf32, #tpu.memory_space<hbm>>
      %dma_wait3A_35 = arith.constant 0 : i32
      %dma_wait3A_36 = tpu.memref_slice %arg10[%mul3A_24, %dma_wait3A_35] : memref<10240x64xf32, #tpu.memory_space<vmem_shared>> -> memref<640x64xf32, #tpu.memory_space<vmem_shared>>
      tpu.wait_dma2 semaphore(%run_scoped3A : memref<!tpu.dma_semaphore, #tpu.memory_space<semaphore_mem>>) src(%dma_wait3A_36 : memref<640x64xf32, #tpu.memory_space<vmem_shared>>) dst(%dma_wait3A_34 : memref<640x64xf32, #tpu.memory_space<hbm>>)
      tpu.yield
    }) : () -> ()
    return
  }
}

module attributes {stable_mosaic.version = 14 : i64} {
  func.func @body(%arg0: memref<10000x128xf32, #tpu.memory_space<vmem>>, %arg1: memref<128x64xf32, #tpu.memory_space<vmem>>, %arg2: memref<10000x64xf32, #tpu.memory_space<vmem>>) attributes {dimension_semantics = [], scalar_prefetch = 0 : i64, scratch_operands = 0 : i64, tpu.core_type = #tpu.core_type<tc>} {
    %get3A = arith.constant 0 : index
    %get3A_0 = arith.constant 0 : index
    %get3A_1 = vector.load %arg0[%get3A, %get3A_0] : memref<10000x128xf32, #tpu.memory_space<vmem>>, vector<10000x128xf32>
    %get3A_2 = arith.constant 0 : index
    %get3A_3 = arith.constant 0 : index
    %get3A_4 = vector.load %arg1[%get3A_2, %get3A_3] : memref<128x64xf32, #tpu.memory_space<vmem>>, vector<128x64xf32>
    %dot_general3A = arith.constant dense<0.000000e+00> : vector<10000x64xf32>
    %dot_general3A_5 = tpu.matmul %get3A_1, %get3A_4, %dot_general3A {dimension_numbers = #tpu.dot_dimension_numbers<[1], [0], [0], [1], [0, 0, 1, 1], [], []>, precision = #tpu.contract_precision<fp32>, transpose_lhs_hint = false} : vector<10000x128xf32>, vector<128x64xf32>, vector<10000x64xf32> -> vector<10000x64xf32>
    %swap3A = arith.constant 0 : index
    %swap3A_6 = arith.constant 0 : index
    %swap3A_7 = vector.load %arg2[%swap3A, %swap3A_6] : memref<10000x64xf32, #tpu.memory_space<vmem>>, vector<10000x64xf32>
    tpu.vector_store %arg2[%swap3A, %swap3A_6], %dot_general3A_5 {strides = array<i32>} : memref<10000x64xf32, #tpu.memory_space<vmem>>, vector<10000x64xf32>,
    return
  }
}

module attributes {stable_mosaic.version = 14 : i64} {
  func.func @body(%arg0: memref<10000x64xf32, #tpu.memory_space<vmem>>, %arg1: memref<10000x64xf32, #tpu.memory_space<vmem>>, %arg2: memref<10000x64xf32, #tpu.memory_space<vmem>>, %arg3: memref<1x64xf32, #tpu.memory_space<vmem>>, %arg4: memref<1x64xf32, #tpu.memory_space<vmem>>, %arg5: memref<1x64xf32, #tpu.memory_space<vmem>>, %arg6: memref<64x64xf32, #tpu.memory_space<vmem>>, %arg7: memref<1x64xf32, #tpu.memory_space<vmem>>, %arg8: memref<1x64xf32, #tpu.memory_space<vmem>>, %arg9: memref<1x64xf32, #tpu.memory_space<vmem>>, %arg10: memref<64x64xf32, #tpu.memory_space<vmem>>, %arg11: memref<10000x64xf32, #tpu.memory_space<vmem>>, %arg12: memref<10000x64xf32, #tpu.memory_space<vmem>>) attributes {dimension_semantics = [], scalar_prefetch = 0 : i64, scratch_operands = 0 : i64, tpu.core_type = #tpu.core_type<tc>} {
    %get3A = arith.constant 0 : index
    %get3A_0 = arith.constant 0 : index
    %get3A_1 = vector.load %arg0[%get3A, %get3A_0] : memref<10000x64xf32, #tpu.memory_space<vmem>>, vector<10000x64xf32>
    %get3A_2 = arith.constant 0 : index
    %get3A_3 = arith.constant 0 : index
    %get3A_4 = vector.load %arg1[%get3A_2, %get3A_3] : memref<10000x64xf32, #tpu.memory_space<vmem>>, vector<10000x64xf32>
    %add3A = arith.addf %get3A_1, %get3A_4 : vector<10000x64xf32>
    %get3A_5 = arith.constant 0 : index
    %get3A_6 = arith.constant 0 : index
    %get3A_7 = vector.load %arg2[%get3A_5, %get3A_6] : memref<10000x64xf32, #tpu.memory_space<vmem>>, vector<10000x64xf32>
    %add3A_8 = arith.addf %add3A, %get3A_7 : vector<10000x64xf32>
    %get3A_9 = arith.constant 0 : index
    %get3A_10 = arith.constant 0 : index
    %get3A_11 = vector.load %arg3[%get3A_9, %get3A_10] : memref<1x64xf32, #tpu.memory_space<vmem>>, vector<1x64xf32>
    %add3A_12 = vector.broadcast %get3A_11 : vector<1x64xf32> to vector<10000x64xf32>
    %add3A_13 = arith.addf %add3A_8, %add3A_12 : vector<10000x64xf32>
    %get3A_14 = arith.constant 0 : index
    %get3A_15 = arith.constant 0 : index
    %get3A_16 = vector.load %arg4[%get3A_14, %get3A_15] : memref<1x64xf32, #tpu.memory_space<vmem>>, vector<1x64xf32>
    %get3A_17 = arith.constant 0 : index
    %get3A_18 = arith.constant 0 : index
    %get3A_19 = vector.load %arg5[%get3A_17, %get3A_18] : memref<1x64xf32, #tpu.memory_space<vmem>>, vector<1x64xf32>
    %reduce_sum3A = arith.constant dense<0.000000e+00> : vector<64xf32>
    %reduce_sum3A_20 = vector.multi_reduction <add>, %add3A_13, %reduce_sum3A [0] : vector<10000x64xf32> to vector<64xf32>
    %broadcast_in_dim3A = vector.shape_cast %reduce_sum3A_20 : vector<64xf32> to vector<1x64xf32>
    %mul3A = arith.constant 9.99999974E-5 : f32
    %mul3A_21 = vector.broadcast %mul3A : f32 to vector<1x64xf32>
    %mul3A_22 = arith.mulf %broadcast_in_dim3A, %mul3A_21 : vector<1x64xf32>
    %mul3A_23 = arith.mulf %add3A_13, %add3A_13 : vector<10000x64xf32>
    %reduce_sum3A_24 = arith.constant dense<0.000000e+00> : vector<64xf32>
    %reduce_sum3A_25 = vector.multi_reduction <add>, %mul3A_23, %reduce_sum3A_24 [0] : vector<10000x64xf32> to vector<64xf32>
    %broadcast_in_dim3A_26 = vector.shape_cast %reduce_sum3A_25 : vector<64xf32> to vector<1x64xf32>
    %mul3A_27 = arith.constant 9.99999974E-5 : f32
    %mul3A_28 = vector.broadcast %mul3A_27 : f32 to vector<1x64xf32>
    %mul3A_29 = arith.mulf %broadcast_in_dim3A_26, %mul3A_28 : vector<1x64xf32>
    %mul3A_30 = arith.mulf %mul3A_22, %mul3A_22 : vector<1x64xf32>
    %sub3A = arith.subf %mul3A_29, %mul3A_30 : vector<1x64xf32>
    %add3A_31 = arith.constant 9.99999974E-6 : f32
    %add3A_32 = vector.broadcast %add3A_31 : f32 to vector<1x64xf32>
    %add3A_33 = arith.addf %sub3A, %add3A_32 : vector<1x64xf32>
    %rsqrt3A = math.rsqrt %add3A_33 : vector<1x64xf32>
    %mul3A_34 = arith.mulf %get3A_16, %rsqrt3A : vector<1x64xf32>
    %mul3A_35 = vector.broadcast %mul3A_34 : vector<1x64xf32> to vector<10000x64xf32>
    %mul3A_36 = arith.mulf %add3A_13, %mul3A_35 : vector<10000x64xf32>
    %mul3A_37 = arith.mulf %mul3A_22, %mul3A_34 : vector<1x64xf32>
    %sub3A_38 = arith.subf %get3A_19, %mul3A_37 : vector<1x64xf32>
    %add3A_39 = vector.broadcast %sub3A_38 : vector<1x64xf32> to vector<10000x64xf32>
    %add3A_40 = arith.addf %mul3A_36, %add3A_39 : vector<10000x64xf32>
    %max3A = arith.constant 0.000000e+00 : f32
    %max3A_41 = vector.broadcast %max3A : f32 to vector<10000x64xf32>
    %max3A_42 = arith.maximumf %add3A_40, %max3A_41 : vector<10000x64xf32>
    %get3A_43 = arith.constant 0 : index
    %get3A_44 = arith.constant 0 : index
    %get3A_45 = vector.load %arg6[%get3A_43, %get3A_44] : memref<64x64xf32, #tpu.memory_space<vmem>>, vector<64x64xf32>
    %dot_general3A = arith.constant dense<0.000000e+00> : vector<10000x64xf32>
    %dot_general3A_46 = tpu.matmul %max3A_42, %get3A_45, %dot_general3A {dimension_numbers = #tpu.dot_dimension_numbers<[1], [0], [0], [1], [0, 0, 1, 1], [], []>, precision = #tpu.contract_precision<fp32>, transpose_lhs_hint = false} : vector<10000x64xf32>, vector<64x64xf32>, vector<10000x64xf32> -> vector<10000x64xf32>
    %get3A_47 = arith.constant 0 : index
    %get3A_48 = arith.constant 0 : index
    %get3A_49 = vector.load %arg7[%get3A_47, %get3A_48] : memref<1x64xf32, #tpu.memory_space<vmem>>, vector<1x64xf32>
    %add3A_50 = vector.broadcast %get3A_49 : vector<1x64xf32> to vector<10000x64xf32>
    %add3A_51 = arith.addf %dot_general3A_46, %add3A_50 : vector<10000x64xf32>
    %get3A_52 = arith.constant 0 : index
    %get3A_53 = arith.constant 0 : index
    %get3A_54 = vector.load %arg8[%get3A_52, %get3A_53] : memref<1x64xf32, #tpu.memory_space<vmem>>, vector<1x64xf32>
    %get3A_55 = arith.constant 0 : index
    %get3A_56 = arith.constant 0 : index
    %get3A_57 = vector.load %arg9[%get3A_55, %get3A_56] : memref<1x64xf32, #tpu.memory_space<vmem>>, vector<1x64xf32>
    %reduce_sum3A_58 = arith.constant dense<0.000000e+00> : vector<64xf32>
    %reduce_sum3A_59 = vector.multi_reduction <add>, %add3A_51, %reduce_sum3A_58 [0] : vector<10000x64xf32> to vector<64xf32>
    %broadcast_in_dim3A_60 = vector.shape_cast %reduce_sum3A_59 : vector<64xf32> to vector<1x64xf32>
    %mul3A_61 = arith.constant 9.99999974E-5 : f32
    %mul3A_62 = vector.broadcast %mul3A_61 : f32 to vector<1x64xf32>
    %mul3A_63 = arith.mulf %broadcast_in_dim3A_60, %mul3A_62 : vector<1x64xf32>
    %mul3A_64 = arith.mulf %add3A_51, %add3A_51 : vector<10000x64xf32>
    %reduce_sum3A_65 = arith.constant dense<0.000000e+00> : vector<64xf32>
    %reduce_sum3A_66 = vector.multi_reduction <add>, %mul3A_64, %reduce_sum3A_65 [0] : vector<10000x64xf32> to vector<64xf32>
    %broadcast_in_dim3A_67 = vector.shape_cast %reduce_sum3A_66 : vector<64xf32> to vector<1x64xf32>
    %mul3A_68 = arith.constant 9.99999974E-5 : f32
    %mul3A_69 = vector.broadcast %mul3A_68 : f32 to vector<1x64xf32>
    %mul3A_70 = arith.mulf %broadcast_in_dim3A_67, %mul3A_69 : vector<1x64xf32>
    %mul3A_71 = arith.mulf %mul3A_63, %mul3A_63 : vector<1x64xf32>
    %sub3A_72 = arith.subf %mul3A_70, %mul3A_71 : vector<1x64xf32>
    %add3A_73 = arith.constant 9.99999974E-6 : f32
    %add3A_74 = vector.broadcast %add3A_73 : f32 to vector<1x64xf32>
    %add3A_75 = arith.addf %sub3A_72, %add3A_74 : vector<1x64xf32>
    %rsqrt3A_76 = math.rsqrt %add3A_75 : vector<1x64xf32>
    %mul3A_77 = arith.mulf %get3A_54, %rsqrt3A_76 : vector<1x64xf32>
    %mul3A_78 = vector.broadcast %mul3A_77 : vector<1x64xf32> to vector<10000x64xf32>
    %mul3A_79 = arith.mulf %add3A_51, %mul3A_78 : vector<10000x64xf32>
    %mul3A_80 = arith.mulf %mul3A_63, %mul3A_77 : vector<1x64xf32>
    %sub3A_81 = arith.subf %get3A_57, %mul3A_80 : vector<1x64xf32>
    %add3A_82 = vector.broadcast %sub3A_81 : vector<1x64xf32> to vector<10000x64xf32>
    %add3A_83 = arith.addf %mul3A_79, %add3A_82 : vector<10000x64xf32>
    %max3A_84 = arith.constant 0.000000e+00 : f32
    %max3A_85 = vector.broadcast %max3A_84 : f32 to vector<10000x64xf32>
    %max3A_86 = arith.maximumf %add3A_83, %max3A_85 : vector<10000x64xf32>
    %swap3A = arith.constant 0 : index
    %swap3A_87 = arith.constant 0 : index
    %swap3A_88 = vector.load %arg11[%swap3A, %swap3A_87] : memref<10000x64xf32, #tpu.memory_space<vmem>>, vector<10000x64xf32>
    tpu.vector_store %arg11[%swap3A, %swap3A_87], %max3A_86 {strides = array<i32>} : memref<10000x64xf32, #tpu.memory_space<vmem>>, vector<10000x64xf32>,
    %get3A_89 = arith.constant 0 : index
    %get3A_90 = arith.constant 0 : index
    %get3A_91 = vector.load %arg10[%get3A_89, %get3A_90] : memref<64x64xf32, #tpu.memory_space<vmem>>, vector<64x64xf32>
    %dot_general3A_92 = arith.constant dense<0.000000e+00> : vector<10000x64xf32>
    %dot_general3A_93 = tpu.matmul %max3A_86, %get3A_91, %dot_general3A_92 {dimension_numbers = #tpu.dot_dimension_numbers<[1], [0], [0], [1], [0, 0, 1, 1], [], []>, precision = #tpu.contract_precision<fp32>, transpose_lhs_hint = false} : vector<10000x64xf32>, vector<64x64xf32>, vector<10000x64xf32> -> vector<10000x64xf32>
    %swap3A_94 = arith.constant 0 : index
    %swap3A_95 = arith.constant 0 : index
    %swap3A_96 = vector.load %arg12[%swap3A_94, %swap3A_95] : memref<10000x64xf32, #tpu.memory_space<vmem>>, vector<10000x64xf32>
    tpu.vector_store %arg12[%swap3A_94, %swap3A_95], %dot_general3A_93 {strides = array<i32>} : memref<10000x64xf32, #tpu.memory_space<vmem>>, vector<10000x64xf32>,
    return
  }
}

module attributes {stable_mosaic.version = 14 : i64} {
  func.func @body(%arg0: memref<10000x64xf32, #tpu.memory_space<vmem>>, %arg1: memref<10000x64xf32, #tpu.memory_space<vmem>>, %arg2: memref<10000x64xf32, #tpu.memory_space<vmem>>, %arg3: memref<1x64xf32, #tpu.memory_space<vmem>>, %arg4: memref<1x64xf32, #tpu.memory_space<vmem>>, %arg5: memref<1x64xf32, #tpu.memory_space<vmem>>, %arg6: memref<64x64xf32, #tpu.memory_space<vmem>>, %arg7: memref<1x64xf32, #tpu.memory_space<vmem>>, %arg8: memref<1x64xf32, #tpu.memory_space<vmem>>, %arg9: memref<1x64xf32, #tpu.memory_space<vmem>>, %arg10: memref<64x64xf32, #tpu.memory_space<vmem>>, %arg11: memref<10000x64xf32, #tpu.memory_space<vmem>>, %arg12: memref<10000x64xf32, #tpu.memory_space<vmem>>, %arg13: memref<10000x64xf32, #tpu.memory_space<vmem>>) attributes {dimension_semantics = [], scalar_prefetch = 0 : i64, scratch_operands = 0 : i64, tpu.core_type = #tpu.core_type<tc>} {
    %get3A = arith.constant 0 : index
    %get3A_0 = arith.constant 0 : index
    %get3A_1 = vector.load %arg0[%get3A, %get3A_0] : memref<10000x64xf32, #tpu.memory_space<vmem>>, vector<10000x64xf32>
    %get3A_2 = arith.constant 0 : index
    %get3A_3 = arith.constant 0 : index
    %get3A_4 = vector.load %arg1[%get3A_2, %get3A_3] : memref<10000x64xf32, #tpu.memory_space<vmem>>, vector<10000x64xf32>
    %add3A = arith.addf %get3A_1, %get3A_4 : vector<10000x64xf32>
    %get3A_5 = arith.constant 0 : index
    %get3A_6 = arith.constant 0 : index
    %get3A_7 = vector.load %arg2[%get3A_5, %get3A_6] : memref<10000x64xf32, #tpu.memory_space<vmem>>, vector<10000x64xf32>
    %add3A_8 = arith.addf %add3A, %get3A_7 : vector<10000x64xf32>
    %get3A_9 = arith.constant 0 : index
    %get3A_10 = arith.constant 0 : index
    %get3A_11 = vector.load %arg3[%get3A_9, %get3A_10] : memref<1x64xf32, #tpu.memory_space<vmem>>, vector<1x64xf32>
    %add3A_12 = vector.broadcast %get3A_11 : vector<1x64xf32> to vector<10000x64xf32>
    %add3A_13 = arith.addf %add3A_8, %add3A_12 : vector<10000x64xf32>
    %get3A_14 = arith.constant 0 : index
    %get3A_15 = arith.constant 0 : index
    %get3A_16 = vector.load %arg4[%get3A_14, %get3A_15] : memref<1x64xf32, #tpu.memory_space<vmem>>, vector<1x64xf32>
    %get3A_17 = arith.constant 0 : index
    %get3A_18 = arith.constant 0 : index
    %get3A_19 = vector.load %arg5[%get3A_17, %get3A_18] : memref<1x64xf32, #tpu.memory_space<vmem>>, vector<1x64xf32>
    %reduce_sum3A = arith.constant dense<0.000000e+00> : vector<64xf32>
    %reduce_sum3A_20 = vector.multi_reduction <add>, %add3A_13, %reduce_sum3A [0] : vector<10000x64xf32> to vector<64xf32>
    %broadcast_in_dim3A = vector.shape_cast %reduce_sum3A_20 : vector<64xf32> to vector<1x64xf32>
    %mul3A = arith.constant 9.99999974E-5 : f32
    %mul3A_21 = vector.broadcast %mul3A : f32 to vector<1x64xf32>
    %mul3A_22 = arith.mulf %broadcast_in_dim3A, %mul3A_21 : vector<1x64xf32>
    %mul3A_23 = arith.mulf %add3A_13, %add3A_13 : vector<10000x64xf32>
    %reduce_sum3A_24 = arith.constant dense<0.000000e+00> : vector<64xf32>
    %reduce_sum3A_25 = vector.multi_reduction <add>, %mul3A_23, %reduce_sum3A_24 [0] : vector<10000x64xf32> to vector<64xf32>
    %broadcast_in_dim3A_26 = vector.shape_cast %reduce_sum3A_25 : vector<64xf32> to vector<1x64xf32>
    %mul3A_27 = arith.constant 9.99999974E-5 : f32
    %mul3A_28 = vector.broadcast %mul3A_27 : f32 to vector<1x64xf32>
    %mul3A_29 = arith.mulf %broadcast_in_dim3A_26, %mul3A_28 : vector<1x64xf32>
    %mul3A_30 = arith.mulf %mul3A_22, %mul3A_22 : vector<1x64xf32>
    %sub3A = arith.subf %mul3A_29, %mul3A_30 : vector<1x64xf32>
    %add3A_31 = arith.constant 9.99999974E-6 : f32
    %add3A_32 = vector.broadcast %add3A_31 : f32 to vector<1x64xf32>
    %add3A_33 = arith.addf %sub3A, %add3A_32 : vector<1x64xf32>
    %rsqrt3A = math.rsqrt %add3A_33 : vector<1x64xf32>
    %mul3A_34 = arith.mulf %get3A_16, %rsqrt3A : vector<1x64xf32>
    %mul3A_35 = vector.broadcast %mul3A_34 : vector<1x64xf32> to vector<10000x64xf32>
    %mul3A_36 = arith.mulf %add3A_13, %mul3A_35 : vector<10000x64xf32>
    %mul3A_37 = arith.mulf %mul3A_22, %mul3A_34 : vector<1x64xf32>
    %sub3A_38 = arith.subf %get3A_19, %mul3A_37 : vector<1x64xf32>
    %add3A_39 = vector.broadcast %sub3A_38 : vector<1x64xf32> to vector<10000x64xf32>
    %add3A_40 = arith.addf %mul3A_36, %add3A_39 : vector<10000x64xf32>
    %max3A = arith.constant 0.000000e+00 : f32
    %max3A_41 = vector.broadcast %max3A : f32 to vector<10000x64xf32>
    %max3A_42 = arith.maximumf %add3A_40, %max3A_41 : vector<10000x64xf32>
    %get3A_43 = arith.constant 0 : index
    %get3A_44 = arith.constant 0 : index
    %get3A_45 = vector.load %arg6[%get3A_43, %get3A_44] : memref<64x64xf32, #tpu.memory_space<vmem>>, vector<64x64xf32>
    %dot_general3A = arith.constant dense<0.000000e+00> : vector<10000x64xf32>
    %dot_general3A_46 = tpu.matmul %max3A_42, %get3A_45, %dot_general3A {dimension_numbers = #tpu.dot_dimension_numbers<[1], [0], [0], [1], [0, 0, 1, 1], [], []>, precision = #tpu.contract_precision<fp32>, transpose_lhs_hint = false} : vector<10000x64xf32>, vector<64x64xf32>, vector<10000x64xf32> -> vector<10000x64xf32>
    %get3A_47 = arith.constant 0 : index
    %get3A_48 = arith.constant 0 : index
    %get3A_49 = vector.load %arg7[%get3A_47, %get3A_48] : memref<1x64xf32, #tpu.memory_space<vmem>>, vector<1x64xf32>
    %add3A_50 = vector.broadcast %get3A_49 : vector<1x64xf32> to vector<10000x64xf32>
    %add3A_51 = arith.addf %dot_general3A_46, %add3A_50 : vector<10000x64xf32>
    %get3A_52 = arith.constant 0 : index
    %get3A_53 = arith.constant 0 : index
    %get3A_54 = vector.load %arg8[%get3A_52, %get3A_53] : memref<1x64xf32, #tpu.memory_space<vmem>>, vector<1x64xf32>
    %get3A_55 = arith.constant 0 : index
    %get3A_56 = arith.constant 0 : index
    %get3A_57 = vector.load %arg9[%get3A_55, %get3A_56] : memref<1x64xf32, #tpu.memory_space<vmem>>, vector<1x64xf32>
    %reduce_sum3A_58 = arith.constant dense<0.000000e+00> : vector<64xf32>
    %reduce_sum3A_59 = vector.multi_reduction <add>, %add3A_51, %reduce_sum3A_58 [0] : vector<10000x64xf32> to vector<64xf32>
    %broadcast_in_dim3A_60 = vector.shape_cast %reduce_sum3A_59 : vector<64xf32> to vector<1x64xf32>
    %mul3A_61 = arith.constant 9.99999974E-5 : f32
    %mul3A_62 = vector.broadcast %mul3A_61 : f32 to vector<1x64xf32>
    %mul3A_63 = arith.mulf %broadcast_in_dim3A_60, %mul3A_62 : vector<1x64xf32>
    %mul3A_64 = arith.mulf %add3A_51, %add3A_51 : vector<10000x64xf32>
    %reduce_sum3A_65 = arith.constant dense<0.000000e+00> : vector<64xf32>
    %reduce_sum3A_66 = vector.multi_reduction <add>, %mul3A_64, %reduce_sum3A_65 [0] : vector<10000x64xf32> to vector<64xf32>
    %broadcast_in_dim3A_67 = vector.shape_cast %reduce_sum3A_66 : vector<64xf32> to vector<1x64xf32>
    %mul3A_68 = arith.constant 9.99999974E-5 : f32
    %mul3A_69 = vector.broadcast %mul3A_68 : f32 to vector<1x64xf32>
    %mul3A_70 = arith.mulf %broadcast_in_dim3A_67, %mul3A_69 : vector<1x64xf32>
    %mul3A_71 = arith.mulf %mul3A_63, %mul3A_63 : vector<1x64xf32>
    %sub3A_72 = arith.subf %mul3A_70, %mul3A_71 : vector<1x64xf32>
    %add3A_73 = arith.constant 9.99999974E-6 : f32
    %add3A_74 = vector.broadcast %add3A_73 : f32 to vector<1x64xf32>
    %add3A_75 = arith.addf %sub3A_72, %add3A_74 : vector<1x64xf32>
    %rsqrt3A_76 = math.rsqrt %add3A_75 : vector<1x64xf32>
    %mul3A_77 = arith.mulf %get3A_54, %rsqrt3A_76 : vector<1x64xf32>
    %mul3A_78 = vector.broadcast %mul3A_77 : vector<1x64xf32> to vector<10000x64xf32>
    %mul3A_79 = arith.mulf %add3A_51, %mul3A_78 : vector<10000x64xf32>
    %mul3A_80 = arith.mulf %mul3A_63, %mul3A_77 : vector<1x64xf32>
    %sub3A_81 = arith.subf %get3A_57, %mul3A_80 : vector<1x64xf32>
    %add3A_82 = vector.broadcast %sub3A_81 : vector<1x64xf32> to vector<10000x64xf32>
    %add3A_83 = arith.addf %mul3A_79, %add3A_82 : vector<10000x64xf32>
    %max3A_84 = arith.constant 0.000000e+00 : f32
    %max3A_85 = vector.broadcast %max3A_84 : f32 to vector<10000x64xf32>
    %max3A_86 = arith.maximumf %add3A_83, %max3A_85 : vector<10000x64xf32>
    %get3A_87 = arith.constant 0 : index
    %get3A_88 = arith.constant 0 : index
    %get3A_89 = vector.load %arg11[%get3A_87, %get3A_88] : memref<10000x64xf32, #tpu.memory_space<vmem>>, vector<10000x64xf32>
    %add3A_90 = arith.addf %max3A_86, %get3A_89 : vector<10000x64xf32>
    %swap3A = arith.constant 0 : index
    %swap3A_91 = arith.constant 0 : index
    %swap3A_92 = vector.load %arg12[%swap3A, %swap3A_91] : memref<10000x64xf32, #tpu.memory_space<vmem>>, vector<10000x64xf32>
    tpu.vector_store %arg12[%swap3A, %swap3A_91], %add3A_90 {strides = array<i32>} : memref<10000x64xf32, #tpu.memory_space<vmem>>, vector<10000x64xf32>,
    %get3A_93 = arith.constant 0 : index
    %get3A_94 = arith.constant 0 : index
    %get3A_95 = vector.load %arg10[%get3A_93, %get3A_94] : memref<64x64xf32, #tpu.memory_space<vmem>>, vector<64x64xf32>
    %dot_general3A_96 = arith.constant dense<0.000000e+00> : vector<10000x64xf32>
    %dot_general3A_97 = tpu.matmul %add3A_90, %get3A_95, %dot_general3A_96 {dimension_numbers = #tpu.dot_dimension_numbers<[1], [0], [0], [1], [0, 0, 1, 1], [], []>, precision = #tpu.contract_precision<fp32>, transpose_lhs_hint = false} : vector<10000x64xf32>, vector<64x64xf32>, vector<10000x64xf32> -> vector<10000x64xf32>
    %swap3A_98 = arith.constant 0 : index
    %swap3A_99 = arith.constant 0 : index
    %swap3A_100 = vector.load %arg13[%swap3A_98, %swap3A_99] : memref<10000x64xf32, #tpu.memory_space<vmem>>, vector<10000x64xf32>
    tpu.vector_store %arg13[%swap3A_98, %swap3A_99], %dot_general3A_97 {strides = array<i32>} : memref<10000x64xf32, #tpu.memory_space<vmem>>, vector<10000x64xf32>,
    return
  }
}

module attributes {stable_mosaic.version = 14 : i64} {
  func.func @body(%arg0: memref<10000x64xf32, #tpu.memory_space<vmem>>, %arg1: memref<10000x64xf32, #tpu.memory_space<vmem>>, %arg2: memref<10000x64xf32, #tpu.memory_space<vmem>>, %arg3: memref<1x64xf32, #tpu.memory_space<vmem>>, %arg4: memref<1x64xf32, #tpu.memory_space<vmem>>, %arg5: memref<1x64xf32, #tpu.memory_space<vmem>>, %arg6: memref<64x64xf32, #tpu.memory_space<vmem>>, %arg7: memref<1x64xf32, #tpu.memory_space<vmem>>, %arg8: memref<1x64xf32, #tpu.memory_space<vmem>>, %arg9: memref<1x64xf32, #tpu.memory_space<vmem>>, %arg10: memref<10000x64xf32, #tpu.memory_space<vmem>>, %arg11: memref<10000x1xf32, #tpu.memory_space<vmem>>, %arg12: memref<64x32xf32, #tpu.memory_space<vmem>>, %arg13: memref<1x32xf32, #tpu.memory_space<vmem>>, %arg14: memref<32x16xf32, #tpu.memory_space<vmem>>, %arg15: memref<1x16xf32, #tpu.memory_space<vmem>>, %arg16: memref<64x32xf32, #tpu.memory_space<vmem>>, %arg17: memref<1x32xf32, #tpu.memory_space<vmem>>, %arg18: memref<32x16xf32, #tpu.memory_space<vmem>>, %arg19: memref<1x16xf32, #tpu.memory_space<vmem>>, %arg20: memref<64x16xf32, #tpu.memory_space<vmem>>, %arg21: memref<1x16xf32, #tpu.memory_space<vmem>>, %arg22: memref<16x8xf32, #tpu.memory_space<vmem>>, %arg23: memref<1x8xf32, #tpu.memory_space<vmem>>, %arg24: memref<64x64xf32, #tpu.memory_space<vmem>>, %arg25: memref<1x64xf32, #tpu.memory_space<vmem>>, %arg26: memref<64x32xf32, #tpu.memory_space<vmem>>, %arg27: memref<1x32xf32, #tpu.memory_space<vmem>>, %arg28: memref<64x16xf32, #tpu.memory_space<vmem>>, %arg29: memref<64x16xf32, #tpu.memory_space<vmem>>, %arg30: memref<64x8xf32, #tpu.memory_space<vmem>>, %arg31: memref<64x32xf32, #tpu.memory_space<vmem>>) attributes {dimension_semantics = [], scalar_prefetch = 0 : i64, scratch_operands = 0 : i64, tpu.core_type = #tpu.core_type<tc>} {
    %get3A = arith.constant 0 : index
    %get3A_0 = arith.constant 0 : index
    %get3A_1 = vector.load %arg0[%get3A, %get3A_0] : memref<10000x64xf32, #tpu.memory_space<vmem>>, vector<10000x64xf32>
    %get3A_2 = arith.constant 0 : index
    %get3A_3 = arith.constant 0 : index
    %get3A_4 = vector.load %arg1[%get3A_2, %get3A_3] : memref<10000x64xf32, #tpu.memory_space<vmem>>, vector<10000x64xf32>
    %add3A = arith.addf %get3A_1, %get3A_4 : vector<10000x64xf32>
    %get3A_5 = arith.constant 0 : index
    %get3A_6 = arith.constant 0 : index
    %get3A_7 = vector.load %arg2[%get3A_5, %get3A_6] : memref<10000x64xf32, #tpu.memory_space<vmem>>, vector<10000x64xf32>
    %add3A_8 = arith.addf %add3A, %get3A_7 : vector<10000x64xf32>
    %get3A_9 = arith.constant 0 : index
    %get3A_10 = arith.constant 0 : index
    %get3A_11 = vector.load %arg3[%get3A_9, %get3A_10] : memref<1x64xf32, #tpu.memory_space<vmem>>, vector<1x64xf32>
    %add3A_12 = vector.broadcast %get3A_11 : vector<1x64xf32> to vector<10000x64xf32>
    %add3A_13 = arith.addf %add3A_8, %add3A_12 : vector<10000x64xf32>
    %get3A_14 = arith.constant 0 : index
    %get3A_15 = arith.constant 0 : index
    %get3A_16 = vector.load %arg4[%get3A_14, %get3A_15] : memref<1x64xf32, #tpu.memory_space<vmem>>, vector<1x64xf32>
    %get3A_17 = arith.constant 0 : index
    %get3A_18 = arith.constant 0 : index
    %get3A_19 = vector.load %arg5[%get3A_17, %get3A_18] : memref<1x64xf32, #tpu.memory_space<vmem>>, vector<1x64xf32>
    %reduce_sum3A = arith.constant dense<0.000000e+00> : vector<64xf32>
    %reduce_sum3A_20 = vector.multi_reduction <add>, %add3A_13, %reduce_sum3A [0] : vector<10000x64xf32> to vector<64xf32>
    %broadcast_in_dim3A = vector.shape_cast %reduce_sum3A_20 : vector<64xf32> to vector<1x64xf32>
    %mul3A = arith.constant 9.99999974E-5 : f32
    %mul3A_21 = vector.broadcast %mul3A : f32 to vector<1x64xf32>
    %mul3A_22 = arith.mulf %broadcast_in_dim3A, %mul3A_21 : vector<1x64xf32>
    %mul3A_23 = arith.mulf %add3A_13, %add3A_13 : vector<10000x64xf32>
    %reduce_sum3A_24 = arith.constant dense<0.000000e+00> : vector<64xf32>
    %reduce_sum3A_25 = vector.multi_reduction <add>, %mul3A_23, %reduce_sum3A_24 [0] : vector<10000x64xf32> to vector<64xf32>
    %broadcast_in_dim3A_26 = vector.shape_cast %reduce_sum3A_25 : vector<64xf32> to vector<1x64xf32>
    %mul3A_27 = arith.constant 9.99999974E-5 : f32
    %mul3A_28 = vector.broadcast %mul3A_27 : f32 to vector<1x64xf32>
    %mul3A_29 = arith.mulf %broadcast_in_dim3A_26, %mul3A_28 : vector<1x64xf32>
    %mul3A_30 = arith.mulf %mul3A_22, %mul3A_22 : vector<1x64xf32>
    %sub3A = arith.subf %mul3A_29, %mul3A_30 : vector<1x64xf32>
    %add3A_31 = arith.constant 9.99999974E-6 : f32
    %add3A_32 = vector.broadcast %add3A_31 : f32 to vector<1x64xf32>
    %add3A_33 = arith.addf %sub3A, %add3A_32 : vector<1x64xf32>
    %rsqrt3A = math.rsqrt %add3A_33 : vector<1x64xf32>
    %mul3A_34 = arith.mulf %get3A_16, %rsqrt3A : vector<1x64xf32>
    %mul3A_35 = vector.broadcast %mul3A_34 : vector<1x64xf32> to vector<10000x64xf32>
    %mul3A_36 = arith.mulf %add3A_13, %mul3A_35 : vector<10000x64xf32>
    %mul3A_37 = arith.mulf %mul3A_22, %mul3A_34 : vector<1x64xf32>
    %sub3A_38 = arith.subf %get3A_19, %mul3A_37 : vector<1x64xf32>
    %add3A_39 = vector.broadcast %sub3A_38 : vector<1x64xf32> to vector<10000x64xf32>
    %add3A_40 = arith.addf %mul3A_36, %add3A_39 : vector<10000x64xf32>
    %max3A = arith.constant 0.000000e+00 : f32
    %max3A_41 = vector.broadcast %max3A : f32 to vector<10000x64xf32>
    %max3A_42 = arith.maximumf %add3A_40, %max3A_41 : vector<10000x64xf32>
    %get3A_43 = arith.constant 0 : index
    %get3A_44 = arith.constant 0 : index
    %get3A_45 = vector.load %arg6[%get3A_43, %get3A_44] : memref<64x64xf32, #tpu.memory_space<vmem>>, vector<64x64xf32>
    %dot_general3A = arith.constant dense<0.000000e+00> : vector<10000x64xf32>
    %dot_general3A_46 = tpu.matmul %max3A_42, %get3A_45, %dot_general3A {dimension_numbers = #tpu.dot_dimension_numbers<[1], [0], [0], [1], [0, 0, 1, 1], [], []>, precision = #tpu.contract_precision<fp32>, transpose_lhs_hint = false} : vector<10000x64xf32>, vector<64x64xf32>, vector<10000x64xf32> -> vector<10000x64xf32>
    %get3A_47 = arith.constant 0 : index
    %get3A_48 = arith.constant 0 : index
    %get3A_49 = vector.load %arg7[%get3A_47, %get3A_48] : memref<1x64xf32, #tpu.memory_space<vmem>>, vector<1x64xf32>
    %add3A_50 = vector.broadcast %get3A_49 : vector<1x64xf32> to vector<10000x64xf32>
    %add3A_51 = arith.addf %dot_general3A_46, %add3A_50 : vector<10000x64xf32>
    %get3A_52 = arith.constant 0 : index
    %get3A_53 = arith.constant 0 : index
    %get3A_54 = vector.load %arg8[%get3A_52, %get3A_53] : memref<1x64xf32, #tpu.memory_space<vmem>>, vector<1x64xf32>
    %get3A_55 = arith.constant 0 : index
    %get3A_56 = arith.constant 0 : index
    %get3A_57 = vector.load %arg9[%get3A_55, %get3A_56] : memref<1x64xf32, #tpu.memory_space<vmem>>, vector<1x64xf32>
    %reduce_sum3A_58 = arith.constant dense<0.000000e+00> : vector<64xf32>
    %reduce_sum3A_59 = vector.multi_reduction <add>, %add3A_51, %reduce_sum3A_58 [0] : vector<10000x64xf32> to vector<64xf32>
    %broadcast_in_dim3A_60 = vector.shape_cast %reduce_sum3A_59 : vector<64xf32> to vector<1x64xf32>
    %mul3A_61 = arith.constant 9.99999974E-5 : f32
    %mul3A_62 = vector.broadcast %mul3A_61 : f32 to vector<1x64xf32>
    %mul3A_63 = arith.mulf %broadcast_in_dim3A_60, %mul3A_62 : vector<1x64xf32>
    %mul3A_64 = arith.mulf %add3A_51, %add3A_51 : vector<10000x64xf32>
    %reduce_sum3A_65 = arith.constant dense<0.000000e+00> : vector<64xf32>
    %reduce_sum3A_66 = vector.multi_reduction <add>, %mul3A_64, %reduce_sum3A_65 [0] : vector<10000x64xf32> to vector<64xf32>
    %broadcast_in_dim3A_67 = vector.shape_cast %reduce_sum3A_66 : vector<64xf32> to vector<1x64xf32>
    %mul3A_68 = arith.constant 9.99999974E-5 : f32
    %mul3A_69 = vector.broadcast %mul3A_68 : f32 to vector<1x64xf32>
    %mul3A_70 = arith.mulf %broadcast_in_dim3A_67, %mul3A_69 : vector<1x64xf32>
    %mul3A_71 = arith.mulf %mul3A_63, %mul3A_63 : vector<1x64xf32>
    %sub3A_72 = arith.subf %mul3A_70, %mul3A_71 : vector<1x64xf32>
    %add3A_73 = arith.constant 9.99999974E-6 : f32
    %add3A_74 = vector.broadcast %add3A_73 : f32 to vector<1x64xf32>
    %add3A_75 = arith.addf %sub3A_72, %add3A_74 : vector<1x64xf32>
    %rsqrt3A_76 = math.rsqrt %add3A_75 : vector<1x64xf32>
    %mul3A_77 = arith.mulf %get3A_54, %rsqrt3A_76 : vector<1x64xf32>
    %mul3A_78 = vector.broadcast %mul3A_77 : vector<1x64xf32> to vector<10000x64xf32>
    %mul3A_79 = arith.mulf %add3A_51, %mul3A_78 : vector<10000x64xf32>
    %mul3A_80 = arith.mulf %mul3A_63, %mul3A_77 : vector<1x64xf32>
    %sub3A_81 = arith.subf %get3A_57, %mul3A_80 : vector<1x64xf32>
    %add3A_82 = vector.broadcast %sub3A_81 : vector<1x64xf32> to vector<10000x64xf32>
    %add3A_83 = arith.addf %mul3A_79, %add3A_82 : vector<10000x64xf32>
    %max3A_84 = arith.constant 0.000000e+00 : f32
    %max3A_85 = vector.broadcast %max3A_84 : f32 to vector<10000x64xf32>
    %max3A_86 = arith.maximumf %add3A_83, %max3A_85 : vector<10000x64xf32>
    %get3A_87 = arith.constant 0 : index
    %get3A_88 = arith.constant 0 : index
    %get3A_89 = vector.load %arg10[%get3A_87, %get3A_88] : memref<10000x64xf32, #tpu.memory_space<vmem>>, vector<10000x64xf32>
    %add3A_90 = arith.addf %max3A_86, %get3A_89 : vector<10000x64xf32>
    %iota3A = tpu.iota {dimensions = array<i32: 1>} : vector<10000x64xi32>
    %convert_element_type3A = arith.sitofp %iota3A : vector<10000x64xi32> to vector<10000x64xf32>
    %get3A_91 = arith.constant 0 : index
    %get3A_92 = arith.constant 0 : index
    %get3A_93 = vector.load %arg11[%get3A_91, %get3A_92] : memref<10000x1xf32, #tpu.memory_space<vmem>>, vector<10000x1xf32>
    %eq3A = vector.broadcast %get3A_93 : vector<10000x1xf32> to vector<10000x64xf32>
    %eq3A_94 = arith.cmpf oeq, %eq3A, %convert_element_type3A : vector<10000x64xf32>
    %jit3A = arith.constant 1.000000e+00 : f32
    %jit3A_95 = arith.constant 0.000000e+00 : f32
    %broadcast_in_dim3A_96 = vector.broadcast %jit3A : f32 to vector<10000x64xf32>
    %broadcast_in_dim3A_97 = vector.broadcast %jit3A_95 : f32 to vector<10000x64xf32>
    %select_n3A = arith.select %eq3A_94, %broadcast_in_dim3A_96, %broadcast_in_dim3A_97 : vector<10000x64xi1>, vector<10000x64xf32>
    %dot_general3A_98 = arith.constant dense<0.000000e+00> : vector<64x64xf32>
    %dot_general3A_99 = tpu.matmul %select_n3A, %add3A_90, %dot_general3A_98 {dimension_numbers = #tpu.dot_dimension_numbers<[0], [0], [1], [1], [0, 1, 1, 1], [], []>, precision = #tpu.contract_precision<fp32>, transpose_lhs_hint = false} : vector<10000x64xf32>, vector<10000x64xf32>, vector<64x64xf32> -> vector<64x64xf32>
    %get3A_100 = arith.constant 0 : index
    %get3A_101 = arith.constant 0 : index
    %get3A_102 = vector.load %arg12[%get3A_100, %get3A_101] : memref<64x32xf32, #tpu.memory_space<vmem>>, vector<64x32xf32>
    %dot_general3A_103 = arith.constant dense<0.000000e+00> : vector<64x32xf32>
    %dot_general3A_104 = tpu.matmul %dot_general3A_99, %get3A_102, %dot_general3A_103 {dimension_numbers = #tpu.dot_dimension_numbers<[1], [0], [0], [1], [0, 0, 1, 1], [], []>, precision = #tpu.contract_precision<fp32>, transpose_lhs_hint = false} : vector<64x64xf32>, vector<64x32xf32>, vector<64x32xf32> -> vector<64x32xf32>
    %get3A_105 = arith.constant 0 : index
    %get3A_106 = arith.constant 0 : index
    %get3A_107 = vector.load %arg13[%get3A_105, %get3A_106] : memref<1x32xf32, #tpu.memory_space<vmem>>, vector<1x32xf32>
    %add3A_108 = vector.broadcast %get3A_107 : vector<1x32xf32> to vector<64x32xf32>
    %add3A_109 = arith.addf %dot_general3A_104, %add3A_108 : vector<64x32xf32>
    %max3A_110 = arith.constant 0.000000e+00 : f32
    %max3A_111 = vector.broadcast %max3A_110 : f32 to vector<64x32xf32>
    %max3A_112 = arith.maximumf %add3A_109, %max3A_111 : vector<64x32xf32>
    %get3A_113 = arith.constant 0 : index
    %get3A_114 = arith.constant 0 : index
    %get3A_115 = vector.load %arg14[%get3A_113, %get3A_114] : memref<32x16xf32, #tpu.memory_space<vmem>>, vector<32x16xf32>
    %dot_general3A_116 = arith.constant dense<0.000000e+00> : vector<64x16xf32>
    %dot_general3A_117 = tpu.matmul %max3A_112, %get3A_115, %dot_general3A_116 {dimension_numbers = #tpu.dot_dimension_numbers<[1], [0], [0], [1], [0, 0, 1, 1], [], []>, precision = #tpu.contract_precision<fp32>, transpose_lhs_hint = false} : vector<64x32xf32>, vector<32x16xf32>, vector<64x16xf32> -> vector<64x16xf32>
    %get3A_118 = arith.constant 0 : index
    %get3A_119 = arith.constant 0 : index
    %get3A_120 = vector.load %arg15[%get3A_118, %get3A_119] : memref<1x16xf32, #tpu.memory_space<vmem>>, vector<1x16xf32>
    %add3A_121 = vector.broadcast %get3A_120 : vector<1x16xf32> to vector<64x16xf32>
    %add3A_122 = arith.addf %dot_general3A_117, %add3A_121 : vector<64x16xf32>
    %mul3A_123 = arith.mulf %add3A_122, %add3A_122 : vector<64x16xf32>
    %reduce_sum3A_124 = arith.constant dense<0.000000e+00> : vector<64xf32>
    %reduce_sum3A_125 = vector.multi_reduction <add>, %mul3A_123, %reduce_sum3A_124 [1] : vector<64x16xf32> to vector<64xf32>
    %broadcast_in_dim3A_126 = vector.shape_cast %reduce_sum3A_125 : vector<64xf32> to vector<64x1xf32>
    %sqrt3A = math.sqrt %broadcast_in_dim3A_126 : vector<64x1xf32>
    %max3A_127 = arith.constant 9.99999996E-13 : f32
    %max3A_128 = vector.broadcast %max3A_127 : f32 to vector<64x1xf32>
    %max3A_129 = arith.maximumf %sqrt3A, %max3A_128 : vector<64x1xf32>
    %div3A = vector.broadcast %max3A_129 : vector<64x1xf32> to vector<64x16xf32>
    %div3A_130 = arith.divf %add3A_122, %div3A : vector<64x16xf32>
    %swap3A = arith.constant 0 : index
    %swap3A_131 = arith.constant 0 : index
    %swap3A_132 = vector.load %arg28[%swap3A, %swap3A_131] : memref<64x16xf32, #tpu.memory_space<vmem>>, vector<64x16xf32>
    tpu.vector_store %arg28[%swap3A, %swap3A_131], %div3A_130 {strides = array<i32>} : memref<64x16xf32, #tpu.memory_space<vmem>>, vector<64x16xf32>,
    %get3A_133 = arith.constant 0 : index
    %get3A_134 = arith.constant 0 : index
    %get3A_135 = vector.load %arg16[%get3A_133, %get3A_134] : memref<64x32xf32, #tpu.memory_space<vmem>>, vector<64x32xf32>
    %dot_general3A_136 = arith.constant dense<0.000000e+00> : vector<64x32xf32>
    %dot_general3A_137 = tpu.matmul %dot_general3A_99, %get3A_135, %dot_general3A_136 {dimension_numbers = #tpu.dot_dimension_numbers<[1], [0], [0], [1], [0, 0, 1, 1], [], []>, precision = #tpu.contract_precision<fp32>, transpose_lhs_hint = false} : vector<64x64xf32>, vector<64x32xf32>, vector<64x32xf32> -> vector<64x32xf32>
    %get3A_138 = arith.constant 0 : index
    %get3A_139 = arith.constant 0 : index
    %get3A_140 = vector.load %arg17[%get3A_138, %get3A_139] : memref<1x32xf32, #tpu.memory_space<vmem>>, vector<1x32xf32>
    %add3A_141 = vector.broadcast %get3A_140 : vector<1x32xf32> to vector<64x32xf32>
    %add3A_142 = arith.addf %dot_general3A_137, %add3A_141 : vector<64x32xf32>
    %max3A_143 = arith.constant 0.000000e+00 : f32
    %max3A_144 = vector.broadcast %max3A_143 : f32 to vector<64x32xf32>
    %max3A_145 = arith.maximumf %add3A_142, %max3A_144 : vector<64x32xf32>
    %get3A_146 = arith.constant 0 : index
    %get3A_147 = arith.constant 0 : index
    %get3A_148 = vector.load %arg18[%get3A_146, %get3A_147] : memref<32x16xf32, #tpu.memory_space<vmem>>, vector<32x16xf32>
    %dot_general3A_149 = arith.constant dense<0.000000e+00> : vector<64x16xf32>
    %dot_general3A_150 = tpu.matmul %max3A_145, %get3A_148, %dot_general3A_149 {dimension_numbers = #tpu.dot_dimension_numbers<[1], [0], [0], [1], [0, 0, 1, 1], [], []>, precision = #tpu.contract_precision<fp32>, transpose_lhs_hint = false} : vector<64x32xf32>, vector<32x16xf32>, vector<64x16xf32> -> vector<64x16xf32>
    %get3A_151 = arith.constant 0 : index
    %get3A_152 = arith.constant 0 : index
    %get3A_153 = vector.load %arg19[%get3A_151, %get3A_152] : memref<1x16xf32, #tpu.memory_space<vmem>>, vector<1x16xf32>
    %add3A_154 = vector.broadcast %get3A_153 : vector<1x16xf32> to vector<64x16xf32>
    %add3A_155 = arith.addf %dot_general3A_150, %add3A_154 : vector<64x16xf32>
    %mul3A_156 = arith.mulf %add3A_155, %add3A_155 : vector<64x16xf32>
    %reduce_sum3A_157 = arith.constant dense<0.000000e+00> : vector<64xf32>
    %reduce_sum3A_158 = vector.multi_reduction <add>, %mul3A_156, %reduce_sum3A_157 [1] : vector<64x16xf32> to vector<64xf32>
    %broadcast_in_dim3A_159 = vector.shape_cast %reduce_sum3A_158 : vector<64xf32> to vector<64x1xf32>
    %sqrt3A_160 = math.sqrt %broadcast_in_dim3A_159 : vector<64x1xf32>
    %max3A_161 = arith.constant 9.99999996E-13 : f32
    %max3A_162 = vector.broadcast %max3A_161 : f32 to vector<64x1xf32>
    %max3A_163 = arith.maximumf %sqrt3A_160, %max3A_162 : vector<64x1xf32>
    %div3A_164 = vector.broadcast %max3A_163 : vector<64x1xf32> to vector<64x16xf32>
    %div3A_165 = arith.divf %add3A_155, %div3A_164 : vector<64x16xf32>
    %swap3A_166 = arith.constant 0 : index
    %swap3A_167 = arith.constant 0 : index
    %swap3A_168 = vector.load %arg29[%swap3A_166, %swap3A_167] : memref<64x16xf32, #tpu.memory_space<vmem>>, vector<64x16xf32>
    tpu.vector_store %arg29[%swap3A_166, %swap3A_167], %div3A_165 {strides = array<i32>} : memref<64x16xf32, #tpu.memory_space<vmem>>, vector<64x16xf32>,
    %get3A_169 = arith.constant 0 : index
    %get3A_170 = arith.constant 0 : index
    %get3A_171 = vector.load %arg20[%get3A_169, %get3A_170] : memref<64x16xf32, #tpu.memory_space<vmem>>, vector<64x16xf32>
    %dot_general3A_172 = arith.constant dense<0.000000e+00> : vector<64x16xf32>
    %dot_general3A_173 = tpu.matmul %dot_general3A_99, %get3A_171, %dot_general3A_172 {dimension_numbers = #tpu.dot_dimension_numbers<[1], [0], [0], [1], [0, 0, 1, 1], [], []>, precision = #tpu.contract_precision<fp32>, transpose_lhs_hint = false} : vector<64x64xf32>, vector<64x16xf32>, vector<64x16xf32> -> vector<64x16xf32>
    %get3A_174 = arith.constant 0 : index
    %get3A_175 = arith.constant 0 : index
    %get3A_176 = vector.load %arg21[%get3A_174, %get3A_175] : memref<1x16xf32, #tpu.memory_space<vmem>>, vector<1x16xf32>
    %add3A_177 = vector.broadcast %get3A_176 : vector<1x16xf32> to vector<64x16xf32>
    %add3A_178 = arith.addf %dot_general3A_173, %add3A_177 : vector<64x16xf32>
    %max3A_179 = arith.constant 0.000000e+00 : f32
    %max3A_180 = vector.broadcast %max3A_179 : f32 to vector<64x16xf32>
    %max3A_181 = arith.maximumf %add3A_178, %max3A_180 : vector<64x16xf32>
    %get3A_182 = arith.constant 0 : index
    %get3A_183 = arith.constant 0 : index
    %get3A_184 = vector.load %arg22[%get3A_182, %get3A_183] : memref<16x8xf32, #tpu.memory_space<vmem>>, vector<16x8xf32>
    %dot_general3A_185 = arith.constant dense<0.000000e+00> : vector<64x8xf32>
    %dot_general3A_186 = tpu.matmul %max3A_181, %get3A_184, %dot_general3A_185 {dimension_numbers = #tpu.dot_dimension_numbers<[1], [0], [0], [1], [0, 0, 1, 1], [], []>, precision = #tpu.contract_precision<fp32>, transpose_lhs_hint = false} : vector<64x16xf32>, vector<16x8xf32>, vector<64x8xf32> -> vector<64x8xf32>
    %get3A_187 = arith.constant 0 : index
    %get3A_188 = arith.constant 0 : index
    %get3A_189 = vector.load %arg23[%get3A_187, %get3A_188] : memref<1x8xf32, #tpu.memory_space<vmem>>, vector<1x8xf32>
    %add3A_190 = vector.broadcast %get3A_189 : vector<1x8xf32> to vector<64x8xf32>
    %add3A_191 = arith.addf %dot_general3A_186, %add3A_190 : vector<64x8xf32>
    %mul3A_192 = arith.mulf %add3A_191, %add3A_191 : vector<64x8xf32>
    %reduce_sum3A_193 = arith.constant dense<0.000000e+00> : vector<64xf32>
    %reduce_sum3A_194 = vector.multi_reduction <add>, %mul3A_192, %reduce_sum3A_193 [1] : vector<64x8xf32> to vector<64xf32>
    %broadcast_in_dim3A_195 = vector.shape_cast %reduce_sum3A_194 : vector<64xf32> to vector<64x1xf32>
    %sqrt3A_196 = math.sqrt %broadcast_in_dim3A_195 : vector<64x1xf32>
    %max3A_197 = arith.constant 9.99999996E-13 : f32
    %max3A_198 = vector.broadcast %max3A_197 : f32 to vector<64x1xf32>
    %max3A_199 = arith.maximumf %sqrt3A_196, %max3A_198 : vector<64x1xf32>
    %div3A_200 = vector.broadcast %max3A_199 : vector<64x1xf32> to vector<64x8xf32>
    %div3A_201 = arith.divf %add3A_191, %div3A_200 : vector<64x8xf32>
    %swap3A_202 = arith.constant 0 : index
    %swap3A_203 = arith.constant 0 : index
    %swap3A_204 = vector.load %arg30[%swap3A_202, %swap3A_203] : memref<64x8xf32, #tpu.memory_space<vmem>>, vector<64x8xf32>
    tpu.vector_store %arg30[%swap3A_202, %swap3A_203], %div3A_201 {strides = array<i32>} : memref<64x8xf32, #tpu.memory_space<vmem>>, vector<64x8xf32>,
    %get3A_205 = arith.constant 0 : index
    %get3A_206 = arith.constant 0 : index
    %get3A_207 = vector.load %arg24[%get3A_205, %get3A_206] : memref<64x64xf32, #tpu.memory_space<vmem>>, vector<64x64xf32>
    %dot_general3A_208 = arith.constant dense<0.000000e+00> : vector<64x64xf32>
    %dot_general3A_209 = tpu.matmul %dot_general3A_99, %get3A_207, %dot_general3A_208 {dimension_numbers = #tpu.dot_dimension_numbers<[1], [0], [0], [1], [0, 0, 1, 1], [], []>, precision = #tpu.contract_precision<fp32>, transpose_lhs_hint = false} : vector<64x64xf32>, vector<64x64xf32>, vector<64x64xf32> -> vector<64x64xf32>
    %get3A_210 = arith.constant 0 : index
    %get3A_211 = arith.constant 0 : index
    %get3A_212 = vector.load %arg25[%get3A_210, %get3A_211] : memref<1x64xf32, #tpu.memory_space<vmem>>, vector<1x64xf32>
    %add3A_213 = vector.broadcast %get3A_212 : vector<1x64xf32> to vector<64x64xf32>
    %add3A_214 = arith.addf %dot_general3A_209, %add3A_213 : vector<64x64xf32>
    %max3A_215 = arith.constant 0.000000e+00 : f32
    %max3A_216 = vector.broadcast %max3A_215 : f32 to vector<64x64xf32>
    %max3A_217 = arith.maximumf %add3A_214, %max3A_216 : vector<64x64xf32>
    %get3A_218 = arith.constant 0 : index
    %get3A_219 = arith.constant 0 : index
    %get3A_220 = vector.load %arg26[%get3A_218, %get3A_219] : memref<64x32xf32, #tpu.memory_space<vmem>>, vector<64x32xf32>
    %dot_general3A_221 = arith.constant dense<0.000000e+00> : vector<64x32xf32>
    %dot_general3A_222 = tpu.matmul %max3A_217, %get3A_220, %dot_general3A_221 {dimension_numbers = #tpu.dot_dimension_numbers<[1], [0], [0], [1], [0, 0, 1, 1], [], []>, precision = #tpu.contract_precision<fp32>, transpose_lhs_hint = false} : vector<64x64xf32>, vector<64x32xf32>, vector<64x32xf32> -> vector<64x32xf32>
    %get3A_223 = arith.constant 0 : index
    %get3A_224 = arith.constant 0 : index
    %get3A_225 = vector.load %arg27[%get3A_223, %get3A_224] : memref<1x32xf32, #tpu.memory_space<vmem>>, vector<1x32xf32>
    %add3A_226 = vector.broadcast %get3A_225 : vector<1x32xf32> to vector<64x32xf32>
    %add3A_227 = arith.addf %dot_general3A_222, %add3A_226 : vector<64x32xf32>
    %mul3A_228 = arith.mulf %add3A_227, %add3A_227 : vector<64x32xf32>
    %reduce_sum3A_229 = arith.constant dense<0.000000e+00> : vector<64xf32>
    %reduce_sum3A_230 = vector.multi_reduction <add>, %mul3A_228, %reduce_sum3A_229 [1] : vector<64x32xf32> to vector<64xf32>
    %broadcast_in_dim3A_231 = vector.shape_cast %reduce_sum3A_230 : vector<64xf32> to vector<64x1xf32>
    %sqrt3A_232 = math.sqrt %broadcast_in_dim3A_231 : vector<64x1xf32>
    %max3A_233 = arith.constant 9.99999996E-13 : f32
    %max3A_234 = vector.broadcast %max3A_233 : f32 to vector<64x1xf32>
    %max3A_235 = arith.maximumf %sqrt3A_232, %max3A_234 : vector<64x1xf32>
    %div3A_236 = vector.broadcast %max3A_235 : vector<64x1xf32> to vector<64x32xf32>
    %div3A_237 = arith.divf %add3A_227, %div3A_236 : vector<64x32xf32>
    %swap3A_238 = arith.constant 0 : index
    %swap3A_239 = arith.constant 0 : index
    %swap3A_240 = vector.load %arg31[%swap3A_238, %swap3A_239] : memref<64x32xf32, #tpu.memory_space<vmem>>, vector<64x32xf32>
    tpu.vector_store %arg31[%swap3A_238, %swap3A_239], %div3A_237 {strides = array<i32>} : memref<64x32xf32, #tpu.memory_space<vmem>>, vector<64x32xf32>,
    return
  }
}

</mosaic_0001>

<sc_bundles>
// kernel: kernel.12.cloned.1.call-start
scs
__scs_entry_jumppad:
0x0: {  	(pc) =	sbr.rel $0x88, $3  }
0x1: {  	(tag) =	ssettag $0x0;
	lr =	simm.s32 $0x1  }
0x2: {  	[smem:$0x3F76] =	sst lr;
	_ =	strace $0xD0000000  }
0x3: {  	_ = 	snop  }
0x4: {  	_ = 	snop  }
0x5: {  	_ = 	snop  }
0x6: {  	_ = 	snop  }
0x7: {  	_ = 	snop  }
__scs_overlays_trampoline_lowered:
0x8: {  	[smem:$0x3F85] =	sst s0  }
0x9: {  	[smem:$0x3F86] =	sst s1  }
0xa: {  	[smem:$0x3F87] =	sst s2  }
0xb: {  	[smem:$0x3F88] =	sst s3  }
0xc: {  	[smem:$0x3F89] =	sst s4  }
0xd: {  	[smem:$0x3F8A] =	sst s5  }
0xe: {  	[smem:$0x3F8B] =	sst s6  }
0xf: {  	[smem:$0x3F8C] =	sst s7  }
0x10: {  	[smem:$0x3F8D] =	sst s8  }
0x11: {  	[smem:$0x3F8E] =	sst s9;
	s0 =	simm.s32 @!p0 $0x0  }
0x12: {  	s1 =	sld [smem:$0x3F74];
	s0 =	simm.s32 @p0 $0x1  }
0x13: {  	[smem:$0x3F8F] =	sst s0;
	s0 =	simm.s32 @!p1 $0x0  }
0x14: {  	s2 =	sld [smem:$0x3F73];
	s0 =	simm.s32 @p1 $0x1  }
0x15: {  	[smem:$0x3F90] =	sst s0;
	s0 =	simm.s32 @!p2 $0x0  }
0x16: {  	s3 =	sld [smem:$0x3FDB];
	s0 =	simm.s32 @p2 $0x1  }
0x17: {  	s4 =	simm.s32 $0x1BF5;
	[smem:$0x3F92] =	sst s0  }
0x18: {  	s0 =	sld [smem:$0x3F75];
	_ =	swait.ge [sflag:s4], $0x0  }
0x19: {  	s7 =	sld [smem:$0x3F76]  }
0x1a: {  	s8 =	sadd.s32 $0xFFFFE003, lr  }
0x1b: {  	s9 =	sadd.s32 $0xFFFFFEF7, lr;
	s5 =	simm.s32 $0xFFFFFFFF;
	p2 =	slt.u32 s8, $0xFFFFF086  }
0x1c: {  	p1 =	slt.u32 s9, $0xF7A;
	s5 =	simm.s32 @!p2 $0x0  }
0x1d: {  	s5 =	simm.s32 @p1 $0x1;
	p0 =	seq.s32 s7, s2  }
0x1e: {  	s7 =	smul.u32 @!p0 $0xF7A, s2;
	p2 =	seq.s32 @!p0 s5, $0x0  }
0x1f: {  	s9 =	smul.u32 $0xF7A, s1;
	s8 =	simm.s32 @!p0 $0x1BF5;
	p2 =	por !p2, p0  }
0x20: {  	[sflag:s8] =	ssyncset.s32 @!p0 $0xFFFFF086;
	s6 =	sadd.s32 @!p0 s3, s7;
	s7 =	simm.s32 @!p0 $0x108  }
0x21: {  	s3 =	sadd.s32 s3, s9;
	s6 =	sadd.s32 @!p0 $0x88, s6;
	s7 =	simm.s32 @p2 $0x1082  }
0x22: {  	[simem:s7], [sflag:s8] =	dma.local @!p0 [hbm:s6], $0xF7A  }
0x23: {  	s9 =	sor.u32 $0xD0000000, s2;
	s6 =	simm.s32 $0x108;
	_ =	swait.ge @!p0 [sflag:s8], $0x0  }
0x24: {  	s3 =	sadd.s32 $0x88, s3;
	s6 =	simm.s32 @!p1 $0x1082;
	[sflag:s4] =	ssyncset.s32 $0xFFFFF086  }
0x25: {  	[simem:s6], [sflag:s4] =	dma.local [hbm:s3], $0xF7A  }
0x26: {  	[smem:$0x3F76] =	sst s1;
	(tag) =	ssettag s2;
	_ =	strace s9  }
0x27: {  	s1 =	sld [smem:$0x3F86]  }
0x28: {  	s2 =	sld [smem:$0x3F87]  }
0x29: {  	s4 =	sld [smem:$0x3F89]  }
0x2a: {  	p0 =	seq.s32 s5, $0x0;
	s5 =	sld [smem:$0x3F8A]  }
0x2b: {  	s6 =	sld [smem:$0x3F8B]  }
0x2c: {  	s7 =	sld [smem:$0x3F8C]  }
0x2d: {  	s3 =	simm.s32 $0x108;
	s8 =	sld [smem:$0x3F8D]  }
0x2e: {  	s3 =	simm.s32 @!p0 $0x1082;
	s9 =	sld [smem:$0x3F8E]  }
0x2f: {  	lr =	sadd.s32 s0, s3;
	s0 =	sld [smem:$0x3F85]  }
0x30: {  	s3 =	sld [smem:$0x3F88]  }
0x31: {  	[smem:$0x3F91] =	sst s10  }
0x32: {  	s10 =	sld [smem:$0x3F8F];
	_ =	sdelay $0x3  }
0x33: {  	p0 =	seq.s32 s10, $0x1;
	s10 =	sld [smem:$0x3F91];
	_ =	sdelay $0x3  }
0x34: {  	[smem:$0x3F91] =	sst s10  }
0x35: {  	s10 =	sld [smem:$0x3F90];
	_ =	sdelay $0x3  }
0x36: {  	p1 =	seq.s32 s10, $0x1;
	s10 =	sld [smem:$0x3F91];
	_ =	sdelay $0x3  }
0x37: {  	[smem:$0x3F91] =	sst s10  }
0x38: {  	s10 =	sld [smem:$0x3F92]  }
0x39: {  	_ = 	snop;
	(pc) =	sbr.ind lr, $3  }
0x3a: {  	_ = 	snop  }
0x3b: {  	_ = 	snop  }
0x3c: {  	p2 =	seq.s32 s10, $0x1;
	s10 =	sld [smem:$0x3F91]  }
0x3d: {  	_ =	shalt  }
0x3e: {  	_ =	shalt  }
0x3f: {  	_ =	shalt  }
0x40: {  	_ =	shalt  }
0x41: {  	_ =	shalt  }
0x42: {  	_ =	shalt  }
0x43: {  	_ =	shalt  }
0x44: {  	_ =	shalt  }
0x45: {  	_ =	shalt  }
0x46: {  	_ =	shalt  }
0x47: {  	_ =	shalt  }
0x48: {  	_ =	shalt  }
0x49: {  	_ =	shalt  }
0x4a: {  	_ =	shalt  }
0x4b: {  	_ =	shalt  }
0x4c: {  	_ =	shalt  }
0x4d: {  	_ =	shalt  }
0x4e: {  	_ =	shalt  }
0x4f: {  	_ =	shalt  }
0x50: {  	_ =	shalt  }
0x51: {  	_ =	shalt  }
0x52: {  	_ =	shalt  }
0x53: {  	_ =	shalt  }
0x54: {  	_ =	shalt  }
0x55: {  	_ =	shalt  }
0x56: {  	_ =	shalt  }
0x57: {  	_ =	shalt  }
0x58: {  	_ =	shalt  }
0x59: {  	_ =	shalt  }
0x5a: {  	_ =	shalt  }
0x5b: {  	_ =	shalt  }
0x5c: {  	_ =	shalt  }
0x5d: {  	_ =	shalt  }
0x5e: {  	_ =	shalt  }
0x5f: {  	_ =	shalt  }
0x60: {  	_ =	shalt  }
0x61: {  	_ =	shalt  }
0x62: {  	_ =	shalt  }
0x63: {  	_ =	shalt  }
0x64: {  	_ =	shalt  }
0x65: {  	_ =	shalt  }
0x66: {  	_ =	shalt  }
0x67: {  	_ =	shalt  }
0x68: {  	_ =	shalt  }
0x69: {  	_ =	shalt  }
0x6a: {  	_ =	shalt  }
0x6b: {  	_ =	shalt  }
0x6c: {  	_ =	shalt  }
0x6d: {  	_ =	shalt  }
0x6e: {  	_ =	shalt  }
0x6f: {  	_ =	shalt  }
0x70: {  	_ =	shalt  }
0x71: {  	_ =	shalt  }
0x72: {  	_ =	shalt  }
0x73: {  	_ =	shalt  }
0x74: {  	_ =	shalt  }
0x75: {  	_ =	shalt  }
0x76: {  	_ =	shalt  }
0x77: {  	_ =	shalt  }
0x78: {  	_ =	shalt  }
0x79: {  	_ =	shalt  }
0x7a: {  	_ =	shalt  }
0x7b: {  	_ =	shalt  }
0x7c: {  	_ =	shalt  }
0x7d: {  	_ =	shalt  }
0x7e: {  	_ =	shalt  }
0x7f: {  	_ =	shalt  }
0x80: {  	_ =	shalt  }
0x81: {  	_ =	shalt  }
0x82: {  	_ =	shalt  }
0x83: {  	_ =	shalt  }
0x84: {  	_ =	shalt  }
0x85: {  	_ =	shalt  }
0x86: {  	_ =	shalt  }
0x87: {  	_ =	shalt  }
.Lfunc_end0:
.L_simem_size_0:
called_computation.1_lowered:
.L_overlay_start_0:
0x88: {  	s2 =	sld [smem:$0x3FD9]  }
0x89: {  	s3 =	sld [smem:$0x3FFE];
	_ =	sdelay $0x1  }
0x8a: {  	s1 =	srdreg.scid  }
0x8b: {  	s0 =	sand.u32 $0x1, s1  }
0x8c: {  	s16 =	sshll.u32 s0, $0xA;
	s2 =	sadd.s32 s3, s2  }
0x8d: {  	s2 =	sadd.s32 s2, s16  }
0x8e: {  	[smem:$0x3F9D] =	sst s2  }
0x8f: {  	_ = 	snop  }
0x90: {  	(tm) =	ssettm $0x1  }
0x91: {  	s17 =	sld [smem:$0x3FFB];
	_ =	sdelay $0x3  }
0x92: {  	_ =	strace s17  }
0x93: {  	s2 =	sld [smem:$0x3FFC];
	_ =	sdelay $0x3  }
0x94: {  	_ =	strace s2  }
0x95: {  	s2 =	sld [smem:$0x3FFD];
	_ =	sdelay $0x3  }
0x96: {  	_ =	strace s2  }
0x97: {  	_ =	strace $0x8FFFFFFF  }
0x98: {  	s18 =	sld [smem:$0x3FDB];
	_ =	sdelay $0x1  }
0x99: {  	s19 =	simm.s32 $_scs_section_size  }
0x9a: {  	s4 =	simm.s32 $_size__tile_overlayer_lowered;
	s5 =	simm.s32 $_tile_overlayer_lowered  }
0x9b: {  	s22 =	simm.s32 $0x1BFF;
	s21 =	sshll.u32 s5, $0x1;
	s2 =	sadd.s32 s19, s18  }
0x9c: {  	s6 =	simm.s32 $0x0;
	s20 =	sshll.u32 s4, $0x1;
	s4 =	sadd.s32 s21, s2  }
0x9d: {  	[timem:s6], [sflag:s22] =	dma.local [hbm:s4], s20  }
0x9e: {  	_ =	swait.ge [sflag:s22], s20  }
0x9f: {  	s3 =	ssub.s32 $0x0, s20;
	[sflag:s22] =	ssyncset.done $0x0  }
0xa0: {  	[sflag:s22] =	ssyncadd.s32 s3;
	_ =	sdelay $0x1  }
0xa1: {  	s23 =	simm.s32 $0x1B8B  }
0xa2: {  	_ =	swait.ge [sflag:s23], $0x1  }
0xa3: {  	[sflag:s23] =	ssyncset.done $0x0  }
0xa4: {  	s25 =	simm.s32 $0x1B8E;
	s24 =	sld [smem:$0x3FFE];
	[sflag:s23] =	ssyncadd.s32 $0xFFFFFFFF  }
0xa5: {  	s26 =	simm.s32 $execute0_lowered;
	[smem:$0x3FD2] =	sst s25  }
0xa6: {  	s4 =	sshll.u32 s26, $0x1;
	_ =	strace $0x80000049;
	[dreg:$0x1] =	wrdreg $0xFFFFFFFF  }
0xa7: {  	s28 =	simm.s32 $_size_execute0_lowered;
	s2 =	sadd.s32 s2, s4;
	[dreg:$0x0] =	wrdreg $0x0  }
0xa8: {  	s4 =	sshll.u32 s28, $0x1;
	[dreg:$0x2] =	wrdreg s2  }
0xa9: {  	[dreg:$0x3] =	wrdreg s4  }
0xaa: {  	[dreg:$0x4] =	wrdreg $0xC0  }
0xab: {  	_ =	task [dreg:s6], $0x5FFFF  }
0xac: {  	[dreg:$0x1] =	wrdreg $0xFFFFFFFF  }
0xad: {  	[dreg:$0x0] =	wrdreg $0x60  }
0xae: {  	[dreg:$0x2] =	wrdreg s24  }
0xaf: {  	[dreg:$0x3] =	wrdreg $0xA0000  }
0xb0: {  	[dreg:$0x4] =	wrdreg $0x140000  }
0xb1: {  	[dreg:$0x5] =	wrdreg $0x9  }
0xb2: {  	_ =	task.clear_ibuf [dreg:s6], $0x6FFFF;
	_ =	strace $0x90000049  }
0xb3: {  	s29 =	simm.s32 $0x9;
	_ =	strace $0x8000004B  }
0xb4: {  	_ =	swait.ge [sflag:s29], $0x1  }
0xb5: {  	[sflag:s29] =	ssyncadd.s32 $0xFFFFFFFF  }
0xb6: {  	_ =	strace $0x9000004B  }
0xb7: {  	_ =	sfence  }
0xb8: {  	s30 =	sld [smem:$0x0];
	_ =	sdelay $0x2  }
0xb9: {  	s31 =	sshll.u32 s1, $0xD;
	s1 =	sshrl.u32 s1, $0x2  }
0xba: {  	s3 =	sand.u32 $0x4000, s31;
	s1 =	sadd.s32 s1, s30  }
0xbb: {  	s0 =	sor.u32 s3, s0;
	s1 =	sshll.u32 s1, $0x11  }
0xbc: {  	s0 =	sor.u32 s1, s0  }
0xbd: {  	s0 =	sadd.s32 $0x8F2B, s0  }
0xbe: {  	[sflag:s0] =	ssyncadd.remote.s32 $0x1  }
0xbf: {  	_ =	sfence.sel $0xFFFF  }
0xc0: {  	[dreg:$0x0] =	wrdreg $0xFFFFFFFF;
	(pc) =	sbr.abs _section_cstart, $3  }
0xc1: {  	[dreg:$0x1] =	wrdreg $0xFFFFFFFF  }
0xc2: {  	_ =	task.clear_ibuf [dreg:s6], $0x2FFFF;
	_ =	strace $0x9FFFFFFF  }
0xc3: {  	(tm) =	ssettm $0x7FFFFFFF  }
tec
execute0_lowered:
.L_overlay_start_1:
0x0: {  	(tag) =	ssettag $0x1  }
0x1: {  	s0 =	rddreg [dreg:$0x0]  }
0x2: {  	s2 =	rddreg [dreg:$0x1]  }
0x3: {  	s3 =	rddreg [dreg:$0x2]  }
0x4: {  	s13 =	stileid.u32;
	s5 =	srdreg.scid;
	s4 =	simm.s32 $0x0  }
0x5: {  	s17 =	simm.s32 $0x1;
	s28 =	simm.s32 $0x8000;
	s29 =	simm.s32 $0x3  }
0x6: {  	s30 =	simm.s32 $0x4;
	s31 =	simm.s32 $0x5;
	s1 =	smul.u32 $0x9C40, s13  }
0x7: {  	s7 =	sand.u32 $0x1, s5;
	s8 =	smul.u32 $0xA000, s13;
	[smem:$0x7FF] =	sst s4  }
0x8: {  	s5 =	sadd.s32 $0x1AC00, s0;
	s6 =	sadd.s32 $0x6C00, s0;
	s12 =	sadd.s32 $0x42600, s0  }
0x9: {  	s21 =	sshll.u32 s13, $0x1;
	s22 =	sshll.u32 s13, $0x6;
	s13 =	simm.s32 $0x1F80  }
0xa: {  	s9 =	smul.u32 $0xA0000, s7;
	_ =	strace $0x8000004A;
	s11 =	ssub.s32 $0x2, s7  }
0xb: {  	[dreg:$0x4] =	wrdreg s12;
	s7 =	sor.u32 s7, s21;
	s23 =	sor.u32 $0x1C01, s22  }
0xc: {  	[dreg:$0x5] =	wrdreg s22;
	s25 =	sor.u32 $0x1C02, s22;
	s21 =	simm.s32 $0x80  }
0xd: {  	s22 =	simm.s32 $0x2000;
	s12 =	simm.s32 $0x1F00;
	s18 =	sshrl.u32 s1, $0x3  }
0xe: {  	s19 =	sshrl.u32 s11, $0x1;
	[dreg:$0x6] =	wrdreg s23;
	s1 =	sadd.s32 s1, s3  }
0xf: {  	[dreg:$0xb] =	wrdreg s25;
	s23 =	simm.s32 $0x4000;
	s25 =	simm.s32 $0x6000  }
0x10: {  	s10 =	sadd.s32 s18, s0;
	s9 =	sadd.s32 s8, s9;
	s20 =	ssub.s32 s11, s19  }
0x11: {  	s8 =	sadd.s32 s8, s2;
	s11 =	smul.u32 $0x5000, s7;
	s26 =	sshrl.u32 s1, $0x3  }
0x12: {  	s18 =	simm.s32 $0x2;
	s19 =	simm.s32 $0x9;
	s1 =	simm.s32 $0x7  }
0x13: {  	s7 =	simm.s32 $0x8;
	s9 =	sshrl.u32 s9, $0x3;
	s10 =	sadd.s32 $0x2EC00, s10  }
0x14: {  	s24 =	smax.u32 s20, $0x1;
	s15 =	sshrl.u32 s8, $0x3;
	[dreg:$0xc] =	wrdreg s26  }
0x15: {  	s20 =	simm.s32 $0x1000;
	s26 =	simm.s32 $0x180;
	[dreg:$0x7] =	wrdreg s10  }
0x16: {  	s0 =	sadd.s32 s9, s0;
	[dreg:$0x9] =	wrdreg s24;
	s24 =	simm.s32 $0x100  }
0x17: {  	s9 =	simm.s32 $0x1E00;
	[dreg:$0xa] =	wrdreg s15;
	s0 =	sadd.s32 $0x6AC00, s0  }
0x18: {  	s10 =	simm.s32 $0x1E80;
	[dreg:$0x8] =	wrdreg s0;
	s0 =	simm.s32 $0x6  }
.LBB2_1:
0x19: {  	s8 =	rddreg [dreg:$0x4]  }
0x1a: {  	s14 =	rddreg [dreg:$0x6]  }
0x1b: {  	[spmem:s15], [sflag:s14] =	dma.local [hbm:s8], $0x1400  }
0x1c: {  	s8 =	rddreg [dreg:$0x7]  }
0x1d: {  	s14 =	rddreg [dreg:$0xb]  }
0x1e: {  	s15 =	rddreg [dreg:$0xc]  }
0x1f: {  	[spmem:s15], [sflag:s14] =	dma.local [hbm:s8], $0x1388  }
0x20: {  	_ =	swait.ge [sflag:s17], $0x1400  }
0x21: {  	[sflag:s17] =	ssyncset.done $0x0  }
0x22: {  	[sflag:s17] =	ssyncadd.s32 $0xFFFFEC00  }
0x23: {  	_ =	swait.ge [sflag:s18], $0x1388  }
0x24: {  	[sflag:s18] =	ssyncset.done $0x0  }
0x25: {  	[sflag:s18] =	ssyncadd.s32 $0xFFFFEC78  }
0x26: {  	s15 =	simm.s32 $0x0;
	[bflag:$0x0] =	sbarrier.arrive $0xFFFF  }
.LBB2_2:
0x27: {  	s8 =	sshll.u32 s15, $0xC  }
0x28: {  	s8 =	sadd.s32 s11, s8  }
0x29: {  	s8 =	sshrl.u32 s8, $0x3  }
0x2a: {  	s14 =	simm.s32 $0x0;
	s16 =	sadd.s32 s5, s8  }
0x2b: {  	[tilespmem:s14], [sflag:$0x9] =	stream.linear.gather [hbm4b:s16+s14], $0x1000, $0x38;
	[tilespmem:$0x1DC40] =	vst v63  }
0x2c: {  	_ =	swait.ge [sflag:s19], $0x1000  }
0x2d: {  	[sflag:s19] =	ssyncset.done $0x0  }
0x2e: {  	s8 =	sadd.s32 s6, s8;
	[sflag:s19] =	ssyncadd.s32 $0xFFFFF000  }
0x2f: {  	[tilespmem:s20], [sflag:$0x9] =	stream.linear.gather [hbm4b:s8+s14], $0x1000, $0x38;
	[tilespmem:$0x1DC40] =	vst v63  }
0x30: {  	_ =	swait.ge [sflag:s19], $0x1000  }
0x31: {  	[sflag:s19] =	ssyncset.done $0x0  }
0x32: {  	[sflag:s19] =	ssyncadd.s32 $0xFFFFF000  }
0x33: {  	[tilespmem:s22], [sflag:$0x1] =	stream.indirect.gather [spmem:s3], $0x40, s14, s21, $0xb8;
	[tilespmem:$0x1DC40] =	vst v63  }
0x34: {  	_ = 	snop  }
0x35: {  	[tilespmem:s23], [sflag:$0x2] =	stream.indirect.gather [spmem:s3], $0x40, s21, s21, $0xb8;
	[tilespmem:$0x1DC40] =	vst v63  }
0x36: {  	_ = 	snop  }
0x37: {  	[tilespmem:s25], [sflag:$0x3] =	stream.indirect.gather [spmem:s3], $0x40, s24, s21, $0xb8;
	[tilespmem:$0x1DC40] =	vst v63  }
0x38: {  	_ = 	snop  }
0x39: {  	[tilespmem:s28], [sflag:$0x4] =	stream.indirect.gather [spmem:s3], $0x40, s26, s21, $0xb8;
	[tilespmem:$0x1DC40] =	vst v63  }
0x3a: {  	_ =	swait.ge [sflag:s17], $0x2000  }
0x3b: {  	[sflag:s17] =	ssyncset.done $0x0  }
0x3c: {  	s16 =	simm.s32 $0x1000;
	[sflag:s17] =	ssyncadd.s32 $0xFFFFE000  }
0x3d: {  	[spmem:s2] =	stream.indirect.scatter.add.f32 [tilespmem:s22], [sflag:$0x5], $0x40, s16, s21, $0xb8;
	[tilespmem:$0x1DC40] =	vst v63  }
0x3e: {  	_ =	swait.ge [sflag:s18], $0x2000  }
0x3f: {  	[sflag:s18] =	ssyncset.done $0x0  }
0x40: {  	s14 =	simm.s32 $0x1080;
	[sflag:s18] =	ssyncadd.s32 $0xFFFFE000  }
0x41: {  	[spmem:s2] =	stream.indirect.scatter.add.f32 [tilespmem:s23], [sflag:$0x6], $0x40, s14, s21, $0xb8;
	[tilespmem:$0x1DC40] =	vst v63  }
0x42: {  	_ =	swait.ge [sflag:s29], $0x2000  }
0x43: {  	[sflag:s29] =	ssyncset.done $0x0  }
0x44: {  	s16 =	simm.s32 $0x1100;
	[sflag:s29] =	ssyncadd.s32 $0xFFFFE000  }
0x45: {  	[spmem:s2] =	stream.indirect.scatter.add.f32 [tilespmem:s25], [sflag:$0x7], $0x40, s16, s21, $0xb8;
	[tilespmem:$0x1DC40] =	vst v63  }
0x46: {  	_ =	swait.ge [sflag:s30], $0x2000  }
0x47: {  	[sflag:s30] =	ssyncset.done $0x0  }
0x48: {  	s14 =	simm.s32 $0x1180;
	[sflag:s30] =	ssyncadd.s32 $0xFFFFE000  }
0x49: {  	[spmem:s2] =	stream.indirect.scatter.add.f32 [tilespmem:s28], [sflag:$0x8], $0x40, s14, s21, $0xb8;
	[tilespmem:$0x1DC40] =	vst v63  }
0x4a: {  	_ =	swait.ge [sflag:s31], $0x2000  }
0x4b: {  	[sflag:s31] =	ssyncset.done $0x0  }
0x4c: {  	s16 =	simm.s32 $0x200;
	[sflag:s31] =	ssyncadd.s32 $0xFFFFE000  }
0x4d: {  	[tilespmem:s22], [sflag:$0x1] =	stream.indirect.gather [spmem:s3], $0x40, s16, s21, $0xb8;
	[tilespmem:$0x1DC40] =	vst v63  }
0x4e: {  	_ =	swait.ge [sflag:s0], $0x2000  }
0x4f: {  	[sflag:s0] =	ssyncset.done $0x0  }
0x50: {  	s14 =	simm.s32 $0x280;
	[sflag:s0] =	ssyncadd.s32 $0xFFFFE000  }
0x51: {  	[tilespmem:s23], [sflag:$0x2] =	stream.indirect.gather [spmem:s3], $0x40, s14, s21, $0xb8;
	[tilespmem:$0x1DC40] =	vst v63  }
0x52: {  	_ =	swait.ge [sflag:s1], $0x2000  }
0x53: {  	[sflag:s1] =	ssyncset.done $0x0  }
0x54: {  	s16 =	simm.s32 $0x300;
	[sflag:s1] =	ssyncadd.s32 $0xFFFFE000  }
0x55: {  	[tilespmem:s25], [sflag:$0x3] =	stream.indirect.gather [spmem:s3], $0x40, s16, s21, $0xb8;
	[tilespmem:$0x1DC40] =	vst v63  }
0x56: {  	_ =	swait.ge [sflag:s7], $0x2000  }
0x57: {  	[sflag:s7] =	ssyncset.done $0x0  }
0x58: {  	s8 =	simm.s32 $0x380;
	s16 =	simm.s32 $0x800;
	[sflag:s7] =	ssyncadd.s32 $0xFFFFE000  }
.LBB2_3:
0x59: {  	[tilespmem:s28], [sflag:$0x4] =	stream.indirect.gather [spmem:s3], $0x40, s8, s21, $0xb8;
	[tilespmem:$0x1DC40] =	vst v63  }
0x5a: {  	s8 =	smov.u32 s16  }
0x5b: {  	p0 =	sne.s32 s16, $0x3000;
	s16 =	sadd.s32 $0x800, s16;
	_ =	swait.ge [sflag:s17], $0x2000  }
0x5c: {  	s8 =	sshra.s32 s8, $0x2;
	[sflag:s17] =	ssyncset.done $0x0  }
0x5d: {  	s14 =	sadd.s32 $0x1000, s8;
	[sflag:s17] =	ssyncadd.s32 $0xFFFFE000  }
0x5e: {  	[spmem:s2] =	stream.indirect.scatter.add.f32 [tilespmem:s22], [sflag:$0x5], $0x40, s14, s21, $0xb8;
	[tilespmem:$0x1DC40] =	vst v63  }
0x5f: {  	_ =	swait.ge [sflag:s18], $0x2000  }
0x60: {  	[sflag:s18] =	ssyncset.done $0x0  }
0x61: {  	s14 =	sadd.s32 $0x1080, s8;
	[sflag:s18] =	ssyncadd.s32 $0xFFFFE000  }
0x62: {  	[spmem:s2] =	stream.indirect.scatter.add.f32 [tilespmem:s23], [sflag:$0x6], $0x40, s14, s21, $0xb8;
	[tilespmem:$0x1DC40] =	vst v63  }
0x63: {  	_ =	swait.ge [sflag:s29], $0x2000  }
0x64: {  	[sflag:s29] =	ssyncset.done $0x0  }
0x65: {  	s14 =	sadd.s32 $0x1100, s8;
	[sflag:s29] =	ssyncadd.s32 $0xFFFFE000  }
0x66: {  	[spmem:s2] =	stream.indirect.scatter.add.f32 [tilespmem:s25], [sflag:$0x7], $0x40, s14, s21, $0xb8;
	[tilespmem:$0x1DC40] =	vst v63  }
0x67: {  	_ =	swait.ge [sflag:s30], $0x2000  }
0x68: {  	[sflag:s30] =	ssyncset.done $0x0  }
0x69: {  	s14 =	sadd.s32 $0x1180, s8;
	[sflag:s30] =	ssyncadd.s32 $0xFFFFE000  }
0x6a: {  	[spmem:s2] =	stream.indirect.scatter.add.f32 [tilespmem:s28], [sflag:$0x8], $0x40, s14, s21, $0xb8;
	[tilespmem:$0x1DC40] =	vst v63  }
0x6b: {  	_ =	swait.ge [sflag:s31], $0x2000  }
0x6c: {  	[sflag:s31] =	ssyncset.done $0x0  }
0x6d: {  	s14 =	sadd.s32 $0x200, s8;
	[sflag:s31] =	ssyncadd.s32 $0xFFFFE000  }
0x6e: {  	[tilespmem:s22], [sflag:$0x1] =	stream.indirect.gather [spmem:s3], $0x40, s14, s21, $0xb8;
	[tilespmem:$0x1DC40] =	vst v63  }
0x6f: {  	_ =	swait.ge [sflag:s0], $0x2000  }
0x70: {  	[sflag:s0] =	ssyncset.done $0x0  }
0x71: {  	s14 =	sadd.s32 $0x280, s8;
	[sflag:s0] =	ssyncadd.s32 $0xFFFFE000  }
0x72: {  	[tilespmem:s23], [sflag:$0x2] =	stream.indirect.gather [spmem:s3], $0x40, s14, s21, $0xb8;
	[tilespmem:$0x1DC40] =	vst v63  }
0x73: {  	_ =	swait.ge [sflag:s1], $0x2000  }
0x74: {  	[sflag:s1] =	ssyncset.done $0x0  }
.Ltmp0:
0x75: {  	s14 =	sadd.s32 $0x300, s8;
	[sflag:s1] =	ssyncadd.s32 $0xFFFFE000;
	(pc) =	sbr.rel @p0 .LBB2_3-.Ltmp0, $4  }
0x76: {  	[tilespmem:s25], [sflag:$0x3] =	stream.indirect.gather [spmem:s3], $0x40, s14, s21, $0xb8;
	[tilespmem:$0x1DC40] =	vst v63  }
0x77: {  	_ =	swait.ge [sflag:s7], $0x2000  }
0x78: {  	[sflag:s7] =	ssyncset.done $0x0  }
0x79: {  	s8 =	sadd.s32 $0x380, s8;
	[sflag:s7] =	ssyncadd.s32 $0xFFFFE000  }
0x7a: {  	[tilespmem:s28], [sflag:$0x4] =	stream.indirect.gather [spmem:s3], $0x40, s8, s21, $0xb8;
	[tilespmem:$0x1DC40] =	vst v63  }
0x7b: {  	_ =	swait.ge [sflag:s17], $0x2000  }
0x7c: {  	[sflag:s17] =	ssyncset.done $0x0  }
0x7d: {  	[sflag:s17] =	ssyncadd.s32 $0xFFFFE000  }
0x7e: {  	[spmem:s2] =	stream.indirect.scatter.add.f32 [tilespmem:s22], [sflag:$0x5], $0x40, s9, s21, $0xb8;
	[tilespmem:$0x1DC40] =	vst v63  }
0x7f: {  	_ =	swait.ge [sflag:s18], $0x2000  }
0x80: {  	[sflag:s18] =	ssyncset.done $0x0  }
0x81: {  	[sflag:s18] =	ssyncadd.s32 $0xFFFFE000  }
0x82: {  	[spmem:s2] =	stream.indirect.scatter.add.f32 [tilespmem:s23], [sflag:$0x6], $0x40, s10, s21, $0xb8;
	[tilespmem:$0x1DC40] =	vst v63  }
0x83: {  	_ =	swait.ge [sflag:s29], $0x2000  }
0x84: {  	[sflag:s29] =	ssyncset.done $0x0  }
0x85: {  	[sflag:s29] =	ssyncadd.s32 $0xFFFFE000  }
0x86: {  	[spmem:s2] =	stream.indirect.scatter.add.f32 [tilespmem:s25], [sflag:$0x7], $0x40, s12, s21, $0xb8;
	[tilespmem:$0x1DC40] =	vst v63  }
0x87: {  	_ =	swait.ge [sflag:s30], $0x2000  }
0x88: {  	[sflag:s30] =	ssyncset.done $0x0  }
0x89: {  	[sflag:s30] =	ssyncadd.s32 $0xFFFFE000  }
0x8a: {  	[spmem:s2] =	stream.indirect.scatter.add.f32 [tilespmem:s28], [sflag:$0x8], $0x40, s13, s21, $0xb8;
	[tilespmem:$0x1DC40] =	vst v63  }
0x8b: {  	_ =	swait.ge [sflag:s31], $0x2000  }
0x8c: {  	[sflag:s31] =	ssyncset.done $0x0  }
0x8d: {  	[sflag:s31] =	ssyncadd.s32 $0xFFFFE000  }
0x8e: {  	_ =	swait.ge [sflag:s0], $0x2000  }
0x8f: {  	[sflag:s0] =	ssyncset.done $0x0  }
0x90: {  	s15 =	sadd.s32 $0x1, s15;
	[sflag:s0] =	ssyncadd.s32 $0xFFFFE000  }
0x91: {  	p0 =	sne.s32 s15, $0x5;
	_ =	swait.ge [sflag:s1], $0x2000  }
.Ltmp1:
0x92: {  	[sflag:s1] =	ssyncset.done $0x0;
	(pc) =	sbr.rel @p0 .LBB2_2-.Ltmp1, $4  }
0x93: {  	[sflag:s1] =	ssyncadd.s32 $0xFFFFE000  }
0x94: {  	_ =	swait.ge [sflag:s7], $0x2000  }
0x95: {  	[sflag:s7] =	ssyncset.done $0x0  }
0x96: {  	[sflag:s7] =	ssyncadd.s32 $0xFFFFE000  }
0x97: {  	[bflag:$0x0] =	sbarrier.arrive $0xFFFF  }
0x98: {  	s8 =	rddreg [dreg:$0x5]  }
0x99: {  	s14 =	rddreg [dreg:$0x8]  }
0x9a: {  	s15 =	rddreg [dreg:$0xa];
	s8 =	sor.u32 $0x1C09, s8  }
0x9b: {  	[hbm:s14], [sflag:s8] =	dma.local [spmem:s15], $0x1400  }
0x9c: {  	_ =	swait.ge [sflag:s19], $0x1400  }
0x9d: {  	s4 =	sadd.s32 $0x1, s4;
	s16 =	rddreg [dreg:$0x9]  }
0x9e: {  	p0 =	sne.s32 s4, s16  }
.Ltmp2:
0x9f: {  	_ = 	snop;
	(pc) =	sbr.rel @p0 .LBB2_1-.Ltmp2, $3  }
0xa0: {  	_ =	sdelay $0x1  }
0xa1: {  	[sflag:s19] =	ssyncset.done $0x0  }
0xa2: {  	[sflag:s19] =	ssyncadd.s32 $0xFFFFEC00  }
0xa3: {  	_ =	sfence.sel $0x180000  }
0xa4: {  	[bflag:$0x0] =	sbarrier.arrive $0xFFFF  }
0xa5: {  	_ =	strace $0x9000004A  }
0xa6: {  	s0 =	stileid.u32;
	[bflag:$0x2] =	sbarrier.arrive $0xFFFF  }
0xa7: {  	p0 =	sne.s32 s0, $0x0;
	s0 =	rddreg [dreg:$0x3]  }
0xa8: {  	s0 =	sadd.s32 @!p0 $0x100000, s0  }
0xa9: {  	[sflag:s0] =	ssyncadd.tile.s32 @!p0 $0x1;
	_ =	shalt  }
.Lfunc_end2:
_tile_overlayer_lowered:
.L_overlay_start_2:
0xaa: {  	(tag) =	ssettag $0x2  }
0xab: {  	s0 =	rddreg [dreg:$0x0];
	s2 =	stileid.u32  }
0xac: {  	s1 =	rddreg [dreg:$0x1];
	p0 =	sne.s32 s2, $0x0  }
0xad: {  	s3 =	rddreg [dreg:$0x2];
	[bflag:$0x3] =	sbarrier.arrive $0xFFFF;
	s2 =	simm.s32 @!p0 $0x1C09  }
0xae: {  	[timem:s3], [sflag:s2] =	dma.local @!p0 [hbm:s0], s1  }
0xaf: {  	s0 =	simm.s32 @!p0 $0x9  }
0xb0: {  	_ =	swait.ge @!p0 [sflag:s0], s1  }
0xb1: {  	s1 =	ssub.s32 @!p0 $0x0, s1;
	[sflag:s0] =	ssyncset.done @!p0 $0x0  }
0xb2: {  	[sflag:s0] =	ssyncadd.s32 @!p0 s1  }
0xb3: {  	[bflag:$0x3] =	sbarrier.arrive $0xFFFF  }
0xb4: {  	_ =	shalt  }

// kernel: kernel.15.cloned.1.call-start
scs
__scs_entry_jumppad:
0x0: {  	(pc) =	sbr.rel $0x88, $3  }
0x1: {  	(tag) =	ssettag $0x0;
	lr =	simm.s32 $0x1  }
0x2: {  	[smem:$0x3F76] =	sst lr;
	_ =	strace $0xD0000000  }
0x3: {  	_ = 	snop  }
0x4: {  	_ = 	snop  }
0x5: {  	_ = 	snop  }
0x6: {  	_ = 	snop  }
0x7: {  	_ = 	snop  }
__scs_overlays_trampoline_lowered:
0x8: {  	[smem:$0x3F85] =	sst s0  }
0x9: {  	[smem:$0x3F86] =	sst s1  }
0xa: {  	[smem:$0x3F87] =	sst s2  }
0xb: {  	[smem:$0x3F88] =	sst s3  }
0xc: {  	[smem:$0x3F89] =	sst s4  }
0xd: {  	[smem:$0x3F8A] =	sst s5  }
0xe: {  	[smem:$0x3F8B] =	sst s6  }
0xf: {  	[smem:$0x3F8C] =	sst s7  }
0x10: {  	[smem:$0x3F8D] =	sst s8  }
0x11: {  	[smem:$0x3F8E] =	sst s9;
	s0 =	simm.s32 @!p0 $0x0  }
0x12: {  	s1 =	sld [smem:$0x3F74];
	s0 =	simm.s32 @p0 $0x1  }
0x13: {  	[smem:$0x3F8F] =	sst s0;
	s0 =	simm.s32 @!p1 $0x0  }
0x14: {  	s2 =	sld [smem:$0x3F73];
	s0 =	simm.s32 @p1 $0x1  }
0x15: {  	[smem:$0x3F90] =	sst s0;
	s0 =	simm.s32 @!p2 $0x0  }
0x16: {  	s3 =	sld [smem:$0x3FDB];
	s0 =	simm.s32 @p2 $0x1  }
0x17: {  	s4 =	simm.s32 $0x1BF5;
	[smem:$0x3F92] =	sst s0  }
0x18: {  	s0 =	sld [smem:$0x3F75];
	_ =	swait.ge [sflag:s4], $0x0  }
0x19: {  	s7 =	sld [smem:$0x3F76]  }
0x1a: {  	s8 =	sadd.s32 $0xFFFFE003, lr  }
0x1b: {  	s9 =	sadd.s32 $0xFFFFFEF7, lr;
	s5 =	simm.s32 $0xFFFFFFFF;
	p2 =	slt.u32 s8, $0xFFFFF086  }
0x1c: {  	p1 =	slt.u32 s9, $0xF7A;
	s5 =	simm.s32 @!p2 $0x0  }
0x1d: {  	s5 =	simm.s32 @p1 $0x1;
	p0 =	seq.s32 s7, s2  }
0x1e: {  	s7 =	smul.u32 @!p0 $0xF7A, s2;
	p2 =	seq.s32 @!p0 s5, $0x0  }
0x1f: {  	s9 =	smul.u32 $0xF7A, s1;
	s8 =	simm.s32 @!p0 $0x1BF5;
	p2 =	por !p2, p0  }
0x20: {  	[sflag:s8] =	ssyncset.s32 @!p0 $0xFFFFF086;
	s6 =	sadd.s32 @!p0 s3, s7;
	s7 =	simm.s32 @!p0 $0x108  }
0x21: {  	s3 =	sadd.s32 s3, s9;
	s6 =	sadd.s32 @!p0 $0x88, s6;
	s7 =	simm.s32 @p2 $0x1082  }
0x22: {  	[simem:s7], [sflag:s8] =	dma.local @!p0 [hbm:s6], $0xF7A  }
0x23: {  	s9 =	sor.u32 $0xD0000000, s2;
	s6 =	simm.s32 $0x108;
	_ =	swait.ge @!p0 [sflag:s8], $0x0  }
0x24: {  	s3 =	sadd.s32 $0x88, s3;
	s6 =	simm.s32 @!p1 $0x1082;
	[sflag:s4] =	ssyncset.s32 $0xFFFFF086  }
0x25: {  	[simem:s6], [sflag:s4] =	dma.local [hbm:s3], $0xF7A  }
0x26: {  	[smem:$0x3F76] =	sst s1;
	(tag) =	ssettag s2;
	_ =	strace s9  }
0x27: {  	s1 =	sld [smem:$0x3F86]  }
0x28: {  	s2 =	sld [smem:$0x3F87]  }
0x29: {  	s4 =	sld [smem:$0x3F89]  }
0x2a: {  	p0 =	seq.s32 s5, $0x0;
	s5 =	sld [smem:$0x3F8A]  }
0x2b: {  	s6 =	sld [smem:$0x3F8B]  }
0x2c: {  	s7 =	sld [smem:$0x3F8C]  }
0x2d: {  	s3 =	simm.s32 $0x108;
	s8 =	sld [smem:$0x3F8D]  }
0x2e: {  	s3 =	simm.s32 @!p0 $0x1082;
	s9 =	sld [smem:$0x3F8E]  }
0x2f: {  	lr =	sadd.s32 s0, s3;
	s0 =	sld [smem:$0x3F85]  }
0x30: {  	s3 =	sld [smem:$0x3F88]  }
0x31: {  	[smem:$0x3F91] =	sst s10  }
0x32: {  	s10 =	sld [smem:$0x3F8F];
	_ =	sdelay $0x3  }
0x33: {  	p0 =	seq.s32 s10, $0x1;
	s10 =	sld [smem:$0x3F91];
	_ =	sdelay $0x3  }
0x34: {  	[smem:$0x3F91] =	sst s10  }
0x35: {  	s10 =	sld [smem:$0x3F90];
	_ =	sdelay $0x3  }
0x36: {  	p1 =	seq.s32 s10, $0x1;
	s10 =	sld [smem:$0x3F91];
	_ =	sdelay $0x3  }
0x37: {  	[smem:$0x3F91] =	sst s10  }
0x38: {  	s10 =	sld [smem:$0x3F92]  }
0x39: {  	_ = 	snop;
	(pc) =	sbr.ind lr, $3  }
0x3a: {  	_ = 	snop  }
0x3b: {  	_ = 	snop  }
0x3c: {  	p2 =	seq.s32 s10, $0x1;
	s10 =	sld [smem:$0x3F91]  }
0x3d: {  	_ =	shalt  }
0x3e: {  	_ =	shalt  }
0x3f: {  	_ =	shalt  }
0x40: {  	_ =	shalt  }
0x41: {  	_ =	shalt  }
0x42: {  	_ =	shalt  }
0x43: {  	_ =	shalt  }
0x44: {  	_ =	shalt  }
0x45: {  	_ =	shalt  }
0x46: {  	_ =	shalt  }
0x47: {  	_ =	shalt  }
0x48: {  	_ =	shalt  }
0x49: {  	_ =	shalt  }
0x4a: {  	_ =	shalt  }
0x4b: {  	_ =	shalt  }
0x4c: {  	_ =	shalt  }
0x4d: {  	_ =	shalt  }
0x4e: {  	_ =	shalt  }
0x4f: {  	_ =	shalt  }
0x50: {  	_ =	shalt  }
0x51: {  	_ =	shalt  }
0x52: {  	_ =	shalt  }
0x53: {  	_ =	shalt  }
0x54: {  	_ =	shalt  }
0x55: {  	_ =	shalt  }
0x56: {  	_ =	shalt  }
0x57: {  	_ =	shalt  }
0x58: {  	_ =	shalt  }
0x59: {  	_ =	shalt  }
0x5a: {  	_ =	shalt  }
0x5b: {  	_ =	shalt  }
0x5c: {  	_ =	shalt  }
0x5d: {  	_ =	shalt  }
0x5e: {  	_ =	shalt  }
0x5f: {  	_ =	shalt  }
0x60: {  	_ =	shalt  }
0x61: {  	_ =	shalt  }
0x62: {  	_ =	shalt  }
0x63: {  	_ =	shalt  }
0x64: {  	_ =	shalt  }
0x65: {  	_ =	shalt  }
0x66: {  	_ =	shalt  }
0x67: {  	_ =	shalt  }
0x68: {  	_ =	shalt  }
0x69: {  	_ =	shalt  }
0x6a: {  	_ =	shalt  }
0x6b: {  	_ =	shalt  }
0x6c: {  	_ =	shalt  }
0x6d: {  	_ =	shalt  }
0x6e: {  	_ =	shalt  }
0x6f: {  	_ =	shalt  }
0x70: {  	_ =	shalt  }
0x71: {  	_ =	shalt  }
0x72: {  	_ =	shalt  }
0x73: {  	_ =	shalt  }
0x74: {  	_ =	shalt  }
0x75: {  	_ =	shalt  }
0x76: {  	_ =	shalt  }
0x77: {  	_ =	shalt  }
0x78: {  	_ =	shalt  }
0x79: {  	_ =	shalt  }
0x7a: {  	_ =	shalt  }
0x7b: {  	_ =	shalt  }
0x7c: {  	_ =	shalt  }
0x7d: {  	_ =	shalt  }
0x7e: {  	_ =	shalt  }
0x7f: {  	_ =	shalt  }
0x80: {  	_ =	shalt  }
0x81: {  	_ =	shalt  }
0x82: {  	_ =	shalt  }
0x83: {  	_ =	shalt  }
0x84: {  	_ =	shalt  }
0x85: {  	_ =	shalt  }
0x86: {  	_ =	shalt  }
0x87: {  	_ =	shalt  }
.Lfunc_end0:
.L_simem_size_0:
called_computation.2_lowered:
.L_overlay_start_0:
0x88: {  	s2 =	sld [smem:$0x3FD9]  }
0x89: {  	s3 =	sld [smem:$0x3FFE];
	_ =	sdelay $0x1  }
0x8a: {  	s1 =	srdreg.scid  }
0x8b: {  	s0 =	sand.u32 $0x1, s1  }
0x8c: {  	s16 =	sshll.u32 s0, $0xA;
	s2 =	sadd.s32 s3, s2  }
0x8d: {  	s2 =	sadd.s32 s2, s16  }
0x8e: {  	[smem:$0x3F9D] =	sst s2  }
0x8f: {  	_ = 	snop  }
0x90: {  	(tm) =	ssettm $0x1  }
0x91: {  	s17 =	sld [smem:$0x3FFB];
	_ =	sdelay $0x3  }
0x92: {  	_ =	strace s17  }
0x93: {  	s2 =	sld [smem:$0x3FFC];
	_ =	sdelay $0x3  }
0x94: {  	_ =	strace s2  }
0x95: {  	s2 =	sld [smem:$0x3FFD];
	_ =	sdelay $0x3  }
0x96: {  	_ =	strace s2  }
0x97: {  	_ =	strace $0x8FFFFFFF  }
0x98: {  	s18 =	sld [smem:$0x3FDB];
	_ =	sdelay $0x1  }
0x99: {  	s19 =	simm.s32 $_scs_section_size  }
0x9a: {  	s4 =	simm.s32 $_size__tile_overlayer_lowered;
	s5 =	simm.s32 $_tile_overlayer_lowered  }
0x9b: {  	s22 =	simm.s32 $0x1BFF;
	s21 =	sshll.u32 s5, $0x1;
	s2 =	sadd.s32 s19, s18  }
0x9c: {  	s6 =	simm.s32 $0x0;
	s20 =	sshll.u32 s4, $0x1;
	s4 =	sadd.s32 s21, s2  }
0x9d: {  	[timem:s6], [sflag:s22] =	dma.local [hbm:s4], s20  }
0x9e: {  	_ =	swait.ge [sflag:s22], s20  }
0x9f: {  	s3 =	ssub.s32 $0x0, s20;
	[sflag:s22] =	ssyncset.done $0x0  }
0xa0: {  	[sflag:s22] =	ssyncadd.s32 s3;
	_ =	sdelay $0x1  }
0xa1: {  	s23 =	simm.s32 $0x1B8B  }
0xa2: {  	_ =	swait.ge [sflag:s23], $0x1  }
0xa3: {  	[sflag:s23] =	ssyncset.done $0x0  }
0xa4: {  	s25 =	simm.s32 $0x1B8E;
	s24 =	sld [smem:$0x3FFE];
	[sflag:s23] =	ssyncadd.s32 $0xFFFFFFFF  }
0xa5: {  	s26 =	simm.s32 $execute0_lowered;
	[smem:$0x3FD2] =	sst s25  }
0xa6: {  	s4 =	sshll.u32 s26, $0x1;
	_ =	strace $0x8000004C;
	[dreg:$0x1] =	wrdreg $0xFFFFFFFF  }
0xa7: {  	s28 =	simm.s32 $_size_execute0_lowered;
	s2 =	sadd.s32 s2, s4;
	[dreg:$0x0] =	wrdreg $0x0  }
0xa8: {  	s4 =	sshll.u32 s28, $0x1;
	[dreg:$0x2] =	wrdreg s2  }
0xa9: {  	[dreg:$0x3] =	wrdreg s4  }
0xaa: {  	[dreg:$0x4] =	wrdreg $0xC0  }
0xab: {  	_ =	task [dreg:s6], $0x5FFFF  }
0xac: {  	[dreg:$0x1] =	wrdreg $0xFFFFFFFF  }
0xad: {  	[dreg:$0x0] =	wrdreg $0x60  }
0xae: {  	[dreg:$0x2] =	wrdreg s24  }
0xaf: {  	[dreg:$0x3] =	wrdreg $0xA0000  }
0xb0: {  	[dreg:$0x4] =	wrdreg $0x140000  }
0xb1: {  	[dreg:$0x5] =	wrdreg $0x9  }
0xb2: {  	_ =	task.clear_ibuf [dreg:s6], $0x6FFFF;
	_ =	strace $0x9000004C  }
0xb3: {  	s29 =	simm.s32 $0x9;
	_ =	strace $0x8000004E  }
0xb4: {  	_ =	swait.ge [sflag:s29], $0x1  }
0xb5: {  	[sflag:s29] =	ssyncadd.s32 $0xFFFFFFFF  }
0xb6: {  	_ =	strace $0x9000004E  }
0xb7: {  	_ =	sfence  }
0xb8: {  	s30 =	sld [smem:$0x0];
	_ =	sdelay $0x2  }
0xb9: {  	s31 =	sshll.u32 s1, $0xD;
	s1 =	sshrl.u32 s1, $0x2  }
0xba: {  	s3 =	sand.u32 $0x4000, s31;
	s1 =	sadd.s32 s1, s30  }
0xbb: {  	s0 =	sor.u32 s3, s0;
	s1 =	sshll.u32 s1, $0x11  }
0xbc: {  	s0 =	sor.u32 s1, s0  }
0xbd: {  	s0 =	sadd.s32 $0x8F2B, s0  }
0xbe: {  	[sflag:s0] =	ssyncadd.remote.s32 $0x1  }
0xbf: {  	_ =	sfence.sel $0xFFFF  }
0xc0: {  	[dreg:$0x0] =	wrdreg $0xFFFFFFFF;
	(pc) =	sbr.abs _section_cstart, $3  }
0xc1: {  	[dreg:$0x1] =	wrdreg $0xFFFFFFFF  }
0xc2: {  	_ =	task.clear_ibuf [dreg:s6], $0x2FFFF;
	_ =	strace $0x9FFFFFFF  }
0xc3: {  	(tm) =	ssettm $0x7FFFFFFF  }
tec
execute0_lowered:
.L_overlay_start_1:
0x0: {  	(tag) =	ssettag $0x1  }
0x1: {  	s0 =	rddreg [dreg:$0x0]  }
0x2: {  	s2 =	rddreg [dreg:$0x1]  }
0x3: {  	s3 =	rddreg [dreg:$0x2]  }
0x4: {  	s13 =	stileid.u32;
	s5 =	srdreg.scid;
	s4 =	simm.s32 $0x0  }
0x5: {  	s17 =	simm.s32 $0x1;
	s28 =	simm.s32 $0x8000;
	s29 =	simm.s32 $0x3  }
0x6: {  	s30 =	simm.s32 $0x4;
	s31 =	simm.s32 $0x5;
	s1 =	smul.u32 $0x9C40, s13  }
0x7: {  	s7 =	sand.u32 $0x1, s5;
	s8 =	smul.u32 $0xA000, s13;
	[smem:$0x7FF] =	sst s4  }
0x8: {  	s5 =	sadd.s32 $0x1AC00, s0;
	s6 =	sadd.s32 $0x6C00, s0;
	s12 =	sadd.s32 $0x42600, s0  }
0x9: {  	s21 =	sshll.u32 s13, $0x1;
	s22 =	sshll.u32 s13, $0x6;
	s13 =	simm.s32 $0x1F80  }
0xa: {  	s9 =	smul.u32 $0xA0000, s7;
	_ =	strace $0x8000004D;
	s11 =	ssub.s32 $0x2, s7  }
0xb: {  	[dreg:$0x4] =	wrdreg s12;
	s7 =	sor.u32 s7, s21;
	s23 =	sor.u32 $0x1C01, s22  }
0xc: {  	[dreg:$0x5] =	wrdreg s22;
	s25 =	sor.u32 $0x1C02, s22;
	s21 =	simm.s32 $0x80  }
0xd: {  	s22 =	simm.s32 $0x2000;
	s12 =	simm.s32 $0x1F00;
	s18 =	sshrl.u32 s1, $0x3  }
0xe: {  	s19 =	sshrl.u32 s11, $0x1;
	[dreg:$0x6] =	wrdreg s23;
	s1 =	sadd.s32 s1, s3  }
0xf: {  	[dreg:$0xb] =	wrdreg s25;
	s23 =	simm.s32 $0x4000;
	s25 =	simm.s32 $0x6000  }
0x10: {  	s10 =	sadd.s32 s18, s0;
	s9 =	sadd.s32 s8, s9;
	s20 =	ssub.s32 s11, s19  }
0x11: {  	s8 =	sadd.s32 s8, s2;
	s11 =	smul.u32 $0x5000, s7;
	s26 =	sshrl.u32 s1, $0x3  }
0x12: {  	s18 =	simm.s32 $0x2;
	s19 =	simm.s32 $0x9;
	s1 =	simm.s32 $0x7  }
0x13: {  	s7 =	simm.s32 $0x8;
	s9 =	sshrl.u32 s9, $0x3;
	s10 =	sadd.s32 $0x2EC00, s10  }
0x14: {  	s24 =	smax.u32 s20, $0x1;
	s15 =	sshrl.u32 s8, $0x3;
	[dreg:$0xc] =	wrdreg s26  }
0x15: {  	s20 =	simm.s32 $0x1000;
	s26 =	simm.s32 $0x180;
	[dreg:$0x7] =	wrdreg s10  }
0x16: {  	s0 =	sadd.s32 s9, s0;
	[dreg:$0x9] =	wrdreg s24;
	s24 =	simm.s32 $0x100  }
0x17: {  	s9 =	simm.s32 $0x1E00;
	[dreg:$0xa] =	wrdreg s15;
	s0 =	sadd.s32 $0x43A00, s0  }
0x18: {  	s10 =	simm.s32 $0x1E80;
	[dreg:$0x8] =	wrdreg s0;
	s0 =	simm.s32 $0x6  }
.LBB2_1:
0x19: {  	s8 =	rddreg [dreg:$0x4]  }
0x1a: {  	s14 =	rddreg [dreg:$0x6]  }
0x1b: {  	[spmem:s15], [sflag:s14] =	dma.local [hbm:s8], $0x1400  }
0x1c: {  	s8 =	rddreg [dreg:$0x7]  }
0x1d: {  	s14 =	rddreg [dreg:$0xb]  }
0x1e: {  	s15 =	rddreg [dreg:$0xc]  }
0x1f: {  	[spmem:s15], [sflag:s14] =	dma.local [hbm:s8], $0x1388  }
0x20: {  	_ =	swait.ge [sflag:s17], $0x1400  }
0x21: {  	[sflag:s17] =	ssyncset.done $0x0  }
0x22: {  	[sflag:s17] =	ssyncadd.s32 $0xFFFFEC00  }
0x23: {  	_ =	swait.ge [sflag:s18], $0x1388  }
0x24: {  	[sflag:s18] =	ssyncset.done $0x0  }
0x25: {  	[sflag:s18] =	ssyncadd.s32 $0xFFFFEC78  }
0x26: {  	s15 =	simm.s32 $0x0;
	[bflag:$0x0] =	sbarrier.arrive $0xFFFF  }
.LBB2_2:
0x27: {  	s8 =	sshll.u32 s15, $0xC  }
0x28: {  	s8 =	sadd.s32 s11, s8  }
0x29: {  	s8 =	sshrl.u32 s8, $0x3  }
0x2a: {  	s14 =	simm.s32 $0x0;
	s16 =	sadd.s32 s5, s8  }
0x2b: {  	[tilespmem:s14], [sflag:$0x9] =	stream.linear.gather [hbm4b:s16+s14], $0x1000, $0x38;
	[tilespmem:$0x1DC40] =	vst v63  }
0x2c: {  	_ =	swait.ge [sflag:s19], $0x1000  }
0x2d: {  	[sflag:s19] =	ssyncset.done $0x0  }
0x2e: {  	s8 =	sadd.s32 s6, s8;
	[sflag:s19] =	ssyncadd.s32 $0xFFFFF000  }
0x2f: {  	[tilespmem:s20], [sflag:$0x9] =	stream.linear.gather [hbm4b:s8+s14], $0x1000, $0x38;
	[tilespmem:$0x1DC40] =	vst v63  }
0x30: {  	_ =	swait.ge [sflag:s19], $0x1000  }
0x31: {  	[sflag:s19] =	ssyncset.done $0x0  }
0x32: {  	[sflag:s19] =	ssyncadd.s32 $0xFFFFF000  }
0x33: {  	[tilespmem:s22], [sflag:$0x1] =	stream.indirect.gather [spmem:s3], $0x40, s14, s21, $0xb8;
	[tilespmem:$0x1DC40] =	vst v63  }
0x34: {  	_ = 	snop  }
0x35: {  	[tilespmem:s23], [sflag:$0x2] =	stream.indirect.gather [spmem:s3], $0x40, s21, s21, $0xb8;
	[tilespmem:$0x1DC40] =	vst v63  }
0x36: {  	_ = 	snop  }
0x37: {  	[tilespmem:s25], [sflag:$0x3] =	stream.indirect.gather [spmem:s3], $0x40, s24, s21, $0xb8;
	[tilespmem:$0x1DC40] =	vst v63  }
0x38: {  	_ = 	snop  }
0x39: {  	[tilespmem:s28], [sflag:$0x4] =	stream.indirect.gather [spmem:s3], $0x40, s26, s21, $0xb8;
	[tilespmem:$0x1DC40] =	vst v63  }
0x3a: {  	_ =	swait.ge [sflag:s17], $0x2000  }
0x3b: {  	[sflag:s17] =	ssyncset.done $0x0  }
0x3c: {  	s16 =	simm.s32 $0x1000;
	[sflag:s17] =	ssyncadd.s32 $0xFFFFE000  }
0x3d: {  	[spmem:s2] =	stream.indirect.scatter.add.f32 [tilespmem:s22], [sflag:$0x5], $0x40, s16, s21, $0xb8;
	[tilespmem:$0x1DC40] =	vst v63  }
0x3e: {  	_ =	swait.ge [sflag:s18], $0x2000  }
0x3f: {  	[sflag:s18] =	ssyncset.done $0x0  }
0x40: {  	s14 =	simm.s32 $0x1080;
	[sflag:s18] =	ssyncadd.s32 $0xFFFFE000  }
0x41: {  	[spmem:s2] =	stream.indirect.scatter.add.f32 [tilespmem:s23], [sflag:$0x6], $0x40, s14, s21, $0xb8;
	[tilespmem:$0x1DC40] =	vst v63  }
0x42: {  	_ =	swait.ge [sflag:s29], $0x2000  }
0x43: {  	[sflag:s29] =	ssyncset.done $0x0  }
0x44: {  	s16 =	simm.s32 $0x1100;
	[sflag:s29] =	ssyncadd.s32 $0xFFFFE000  }
0x45: {  	[spmem:s2] =	stream.indirect.scatter.add.f32 [tilespmem:s25], [sflag:$0x7], $0x40, s16, s21, $0xb8;
	[tilespmem:$0x1DC40] =	vst v63  }
0x46: {  	_ =	swait.ge [sflag:s30], $0x2000  }
0x47: {  	[sflag:s30] =	ssyncset.done $0x0  }
0x48: {  	s14 =	simm.s32 $0x1180;
	[sflag:s30] =	ssyncadd.s32 $0xFFFFE000  }
0x49: {  	[spmem:s2] =	stream.indirect.scatter.add.f32 [tilespmem:s28], [sflag:$0x8], $0x40, s14, s21, $0xb8;
	[tilespmem:$0x1DC40] =	vst v63  }
0x4a: {  	_ =	swait.ge [sflag:s31], $0x2000  }
0x4b: {  	[sflag:s31] =	ssyncset.done $0x0  }
0x4c: {  	s16 =	simm.s32 $0x200;
	[sflag:s31] =	ssyncadd.s32 $0xFFFFE000  }
0x4d: {  	[tilespmem:s22], [sflag:$0x1] =	stream.indirect.gather [spmem:s3], $0x40, s16, s21, $0xb8;
	[tilespmem:$0x1DC40] =	vst v63  }
0x4e: {  	_ =	swait.ge [sflag:s0], $0x2000  }
0x4f: {  	[sflag:s0] =	ssyncset.done $0x0  }
0x50: {  	s14 =	simm.s32 $0x280;
	[sflag:s0] =	ssyncadd.s32 $0xFFFFE000  }
0x51: {  	[tilespmem:s23], [sflag:$0x2] =	stream.indirect.gather [spmem:s3], $0x40, s14, s21, $0xb8;
	[tilespmem:$0x1DC40] =	vst v63  }
0x52: {  	_ =	swait.ge [sflag:s1], $0x2000  }
0x53: {  	[sflag:s1] =	ssyncset.done $0x0  }
0x54: {  	s16 =	simm.s32 $0x300;
	[sflag:s1] =	ssyncadd.s32 $0xFFFFE000  }
0x55: {  	[tilespmem:s25], [sflag:$0x3] =	stream.indirect.gather [spmem:s3], $0x40, s16, s21, $0xb8;
	[tilespmem:$0x1DC40] =	vst v63  }
0x56: {  	_ =	swait.ge [sflag:s7], $0x2000  }
0x57: {  	[sflag:s7] =	ssyncset.done $0x0  }
0x58: {  	s8 =	simm.s32 $0x380;
	s16 =	simm.s32 $0x800;
	[sflag:s7] =	ssyncadd.s32 $0xFFFFE000  }
.LBB2_3:
0x59: {  	[tilespmem:s28], [sflag:$0x4] =	stream.indirect.gather [spmem:s3], $0x40, s8, s21, $0xb8;
	[tilespmem:$0x1DC40] =	vst v63  }
0x5a: {  	s8 =	smov.u32 s16  }
0x5b: {  	p0 =	sne.s32 s16, $0x3000;
	s16 =	sadd.s32 $0x800, s16;
	_ =	swait.ge [sflag:s17], $0x2000  }
0x5c: {  	s8 =	sshra.s32 s8, $0x2;
	[sflag:s17] =	ssyncset.done $0x0  }
0x5d: {  	s14 =	sadd.s32 $0x1000, s8;
	[sflag:s17] =	ssyncadd.s32 $0xFFFFE000  }
0x5e: {  	[spmem:s2] =	stream.indirect.scatter.add.f32 [tilespmem:s22], [sflag:$0x5], $0x40, s14, s21, $0xb8;
	[tilespmem:$0x1DC40] =	vst v63  }
0x5f: {  	_ =	swait.ge [sflag:s18], $0x2000  }
0x60: {  	[sflag:s18] =	ssyncset.done $0x0  }
0x61: {  	s14 =	sadd.s32 $0x1080, s8;
	[sflag:s18] =	ssyncadd.s32 $0xFFFFE000  }
0x62: {  	[spmem:s2] =	stream.indirect.scatter.add.f32 [tilespmem:s23], [sflag:$0x6], $0x40, s14, s21, $0xb8;
	[tilespmem:$0x1DC40] =	vst v63  }
0x63: {  	_ =	swait.ge [sflag:s29], $0x2000  }
0x64: {  	[sflag:s29] =	ssyncset.done $0x0  }
0x65: {  	s14 =	sadd.s32 $0x1100, s8;
	[sflag:s29] =	ssyncadd.s32 $0xFFFFE000  }
0x66: {  	[spmem:s2] =	stream.indirect.scatter.add.f32 [tilespmem:s25], [sflag:$0x7], $0x40, s14, s21, $0xb8;
	[tilespmem:$0x1DC40] =	vst v63  }
0x67: {  	_ =	swait.ge [sflag:s30], $0x2000  }
0x68: {  	[sflag:s30] =	ssyncset.done $0x0  }
0x69: {  	s14 =	sadd.s32 $0x1180, s8;
	[sflag:s30] =	ssyncadd.s32 $0xFFFFE000  }
0x6a: {  	[spmem:s2] =	stream.indirect.scatter.add.f32 [tilespmem:s28], [sflag:$0x8], $0x40, s14, s21, $0xb8;
	[tilespmem:$0x1DC40] =	vst v63  }
0x6b: {  	_ =	swait.ge [sflag:s31], $0x2000  }
0x6c: {  	[sflag:s31] =	ssyncset.done $0x0  }
0x6d: {  	s14 =	sadd.s32 $0x200, s8;
	[sflag:s31] =	ssyncadd.s32 $0xFFFFE000  }
0x6e: {  	[tilespmem:s22], [sflag:$0x1] =	stream.indirect.gather [spmem:s3], $0x40, s14, s21, $0xb8;
	[tilespmem:$0x1DC40] =	vst v63  }
0x6f: {  	_ =	swait.ge [sflag:s0], $0x2000  }
0x70: {  	[sflag:s0] =	ssyncset.done $0x0  }
0x71: {  	s14 =	sadd.s32 $0x280, s8;
	[sflag:s0] =	ssyncadd.s32 $0xFFFFE000  }
0x72: {  	[tilespmem:s23], [sflag:$0x2] =	stream.indirect.gather [spmem:s3], $0x40, s14, s21, $0xb8;
	[tilespmem:$0x1DC40] =	vst v63  }
0x73: {  	_ =	swait.ge [sflag:s1], $0x2000  }
0x74: {  	[sflag:s1] =	ssyncset.done $0x0  }
.Ltmp0:
0x75: {  	s14 =	sadd.s32 $0x300, s8;
	[sflag:s1] =	ssyncadd.s32 $0xFFFFE000;
	(pc) =	sbr.rel @p0 .LBB2_3-.Ltmp0, $4  }
0x76: {  	[tilespmem:s25], [sflag:$0x3] =	stream.indirect.gather [spmem:s3], $0x40, s14, s21, $0xb8;
	[tilespmem:$0x1DC40] =	vst v63  }
0x77: {  	_ =	swait.ge [sflag:s7], $0x2000  }
0x78: {  	[sflag:s7] =	ssyncset.done $0x0  }
0x79: {  	s8 =	sadd.s32 $0x380, s8;
	[sflag:s7] =	ssyncadd.s32 $0xFFFFE000  }
0x7a: {  	[tilespmem:s28], [sflag:$0x4] =	stream.indirect.gather [spmem:s3], $0x40, s8, s21, $0xb8;
	[tilespmem:$0x1DC40] =	vst v63  }
0x7b: {  	_ =	swait.ge [sflag:s17], $0x2000  }
0x7c: {  	[sflag:s17] =	ssyncset.done $0x0  }
0x7d: {  	[sflag:s17] =	ssyncadd.s32 $0xFFFFE000  }
0x7e: {  	[spmem:s2] =	stream.indirect.scatter.add.f32 [tilespmem:s22], [sflag:$0x5], $0x40, s9, s21, $0xb8;
	[tilespmem:$0x1DC40] =	vst v63  }
0x7f: {  	_ =	swait.ge [sflag:s18], $0x2000  }
0x80: {  	[sflag:s18] =	ssyncset.done $0x0  }
0x81: {  	[sflag:s18] =	ssyncadd.s32 $0xFFFFE000  }
0x82: {  	[spmem:s2] =	stream.indirect.scatter.add.f32 [tilespmem:s23], [sflag:$0x6], $0x40, s10, s21, $0xb8;
	[tilespmem:$0x1DC40] =	vst v63  }
0x83: {  	_ =	swait.ge [sflag:s29], $0x2000  }
0x84: {  	[sflag:s29] =	ssyncset.done $0x0  }
0x85: {  	[sflag:s29] =	ssyncadd.s32 $0xFFFFE000  }
0x86: {  	[spmem:s2] =	stream.indirect.scatter.add.f32 [tilespmem:s25], [sflag:$0x7], $0x40, s12, s21, $0xb8;
	[tilespmem:$0x1DC40] =	vst v63  }
0x87: {  	_ =	swait.ge [sflag:s30], $0x2000  }
0x88: {  	[sflag:s30] =	ssyncset.done $0x0  }
0x89: {  	[sflag:s30] =	ssyncadd.s32 $0xFFFFE000  }
0x8a: {  	[spmem:s2] =	stream.indirect.scatter.add.f32 [tilespmem:s28], [sflag:$0x8], $0x40, s13, s21, $0xb8;
	[tilespmem:$0x1DC40] =	vst v63  }
0x8b: {  	_ =	swait.ge [sflag:s31], $0x2000  }
0x8c: {  	[sflag:s31] =	ssyncset.done $0x0  }
0x8d: {  	[sflag:s31] =	ssyncadd.s32 $0xFFFFE000  }
0x8e: {  	_ =	swait.ge [sflag:s0], $0x2000  }
0x8f: {  	[sflag:s0] =	ssyncset.done $0x0  }
0x90: {  	s15 =	sadd.s32 $0x1, s15;
	[sflag:s0] =	ssyncadd.s32 $0xFFFFE000  }
0x91: {  	p0 =	sne.s32 s15, $0x5;
	_ =	swait.ge [sflag:s1], $0x2000  }
.Ltmp1:
0x92: {  	[sflag:s1] =	ssyncset.done $0x0;
	(pc) =	sbr.rel @p0 .LBB2_2-.Ltmp1, $4  }
0x93: {  	[sflag:s1] =	ssyncadd.s32 $0xFFFFE000  }
0x94: {  	_ =	swait.ge [sflag:s7], $0x2000  }
0x95: {  	[sflag:s7] =	ssyncset.done $0x0  }
0x96: {  	[sflag:s7] =	ssyncadd.s32 $0xFFFFE000  }
0x97: {  	[bflag:$0x0] =	sbarrier.arrive $0xFFFF  }
0x98: {  	s8 =	rddreg [dreg:$0x5]  }
0x99: {  	s14 =	rddreg [dreg:$0x8]  }
0x9a: {  	s15 =	rddreg [dreg:$0xa];
	s8 =	sor.u32 $0x1C09, s8  }
0x9b: {  	[hbm:s14], [sflag:s8] =	dma.local [spmem:s15], $0x1400  }
0x9c: {  	_ =	swait.ge [sflag:s19], $0x1400  }
0x9d: {  	s4 =	sadd.s32 $0x1, s4;
	s16 =	rddreg [dreg:$0x9]  }
0x9e: {  	p0 =	sne.s32 s4, s16  }
.Ltmp2:
0x9f: {  	_ = 	snop;
	(pc) =	sbr.rel @p0 .LBB2_1-.Ltmp2, $3  }
0xa0: {  	_ =	sdelay $0x1  }
0xa1: {  	[sflag:s19] =	ssyncset.done $0x0  }
0xa2: {  	[sflag:s19] =	ssyncadd.s32 $0xFFFFEC00  }
0xa3: {  	_ =	sfence.sel $0x180000  }
0xa4: {  	[bflag:$0x0] =	sbarrier.arrive $0xFFFF  }
0xa5: {  	_ =	strace $0x9000004D  }
0xa6: {  	s0 =	stileid.u32;
	[bflag:$0x2] =	sbarrier.arrive $0xFFFF  }
0xa7: {  	p0 =	sne.s32 s0, $0x0;
	s0 =	rddreg [dreg:$0x3]  }
0xa8: {  	s0 =	sadd.s32 @!p0 $0x100000, s0  }
0xa9: {  	[sflag:s0] =	ssyncadd.tile.s32 @!p0 $0x1;
	_ =	shalt  }
.Lfunc_end2:
_tile_overlayer_lowered:
.L_overlay_start_2:
0xaa: {  	(tag) =	ssettag $0x2  }
0xab: {  	s0 =	rddreg [dreg:$0x0];
	s2 =	stileid.u32  }
0xac: {  	s1 =	rddreg [dreg:$0x1];
	p0 =	sne.s32 s2, $0x0  }
0xad: {  	s3 =	rddreg [dreg:$0x2];
	[bflag:$0x3] =	sbarrier.arrive $0xFFFF;
	s2 =	simm.s32 @!p0 $0x1C09  }
0xae: {  	[timem:s3], [sflag:s2] =	dma.local @!p0 [hbm:s0], s1  }
0xaf: {  	s0 =	simm.s32 @!p0 $0x9  }
0xb0: {  	_ =	swait.ge @!p0 [sflag:s0], s1  }
0xb1: {  	s1 =	ssub.s32 @!p0 $0x0, s1;
	[sflag:s0] =	ssyncset.done @!p0 $0x0  }
0xb2: {  	[sflag:s0] =	ssyncadd.s32 @!p0 s1  }
0xb3: {  	[bflag:$0x3] =	sbarrier.arrive $0xFFFF  }
0xb4: {  	_ =	shalt  }

// kernel: kernel.9.cloned.1.call-start
scs
__scs_entry_jumppad:
0x0: {  	(pc) =	sbr.rel $0x88, $3  }
0x1: {  	(tag) =	ssettag $0x0;
	lr =	simm.s32 $0x1  }
0x2: {  	[smem:$0x3F76] =	sst lr;
	_ =	strace $0xD0000000  }
0x3: {  	_ = 	snop  }
0x4: {  	_ = 	snop  }
0x5: {  	_ = 	snop  }
0x6: {  	_ = 	snop  }
0x7: {  	_ = 	snop  }
__scs_overlays_trampoline_lowered:
0x8: {  	[smem:$0x3F85] =	sst s0  }
0x9: {  	[smem:$0x3F86] =	sst s1  }
0xa: {  	[smem:$0x3F87] =	sst s2  }
0xb: {  	[smem:$0x3F88] =	sst s3  }
0xc: {  	[smem:$0x3F89] =	sst s4  }
0xd: {  	[smem:$0x3F8A] =	sst s5  }
0xe: {  	[smem:$0x3F8B] =	sst s6  }
0xf: {  	[smem:$0x3F8C] =	sst s7  }
0x10: {  	[smem:$0x3F8D] =	sst s8  }
0x11: {  	[smem:$0x3F8E] =	sst s9;
	s0 =	simm.s32 @!p0 $0x0  }
0x12: {  	s1 =	sld [smem:$0x3F74];
	s0 =	simm.s32 @p0 $0x1  }
0x13: {  	[smem:$0x3F8F] =	sst s0;
	s0 =	simm.s32 @!p1 $0x0  }
0x14: {  	s2 =	sld [smem:$0x3F73];
	s0 =	simm.s32 @p1 $0x1  }
0x15: {  	[smem:$0x3F90] =	sst s0;
	s0 =	simm.s32 @!p2 $0x0  }
0x16: {  	s3 =	sld [smem:$0x3FDB];
	s0 =	simm.s32 @p2 $0x1  }
0x17: {  	s4 =	simm.s32 $0x1BF5;
	[smem:$0x3F92] =	sst s0  }
0x18: {  	s0 =	sld [smem:$0x3F75];
	_ =	swait.ge [sflag:s4], $0x0  }
0x19: {  	s7 =	sld [smem:$0x3F76]  }
0x1a: {  	s8 =	sadd.s32 $0xFFFFE003, lr  }
0x1b: {  	s9 =	sadd.s32 $0xFFFFFEF7, lr;
	s5 =	simm.s32 $0xFFFFFFFF;
	p2 =	slt.u32 s8, $0xFFFFF086  }
0x1c: {  	p1 =	slt.u32 s9, $0xF7A;
	s5 =	simm.s32 @!p2 $0x0  }
0x1d: {  	s5 =	simm.s32 @p1 $0x1;
	p0 =	seq.s32 s7, s2  }
0x1e: {  	s7 =	smul.u32 @!p0 $0xF7A, s2;
	p2 =	seq.s32 @!p0 s5, $0x0  }
0x1f: {  	s9 =	smul.u32 $0xF7A, s1;
	s8 =	simm.s32 @!p0 $0x1BF5;
	p2 =	por !p2, p0  }
0x20: {  	[sflag:s8] =	ssyncset.s32 @!p0 $0xFFFFF086;
	s6 =	sadd.s32 @!p0 s3, s7;
	s7 =	simm.s32 @!p0 $0x108  }
0x21: {  	s3 =	sadd.s32 s3, s9;
	s6 =	sadd.s32 @!p0 $0x88, s6;
	s7 =	simm.s32 @p2 $0x1082  }
0x22: {  	[simem:s7], [sflag:s8] =	dma.local @!p0 [hbm:s6], $0xF7A  }
0x23: {  	s9 =	sor.u32 $0xD0000000, s2;
	s6 =	simm.s32 $0x108;
	_ =	swait.ge @!p0 [sflag:s8], $0x0  }
0x24: {  	s3 =	sadd.s32 $0x88, s3;
	s6 =	simm.s32 @!p1 $0x1082;
	[sflag:s4] =	ssyncset.s32 $0xFFFFF086  }
0x25: {  	[simem:s6], [sflag:s4] =	dma.local [hbm:s3], $0xF7A  }
0x26: {  	[smem:$0x3F76] =	sst s1;
	(tag) =	ssettag s2;
	_ =	strace s9  }
0x27: {  	s1 =	sld [smem:$0x3F86]  }
0x28: {  	s2 =	sld [smem:$0x3F87]  }
0x29: {  	s4 =	sld [smem:$0x3F89]  }
0x2a: {  	p0 =	seq.s32 s5, $0x0;
	s5 =	sld [smem:$0x3F8A]  }
0x2b: {  	s6 =	sld [smem:$0x3F8B]  }
0x2c: {  	s7 =	sld [smem:$0x3F8C]  }
0x2d: {  	s3 =	simm.s32 $0x108;
	s8 =	sld [smem:$0x3F8D]  }
0x2e: {  	s3 =	simm.s32 @!p0 $0x1082;
	s9 =	sld [smem:$0x3F8E]  }
0x2f: {  	lr =	sadd.s32 s0, s3;
	s0 =	sld [smem:$0x3F85]  }
0x30: {  	s3 =	sld [smem:$0x3F88]  }
0x31: {  	[smem:$0x3F91] =	sst s10  }
0x32: {  	s10 =	sld [smem:$0x3F8F];
	_ =	sdelay $0x3  }
0x33: {  	p0 =	seq.s32 s10, $0x1;
	s10 =	sld [smem:$0x3F91];
	_ =	sdelay $0x3  }
0x34: {  	[smem:$0x3F91] =	sst s10  }
0x35: {  	s10 =	sld [smem:$0x3F90];
	_ =	sdelay $0x3  }
0x36: {  	p1 =	seq.s32 s10, $0x1;
	s10 =	sld [smem:$0x3F91];
	_ =	sdelay $0x3  }
0x37: {  	[smem:$0x3F91] =	sst s10  }
0x38: {  	s10 =	sld [smem:$0x3F92]  }
0x39: {  	_ = 	snop;
	(pc) =	sbr.ind lr, $3  }
0x3a: {  	_ = 	snop  }
0x3b: {  	_ = 	snop  }
0x3c: {  	p2 =	seq.s32 s10, $0x1;
	s10 =	sld [smem:$0x3F91]  }
0x3d: {  	_ =	shalt  }
0x3e: {  	_ =	shalt  }
0x3f: {  	_ =	shalt  }
0x40: {  	_ =	shalt  }
0x41: {  	_ =	shalt  }
0x42: {  	_ =	shalt  }
0x43: {  	_ =	shalt  }
0x44: {  	_ =	shalt  }
0x45: {  	_ =	shalt  }
0x46: {  	_ =	shalt  }
0x47: {  	_ =	shalt  }
0x48: {  	_ =	shalt  }
0x49: {  	_ =	shalt  }
0x4a: {  	_ =	shalt  }
0x4b: {  	_ =	shalt  }
0x4c: {  	_ =	shalt  }
0x4d: {  	_ =	shalt  }
0x4e: {  	_ =	shalt  }
0x4f: {  	_ =	shalt  }
0x50: {  	_ =	shalt  }
0x51: {  	_ =	shalt  }
0x52: {  	_ =	shalt  }
0x53: {  	_ =	shalt  }
0x54: {  	_ =	shalt  }
0x55: {  	_ =	shalt  }
0x56: {  	_ =	shalt  }
0x57: {  	_ =	shalt  }
0x58: {  	_ =	shalt  }
0x59: {  	_ =	shalt  }
0x5a: {  	_ =	shalt  }
0x5b: {  	_ =	shalt  }
0x5c: {  	_ =	shalt  }
0x5d: {  	_ =	shalt  }
0x5e: {  	_ =	shalt  }
0x5f: {  	_ =	shalt  }
0x60: {  	_ =	shalt  }
0x61: {  	_ =	shalt  }
0x62: {  	_ =	shalt  }
0x63: {  	_ =	shalt  }
0x64: {  	_ =	shalt  }
0x65: {  	_ =	shalt  }
0x66: {  	_ =	shalt  }
0x67: {  	_ =	shalt  }
0x68: {  	_ =	shalt  }
0x69: {  	_ =	shalt  }
0x6a: {  	_ =	shalt  }
0x6b: {  	_ =	shalt  }
0x6c: {  	_ =	shalt  }
0x6d: {  	_ =	shalt  }
0x6e: {  	_ =	shalt  }
0x6f: {  	_ =	shalt  }
0x70: {  	_ =	shalt  }
0x71: {  	_ =	shalt  }
0x72: {  	_ =	shalt  }
0x73: {  	_ =	shalt  }
0x74: {  	_ =	shalt  }
0x75: {  	_ =	shalt  }
0x76: {  	_ =	shalt  }
0x77: {  	_ =	shalt  }
0x78: {  	_ =	shalt  }
0x79: {  	_ =	shalt  }
0x7a: {  	_ =	shalt  }
0x7b: {  	_ =	shalt  }
0x7c: {  	_ =	shalt  }
0x7d: {  	_ =	shalt  }
0x7e: {  	_ =	shalt  }
0x7f: {  	_ =	shalt  }
0x80: {  	_ =	shalt  }
0x81: {  	_ =	shalt  }
0x82: {  	_ =	shalt  }
0x83: {  	_ =	shalt  }
0x84: {  	_ =	shalt  }
0x85: {  	_ =	shalt  }
0x86: {  	_ =	shalt  }
0x87: {  	_ =	shalt  }
.Lfunc_end0:
.L_simem_size_0:
called_computation_lowered:
.L_overlay_start_0:
0x88: {  	s2 =	sld [smem:$0x3FD9]  }
0x89: {  	s3 =	sld [smem:$0x3FFE];
	_ =	sdelay $0x1  }
0x8a: {  	s1 =	srdreg.scid  }
0x8b: {  	s0 =	sand.u32 $0x1, s1  }
0x8c: {  	s16 =	sshll.u32 s0, $0xA;
	s2 =	sadd.s32 s3, s2  }
0x8d: {  	s2 =	sadd.s32 s2, s16  }
0x8e: {  	[smem:$0x3F9D] =	sst s2  }
0x8f: {  	_ = 	snop  }
0x90: {  	(tm) =	ssettm $0x1  }
0x91: {  	s17 =	sld [smem:$0x3FFB];
	_ =	sdelay $0x3  }
0x92: {  	_ =	strace s17  }
0x93: {  	s2 =	sld [smem:$0x3FFC];
	_ =	sdelay $0x3  }
0x94: {  	_ =	strace s2  }
0x95: {  	s2 =	sld [smem:$0x3FFD];
	_ =	sdelay $0x3  }
0x96: {  	_ =	strace s2  }
0x97: {  	_ =	strace $0x8FFFFFFF  }
0x98: {  	s18 =	sld [smem:$0x3FDB];
	_ =	sdelay $0x1  }
0x99: {  	s19 =	simm.s32 $_scs_section_size  }
0x9a: {  	s4 =	simm.s32 $_size__tile_overlayer_lowered;
	s5 =	simm.s32 $_tile_overlayer_lowered  }
0x9b: {  	s22 =	simm.s32 $0x1BFF;
	s21 =	sshll.u32 s5, $0x1;
	s2 =	sadd.s32 s19, s18  }
0x9c: {  	s6 =	simm.s32 $0x0;
	s20 =	sshll.u32 s4, $0x1;
	s4 =	sadd.s32 s21, s2  }
0x9d: {  	[timem:s6], [sflag:s22] =	dma.local [hbm:s4], s20  }
0x9e: {  	_ =	swait.ge [sflag:s22], s20  }
0x9f: {  	s3 =	ssub.s32 $0x0, s20;
	[sflag:s22] =	ssyncset.done $0x0  }
0xa0: {  	[sflag:s22] =	ssyncadd.s32 s3;
	_ =	sdelay $0x1  }
0xa1: {  	s23 =	simm.s32 $0x1B8B  }
0xa2: {  	_ =	swait.ge [sflag:s23], $0x1  }
0xa3: {  	[sflag:s23] =	ssyncset.done $0x0  }
0xa4: {  	s25 =	simm.s32 $0x1B8E;
	s24 =	sld [smem:$0x3FFE];
	[sflag:s23] =	ssyncadd.s32 $0xFFFFFFFF  }
0xa5: {  	s26 =	simm.s32 $execute0_lowered;
	[smem:$0x3FD2] =	sst s25  }
0xa6: {  	s4 =	sshll.u32 s26, $0x1;
	_ =	strace $0x80000046;
	[dreg:$0x1] =	wrdreg $0xFFFFFFFF  }
0xa7: {  	s28 =	simm.s32 $_size_execute0_lowered;
	s2 =	sadd.s32 s2, s4;
	[dreg:$0x0] =	wrdreg $0x0  }
0xa8: {  	s4 =	sshll.u32 s28, $0x1;
	[dreg:$0x2] =	wrdreg s2  }
0xa9: {  	[dreg:$0x3] =	wrdreg s4  }
0xaa: {  	[dreg:$0x4] =	wrdreg $0xC0  }
0xab: {  	_ =	task [dreg:s6], $0x5FFFF  }
0xac: {  	[dreg:$0x1] =	wrdreg $0xFFFFFFFF  }
0xad: {  	[dreg:$0x0] =	wrdreg $0x60  }
0xae: {  	[dreg:$0x2] =	wrdreg s24  }
0xaf: {  	[dreg:$0x3] =	wrdreg $0xA0000  }
0xb0: {  	[dreg:$0x4] =	wrdreg $0x140000  }
0xb1: {  	[dreg:$0x5] =	wrdreg $0x9  }
0xb2: {  	_ =	task.clear_ibuf [dreg:s6], $0x6FFFF;
	_ =	strace $0x90000046  }
0xb3: {  	s29 =	simm.s32 $0x9;
	_ =	strace $0x80000048  }
0xb4: {  	_ =	swait.ge [sflag:s29], $0x1  }
0xb5: {  	[sflag:s29] =	ssyncadd.s32 $0xFFFFFFFF  }
0xb6: {  	_ =	strace $0x90000048  }
0xb7: {  	_ =	sfence  }
0xb8: {  	s30 =	sld [smem:$0x0];
	_ =	sdelay $0x2  }
0xb9: {  	s31 =	sshll.u32 s1, $0xD;
	s1 =	sshrl.u32 s1, $0x2  }
0xba: {  	s3 =	sand.u32 $0x4000, s31;
	s1 =	sadd.s32 s1, s30  }
0xbb: {  	s0 =	sor.u32 s3, s0;
	s1 =	sshll.u32 s1, $0x11  }
0xbc: {  	s0 =	sor.u32 s1, s0  }
0xbd: {  	s0 =	sadd.s32 $0x8F2B, s0  }
0xbe: {  	[sflag:s0] =	ssyncadd.remote.s32 $0x1  }
0xbf: {  	_ =	sfence.sel $0xFFFF  }
0xc0: {  	[dreg:$0x0] =	wrdreg $0xFFFFFFFF;
	(pc) =	sbr.abs _section_cstart, $3  }
0xc1: {  	[dreg:$0x1] =	wrdreg $0xFFFFFFFF  }
0xc2: {  	_ =	task.clear_ibuf [dreg:s6], $0x2FFFF;
	_ =	strace $0x9FFFFFFF  }
0xc3: {  	(tm) =	ssettm $0x7FFFFFFF  }
tec
execute0_lowered:
.L_overlay_start_1:
0x0: {  	(tag) =	ssettag $0x1  }
0x1: {  	s0 =	rddreg [dreg:$0x0]  }
0x2: {  	s2 =	rddreg [dreg:$0x1]  }
0x3: {  	s3 =	rddreg [dreg:$0x2]  }
0x4: {  	s13 =	stileid.u32;
	s5 =	srdreg.scid;
	s4 =	simm.s32 $0x0  }
0x5: {  	s17 =	simm.s32 $0x1;
	s28 =	simm.s32 $0x8000;
	s29 =	simm.s32 $0x3  }
0x6: {  	s30 =	simm.s32 $0x4;
	s31 =	simm.s32 $0x5;
	s1 =	smul.u32 $0x9C40, s13  }
0x7: {  	s7 =	sand.u32 $0x1, s5;
	s8 =	smul.u32 $0xA000, s13;
	[smem:$0x7FF] =	sst s4  }
0x8: {  	s5 =	sadd.s32 $0x1AC00, s0;
	s6 =	sadd.s32 $0x6C00, s0;
	s12 =	sadd.s32 $0x42600, s0  }
0x9: {  	s21 =	sshll.u32 s13, $0x1;
	s22 =	sshll.u32 s13, $0x6;
	s13 =	simm.s32 $0x1F80  }
0xa: {  	s9 =	smul.u32 $0xA0000, s7;
	_ =	strace $0x80000047;
	s11 =	ssub.s32 $0x2, s7  }
0xb: {  	[dreg:$0x4] =	wrdreg s12;
	s7 =	sor.u32 s7, s21;
	s23 =	sor.u32 $0x1C01, s22  }
0xc: {  	[dreg:$0x5] =	wrdreg s22;
	s25 =	sor.u32 $0x1C02, s22;
	s21 =	simm.s32 $0x80  }
0xd: {  	s22 =	simm.s32 $0x2000;
	s12 =	simm.s32 $0x1F00;
	s18 =	sshrl.u32 s1, $0x3  }
0xe: {  	s19 =	sshrl.u32 s11, $0x1;
	[dreg:$0x6] =	wrdreg s23;
	s1 =	sadd.s32 s1, s3  }
0xf: {  	[dreg:$0xb] =	wrdreg s25;
	s23 =	simm.s32 $0x4000;
	s25 =	simm.s32 $0x6000  }
0x10: {  	s10 =	sadd.s32 s18, s0;
	s9 =	sadd.s32 s8, s9;
	s20 =	ssub.s32 s11, s19  }
0x11: {  	s8 =	sadd.s32 s8, s2;
	s11 =	smul.u32 $0x5000, s7;
	s26 =	sshrl.u32 s1, $0x3  }
0x12: {  	s18 =	simm.s32 $0x2;
	s19 =	simm.s32 $0x9;
	s1 =	simm.s32 $0x7  }
0x13: {  	s7 =	simm.s32 $0x8;
	s9 =	sshrl.u32 s9, $0x3;
	s10 =	sadd.s32 $0x2EC00, s10  }
0x14: {  	s24 =	smax.u32 s20, $0x1;
	s15 =	sshrl.u32 s8, $0x3;
	[dreg:$0xc] =	wrdreg s26  }
0x15: {  	s20 =	simm.s32 $0x1000;
	s26 =	simm.s32 $0x180;
	[dreg:$0x7] =	wrdreg s10  }
0x16: {  	s0 =	sadd.s32 s9, s0;
	[dreg:$0x9] =	wrdreg s24;
	s24 =	simm.s32 $0x100  }
0x17: {  	s9 =	simm.s32 $0x1E00;
	[dreg:$0xa] =	wrdreg s15;
	s0 =	sadd.s32 $0x43A00, s0  }
0x18: {  	s10 =	simm.s32 $0x1E80;
	[dreg:$0x8] =	wrdreg s0;
	s0 =	simm.s32 $0x6  }
.LBB2_1:
0x19: {  	s8 =	rddreg [dreg:$0x4]  }
0x1a: {  	s14 =	rddreg [dreg:$0x6]  }
0x1b: {  	[spmem:s15], [sflag:s14] =	dma.local [hbm:s8], $0x1400  }
0x1c: {  	s8 =	rddreg [dreg:$0x7]  }
0x1d: {  	s14 =	rddreg [dreg:$0xb]  }
0x1e: {  	s15 =	rddreg [dreg:$0xc]  }
0x1f: {  	[spmem:s15], [sflag:s14] =	dma.local [hbm:s8], $0x1388  }
0x20: {  	_ =	swait.ge [sflag:s17], $0x1400  }
0x21: {  	[sflag:s17] =	ssyncset.done $0x0  }
0x22: {  	[sflag:s17] =	ssyncadd.s32 $0xFFFFEC00  }
0x23: {  	_ =	swait.ge [sflag:s18], $0x1388  }
0x24: {  	[sflag:s18] =	ssyncset.done $0x0  }
0x25: {  	[sflag:s18] =	ssyncadd.s32 $0xFFFFEC78  }
0x26: {  	s15 =	simm.s32 $0x0;
	[bflag:$0x0] =	sbarrier.arrive $0xFFFF  }
.LBB2_2:
0x27: {  	s8 =	sshll.u32 s15, $0xC  }
0x28: {  	s8 =	sadd.s32 s11, s8  }
0x29: {  	s8 =	sshrl.u32 s8, $0x3  }
0x2a: {  	s14 =	simm.s32 $0x0;
	s16 =	sadd.s32 s5, s8  }
0x2b: {  	[tilespmem:s14], [sflag:$0x9] =	stream.linear.gather [hbm4b:s16+s14], $0x1000, $0x38;
	[tilespmem:$0x1DC40] =	vst v63  }
0x2c: {  	_ =	swait.ge [sflag:s19], $0x1000  }
0x2d: {  	[sflag:s19] =	ssyncset.done $0x0  }
0x2e: {  	s8 =	sadd.s32 s6, s8;
	[sflag:s19] =	ssyncadd.s32 $0xFFFFF000  }
0x2f: {  	[tilespmem:s20], [sflag:$0x9] =	stream.linear.gather [hbm4b:s8+s14], $0x1000, $0x38;
	[tilespmem:$0x1DC40] =	vst v63  }
0x30: {  	_ =	swait.ge [sflag:s19], $0x1000  }
0x31: {  	[sflag:s19] =	ssyncset.done $0x0  }
0x32: {  	[sflag:s19] =	ssyncadd.s32 $0xFFFFF000  }
0x33: {  	[tilespmem:s22], [sflag:$0x1] =	stream.indirect.gather [spmem:s3], $0x40, s14, s21, $0xb8;
	[tilespmem:$0x1DC40] =	vst v63  }
0x34: {  	_ = 	snop  }
0x35: {  	[tilespmem:s23], [sflag:$0x2] =	stream.indirect.gather [spmem:s3], $0x40, s21, s21, $0xb8;
	[tilespmem:$0x1DC40] =	vst v63  }
0x36: {  	_ = 	snop  }
0x37: {  	[tilespmem:s25], [sflag:$0x3] =	stream.indirect.gather [spmem:s3], $0x40, s24, s21, $0xb8;
	[tilespmem:$0x1DC40] =	vst v63  }
0x38: {  	_ = 	snop  }
0x39: {  	[tilespmem:s28], [sflag:$0x4] =	stream.indirect.gather [spmem:s3], $0x40, s26, s21, $0xb8;
	[tilespmem:$0x1DC40] =	vst v63  }
0x3a: {  	_ =	swait.ge [sflag:s17], $0x2000  }
0x3b: {  	[sflag:s17] =	ssyncset.done $0x0  }
0x3c: {  	s16 =	simm.s32 $0x1000;
	[sflag:s17] =	ssyncadd.s32 $0xFFFFE000  }
0x3d: {  	[spmem:s2] =	stream.indirect.scatter.add.f32 [tilespmem:s22], [sflag:$0x5], $0x40, s16, s21, $0xb8;
	[tilespmem:$0x1DC40] =	vst v63  }
0x3e: {  	_ =	swait.ge [sflag:s18], $0x2000  }
0x3f: {  	[sflag:s18] =	ssyncset.done $0x0  }
0x40: {  	s14 =	simm.s32 $0x1080;
	[sflag:s18] =	ssyncadd.s32 $0xFFFFE000  }
0x41: {  	[spmem:s2] =	stream.indirect.scatter.add.f32 [tilespmem:s23], [sflag:$0x6], $0x40, s14, s21, $0xb8;
	[tilespmem:$0x1DC40] =	vst v63  }
0x42: {  	_ =	swait.ge [sflag:s29], $0x2000  }
0x43: {  	[sflag:s29] =	ssyncset.done $0x0  }
0x44: {  	s16 =	simm.s32 $0x1100;
	[sflag:s29] =	ssyncadd.s32 $0xFFFFE000  }
0x45: {  	[spmem:s2] =	stream.indirect.scatter.add.f32 [tilespmem:s25], [sflag:$0x7], $0x40, s16, s21, $0xb8;
	[tilespmem:$0x1DC40] =	vst v63  }
0x46: {  	_ =	swait.ge [sflag:s30], $0x2000  }
0x47: {  	[sflag:s30] =	ssyncset.done $0x0  }
0x48: {  	s14 =	simm.s32 $0x1180;
	[sflag:s30] =	ssyncadd.s32 $0xFFFFE000  }
0x49: {  	[spmem:s2] =	stream.indirect.scatter.add.f32 [tilespmem:s28], [sflag:$0x8], $0x40, s14, s21, $0xb8;
	[tilespmem:$0x1DC40] =	vst v63  }
0x4a: {  	_ =	swait.ge [sflag:s31], $0x2000  }
0x4b: {  	[sflag:s31] =	ssyncset.done $0x0  }
0x4c: {  	s16 =	simm.s32 $0x200;
	[sflag:s31] =	ssyncadd.s32 $0xFFFFE000  }
0x4d: {  	[tilespmem:s22], [sflag:$0x1] =	stream.indirect.gather [spmem:s3], $0x40, s16, s21, $0xb8;
	[tilespmem:$0x1DC40] =	vst v63  }
0x4e: {  	_ =	swait.ge [sflag:s0], $0x2000  }
0x4f: {  	[sflag:s0] =	ssyncset.done $0x0  }
0x50: {  	s14 =	simm.s32 $0x280;
	[sflag:s0] =	ssyncadd.s32 $0xFFFFE000  }
0x51: {  	[tilespmem:s23], [sflag:$0x2] =	stream.indirect.gather [spmem:s3], $0x40, s14, s21, $0xb8;
	[tilespmem:$0x1DC40] =	vst v63  }
0x52: {  	_ =	swait.ge [sflag:s1], $0x2000  }
0x53: {  	[sflag:s1] =	ssyncset.done $0x0  }
0x54: {  	s16 =	simm.s32 $0x300;
	[sflag:s1] =	ssyncadd.s32 $0xFFFFE000  }
0x55: {  	[tilespmem:s25], [sflag:$0x3] =	stream.indirect.gather [spmem:s3], $0x40, s16, s21, $0xb8;
	[tilespmem:$0x1DC40] =	vst v63  }
0x56: {  	_ =	swait.ge [sflag:s7], $0x2000  }
0x57: {  	[sflag:s7] =	ssyncset.done $0x0  }
0x58: {  	s8 =	simm.s32 $0x380;
	s16 =	simm.s32 $0x800;
	[sflag:s7] =	ssyncadd.s32 $0xFFFFE000  }
.LBB2_3:
0x59: {  	[tilespmem:s28], [sflag:$0x4] =	stream.indirect.gather [spmem:s3], $0x40, s8, s21, $0xb8;
	[tilespmem:$0x1DC40] =	vst v63  }
0x5a: {  	s8 =	smov.u32 s16  }
0x5b: {  	p0 =	sne.s32 s16, $0x3000;
	s16 =	sadd.s32 $0x800, s16;
	_ =	swait.ge [sflag:s17], $0x2000  }
0x5c: {  	s8 =	sshra.s32 s8, $0x2;
	[sflag:s17] =	ssyncset.done $0x0  }
0x5d: {  	s14 =	sadd.s32 $0x1000, s8;
	[sflag:s17] =	ssyncadd.s32 $0xFFFFE000  }
0x5e: {  	[spmem:s2] =	stream.indirect.scatter.add.f32 [tilespmem:s22], [sflag:$0x5], $0x40, s14, s21, $0xb8;
	[tilespmem:$0x1DC40] =	vst v63  }
0x5f: {  	_ =	swait.ge [sflag:s18], $0x2000  }
0x60: {  	[sflag:s18] =	ssyncset.done $0x0  }
0x61: {  	s14 =	sadd.s32 $0x1080, s8;
	[sflag:s18] =	ssyncadd.s32 $0xFFFFE000  }
0x62: {  	[spmem:s2] =	stream.indirect.scatter.add.f32 [tilespmem:s23], [sflag:$0x6], $0x40, s14, s21, $0xb8;
	[tilespmem:$0x1DC40] =	vst v63  }
0x63: {  	_ =	swait.ge [sflag:s29], $0x2000  }
0x64: {  	[sflag:s29] =	ssyncset.done $0x0  }
0x65: {  	s14 =	sadd.s32 $0x1100, s8;
	[sflag:s29] =	ssyncadd.s32 $0xFFFFE000  }
0x66: {  	[spmem:s2] =	stream.indirect.scatter.add.f32 [tilespmem:s25], [sflag:$0x7], $0x40, s14, s21, $0xb8;
	[tilespmem:$0x1DC40] =	vst v63  }
0x67: {  	_ =	swait.ge [sflag:s30], $0x2000  }
0x68: {  	[sflag:s30] =	ssyncset.done $0x0  }
0x69: {  	s14 =	sadd.s32 $0x1180, s8;
	[sflag:s30] =	ssyncadd.s32 $0xFFFFE000  }
0x6a: {  	[spmem:s2] =	stream.indirect.scatter.add.f32 [tilespmem:s28], [sflag:$0x8], $0x40, s14, s21, $0xb8;
	[tilespmem:$0x1DC40] =	vst v63  }
0x6b: {  	_ =	swait.ge [sflag:s31], $0x2000  }
0x6c: {  	[sflag:s31] =	ssyncset.done $0x0  }
0x6d: {  	s14 =	sadd.s32 $0x200, s8;
	[sflag:s31] =	ssyncadd.s32 $0xFFFFE000  }
0x6e: {  	[tilespmem:s22], [sflag:$0x1] =	stream.indirect.gather [spmem:s3], $0x40, s14, s21, $0xb8;
	[tilespmem:$0x1DC40] =	vst v63  }
0x6f: {  	_ =	swait.ge [sflag:s0], $0x2000  }
0x70: {  	[sflag:s0] =	ssyncset.done $0x0  }
0x71: {  	s14 =	sadd.s32 $0x280, s8;
	[sflag:s0] =	ssyncadd.s32 $0xFFFFE000  }
0x72: {  	[tilespmem:s23], [sflag:$0x2] =	stream.indirect.gather [spmem:s3], $0x40, s14, s21, $0xb8;
	[tilespmem:$0x1DC40] =	vst v63  }
0x73: {  	_ =	swait.ge [sflag:s1], $0x2000  }
0x74: {  	[sflag:s1] =	ssyncset.done $0x0  }
.Ltmp0:
0x75: {  	s14 =	sadd.s32 $0x300, s8;
	[sflag:s1] =	ssyncadd.s32 $0xFFFFE000;
	(pc) =	sbr.rel @p0 .LBB2_3-.Ltmp0, $4  }
0x76: {  	[tilespmem:s25], [sflag:$0x3] =	stream.indirect.gather [spmem:s3], $0x40, s14, s21, $0xb8;
	[tilespmem:$0x1DC40] =	vst v63  }
0x77: {  	_ =	swait.ge [sflag:s7], $0x2000  }
0x78: {  	[sflag:s7] =	ssyncset.done $0x0  }
0x79: {  	s8 =	sadd.s32 $0x380, s8;
	[sflag:s7] =	ssyncadd.s32 $0xFFFFE000  }
0x7a: {  	[tilespmem:s28], [sflag:$0x4] =	stream.indirect.gather [spmem:s3], $0x40, s8, s21, $0xb8;
	[tilespmem:$0x1DC40] =	vst v63  }
0x7b: {  	_ =	swait.ge [sflag:s17], $0x2000  }
0x7c: {  	[sflag:s17] =	ssyncset.done $0x0  }
0x7d: {  	[sflag:s17] =	ssyncadd.s32 $0xFFFFE000  }
0x7e: {  	[spmem:s2] =	stream.indirect.scatter.add.f32 [tilespmem:s22], [sflag:$0x5], $0x40, s9, s21, $0xb8;
	[tilespmem:$0x1DC40] =	vst v63  }
0x7f: {  	_ =	swait.ge [sflag:s18], $0x2000  }
0x80: {  	[sflag:s18] =	ssyncset.done $0x0  }
0x81: {  	[sflag:s18] =	ssyncadd.s32 $0xFFFFE000  }
0x82: {  	[spmem:s2] =	stream.indirect.scatter.add.f32 [tilespmem:s23], [sflag:$0x6], $0x40, s10, s21, $0xb8;
	[tilespmem:$0x1DC40] =	vst v63  }
0x83: {  	_ =	swait.ge [sflag:s29], $0x2000  }
0x84: {  	[sflag:s29] =	ssyncset.done $0x0  }
0x85: {  	[sflag:s29] =	ssyncadd.s32 $0xFFFFE000  }
0x86: {  	[spmem:s2] =	stream.indirect.scatter.add.f32 [tilespmem:s25], [sflag:$0x7], $0x40, s12, s21, $0xb8;
	[tilespmem:$0x1DC40] =	vst v63  }
0x87: {  	_ =	swait.ge [sflag:s30], $0x2000  }
0x88: {  	[sflag:s30] =	ssyncset.done $0x0  }
0x89: {  	[sflag:s30] =	ssyncadd.s32 $0xFFFFE000  }
0x8a: {  	[spmem:s2] =	stream.indirect.scatter.add.f32 [tilespmem:s28], [sflag:$0x8], $0x40, s13, s21, $0xb8;
	[tilespmem:$0x1DC40] =	vst v63  }
0x8b: {  	_ =	swait.ge [sflag:s31], $0x2000  }
0x8c: {  	[sflag:s31] =	ssyncset.done $0x0  }
0x8d: {  	[sflag:s31] =	ssyncadd.s32 $0xFFFFE000  }
0x8e: {  	_ =	swait.ge [sflag:s0], $0x2000  }
0x8f: {  	[sflag:s0] =	ssyncset.done $0x0  }
0x90: {  	s15 =	sadd.s32 $0x1, s15;
	[sflag:s0] =	ssyncadd.s32 $0xFFFFE000  }
0x91: {  	p0 =	sne.s32 s15, $0x5;
	_ =	swait.ge [sflag:s1], $0x2000  }
.Ltmp1:
0x92: {  	[sflag:s1] =	ssyncset.done $0x0;
	(pc) =	sbr.rel @p0 .LBB2_2-.Ltmp1, $4  }
0x93: {  	[sflag:s1] =	ssyncadd.s32 $0xFFFFE000  }
0x94: {  	_ =	swait.ge [sflag:s7], $0x2000  }
0x95: {  	[sflag:s7] =	ssyncset.done $0x0  }
0x96: {  	[sflag:s7] =	ssyncadd.s32 $0xFFFFE000  }
0x97: {  	[bflag:$0x0] =	sbarrier.arrive $0xFFFF  }
0x98: {  	s8 =	rddreg [dreg:$0x5]  }
0x99: {  	s14 =	rddreg [dreg:$0x8]  }
0x9a: {  	s15 =	rddreg [dreg:$0xa];
	s8 =	sor.u32 $0x1C09, s8  }
0x9b: {  	[hbm:s14], [sflag:s8] =	dma.local [spmem:s15], $0x1400  }
0x9c: {  	_ =	swait.ge [sflag:s19], $0x1400  }
0x9d: {  	s4 =	sadd.s32 $0x1, s4;
	s16 =	rddreg [dreg:$0x9]  }
0x9e: {  	p0 =	sne.s32 s4, s16  }
.Ltmp2:
0x9f: {  	_ = 	snop;
	(pc) =	sbr.rel @p0 .LBB2_1-.Ltmp2, $3  }
0xa0: {  	_ =	sdelay $0x1  }
0xa1: {  	[sflag:s19] =	ssyncset.done $0x0  }
0xa2: {  	[sflag:s19] =	ssyncadd.s32 $0xFFFFEC00  }
0xa3: {  	_ =	sfence.sel $0x180000  }
0xa4: {  	[bflag:$0x0] =	sbarrier.arrive $0xFFFF  }
0xa5: {  	_ =	strace $0x90000047  }
0xa6: {  	s0 =	stileid.u32;
	[bflag:$0x2] =	sbarrier.arrive $0xFFFF  }
0xa7: {  	p0 =	sne.s32 s0, $0x0;
	s0 =	rddreg [dreg:$0x3]  }
0xa8: {  	s0 =	sadd.s32 @!p0 $0x100000, s0  }
0xa9: {  	[sflag:s0] =	ssyncadd.tile.s32 @!p0 $0x1;
	_ =	shalt  }
.Lfunc_end2:
_tile_overlayer_lowered:
.L_overlay_start_2:
0xaa: {  	(tag) =	ssettag $0x2  }
0xab: {  	s0 =	rddreg [dreg:$0x0];
	s2 =	stileid.u32  }
0xac: {  	s1 =	rddreg [dreg:$0x1];
	p0 =	sne.s32 s2, $0x0  }
0xad: {  	s3 =	rddreg [dreg:$0x2];
	[bflag:$0x3] =	sbarrier.arrive $0xFFFF;
	s2 =	simm.s32 @!p0 $0x1C09  }
0xae: {  	[timem:s3], [sflag:s2] =	dma.local @!p0 [hbm:s0], s1  }
0xaf: {  	s0 =	simm.s32 @!p0 $0x9  }
0xb0: {  	_ =	swait.ge @!p0 [sflag:s0], s1  }
0xb1: {  	s1 =	ssub.s32 @!p0 $0x0, s1;
	[sflag:s0] =	ssyncset.done @!p0 $0x0  }
0xb2: {  	[sflag:s0] =	ssyncadd.s32 @!p0 s1  }
0xb3: {  	[bflag:$0x3] =	sbarrier.arrive $0xFFFF  }
0xb4: {  	_ =	shalt  }

</sc_bundles>
